<compile_context>
chip_gen: v7x
topology: tpu7x:2x2x1
jax: 0.10.2.dev20260603
libtpu: 0.0.44.dev20260713+nightly
codegen_flags: <defaults>
</compile_context>

<pallas_src>
import functools

import jax
import jax.numpy as jnp
from jax import lax
from jax.experimental import pallas as pl
from jax.experimental.pallas import tpu as pltpu
from jax.experimental.pallas import tpu_sc as plsc

N = 10000
E = 320000
D = 128
P = 10240

NC = 2
NS = 16
NW = NC * NS
EPW = E // NW

C = 128
NCH = (E // C) // NW
NREM = E // C - NCH * NW
EPW2 = NCH * C
RBASE = NW * EPW2
CD = 80
NCHD = EPW // CD
RPS = P // NS
ZR = 128

_BLK = 1000
_G = N // _BLK

_sc_mesh = plsc.VectorSubcoreMesh(
    core_axis_name="c", subcore_axis_name="s", num_cores=NC, num_subcores=NS
)



@functools.partial(
    pl.kernel,
    out_type=jax.ShapeDtypeStruct((NC, P), jnp.float32),
    mesh=_sc_mesh,
    scratch_types=[
        pltpu.VMEM((NCHD, CD), jnp.int32),
        pltpu.VMEM((CD,), jnp.float32),
        pltpu.VMEM_SHARED((P,), jnp.float32),
        pltpu.SemaphoreType.DMA,
    ],
)
def _deg_sc(dst_hbm, out_hbm, didx, ones, dacc, sem):
    cid = lax.axis_index("c")
    sid = lax.axis_index("s")
    wid = sid * NC + cid

    pltpu.sync_copy(dst_hbm.at[wid], didx)

    for j in range(CD // 16):
        ones[pl.ds(j * 16, 16)] = jnp.zeros((16,), jnp.float32)
    for k in range(RPS // CD):
        pltpu.sync_copy(ones, dacc.at[pl.ds(sid * RPS + k * CD, CD)])
    for j in range(CD // 16):
        ones[pl.ds(j * 16, 16)] = jnp.full((16,), 1.0, jnp.float32)
    plsc.subcore_barrier()

    def body(k, carry):
        pltpu.async_copy(ones, dacc.at[didx.at[k]], sem, add=True)
        return carry

    lax.fori_loop(0, NCHD, body, 0)

    def drain(k, carry):
        pltpu.make_async_copy(ones, dacc.at[didx.at[0]], sem).wait()
        return carry

    lax.fori_loop(0, NCHD, drain, 0)
    plsc.subcore_barrier()
    sl = pl.ds(sid * RPS, RPS)
    pltpu.sync_copy(dacc.at[sl], out_hbm.at[cid, sl])


@functools.partial(
    pl.kernel,
    out_type=jax.ShapeDtypeStruct((NC, P, D), jnp.float32),
    mesh=_sc_mesh,
    scratch_types=[
        pltpu.VMEM((C,), jnp.int32),
        pltpu.VMEM((C,), jnp.int32),
        pltpu.VMEM((C,), jnp.int32),
        pltpu.VMEM((C,), jnp.int32),
        pltpu.VMEM((C,), jnp.int32),
        pltpu.VMEM((C,), jnp.int32),
        pltpu.VMEM((C,), jnp.int32),
        pltpu.VMEM((C,), jnp.int32),
        pltpu.VMEM((C, D), jnp.float32),
        pltpu.VMEM((C, D), jnp.float32),
        pltpu.VMEM_SHARED((P, D), jnp.float32),
        pltpu.SemaphoreType.DMA,
        pltpu.SemaphoreType.DMA,
        pltpu.SemaphoreType.DMA,
        pltpu.SemaphoreType.DMA,
        pltpu.SemaphoreType.DMA,
        pltpu.SemaphoreType.DMA,
        pltpu.SemaphoreType.DMA,
        pltpu.SemaphoreType.DMA,
    ],
)
def _gs_sc(tab_hbm, src_hbm, dst_hbm, out_hbm,
           s0, d0, s1, d1, s2, d2, s3, d3, r0, r1, acc,
           i0, i1, i2, i3, g0, g1, ss0, ss1):
    cid = lax.axis_index("c")
    sid = lax.axis_index("s")
    wid = sid * NC + cid
    SX, DX, IX = (s0, s1, s2, s3), (d0, d1, d2, d3), (i0, i1, i2, i3)
    RX, GX, SS = (r0, r1), (g0, g1), (ss0, ss1)

    ebase = wid * EPW2

    def ldidx(off, q):
        pltpu.async_copy(src_hbm.at[pl.ds(off, C)], SX[q], IX[q])
        pltpu.async_copy(dst_hbm.at[pl.ds(off, C)], DX[q], IX[q])

    def wtidx(q):
        pltpu.make_async_copy(src_hbm.at[pl.ds(0, C)], SX[q], IX[q]).wait()
        pltpu.make_async_copy(dst_hbm.at[pl.ds(0, C)], DX[q], IX[q]).wait()

    def gwait(p):
        pltpu.make_async_copy(tab_hbm.at[s0], RX[p], GX[p]).wait()

    def scwait(p):
        pltpu.make_async_copy(RX[p], acc.at[d0], SS[p]).wait()

    ldidx(ebase, 0)
    ldidx(ebase + C, 1)
    ldidx(ebase + 2 * C, 2)

    z16 = jnp.zeros((16,), jnp.float32)

    def zrow(i, carry):
        for j in range(D // 16):
            r0[i, pl.ds(j * 16, 16)] = z16
        return carry

    lax.fori_loop(0, C, zrow, 0)
    for k in range(RPS // C):
        pltpu.async_copy(r0, acc.at[pl.ds(sid * RPS + k * C, C)], g1)
    for k in range(RPS // C):
        pltpu.make_async_copy(r0, acc.at[pl.ds(0, C)], g1).wait()
    plsc.subcore_barrier()

    wtidx(0)
    pltpu.async_copy(tab_hbm.at[s0], r0, g0)

    def substep(cg, p, q, first, do_ld):
        q1 = (q + 1) % 4
        wtidx(q1)
        if not first:
            scwait(1 - p)
        pltpu.async_copy(tab_hbm.at[SX[q1]], RX[1 - p], GX[1 - p])
        gwait(p)
        pltpu.async_copy(RX[p], acc.at[DX[q]], SS[p], add=True)
        if do_ld is not None:
            off = ebase + (cg + 2) * C
            if do_ld is True:
                ldidx(off, (q + 3) % 4)
            else:
                @pl.when(do_ld)
                def _():
                    ldidx(off, (q + 3) % 4)

    def body(t, carry):
        c = 4 * t
        substep(c + 1, 0, 0, False, True)
        substep(c + 2, 1, 1, False, True)
        substep(c + 3, 0, 2, False, True)
        substep(c + 4, 1, 3, False, t < (NCH - 4) // 4)
        return carry

    substep(1, 0, 0, True, True)
    substep(2, 1, 1, False, True)
    substep(3, 0, 2, False, True)
    substep(4, 1, 3, False, True)

    def body_shifted(t, carry):
        return body(t + 1, carry)

    lax.fori_loop(0, (NCH - 4) // 4, body_shifted, 0)
    wtidx(1)
    scwait(1)
    pltpu.async_copy(tab_hbm.at[SX[1]], RX[1], GX[1])
    gwait(0)
    pltpu.async_copy(RX[0], acc.at[DX[0]], SS[0], add=True)
    gwait(1)
    pltpu.async_copy(RX[1], acc.at[DX[1]], SS[1], add=True)
    scwait(0)
    scwait(1)

    @pl.when(wid < NREM)
    def _():
        ldidx(RBASE + wid * C, 2)
        wtidx(2)
        pltpu.async_copy(tab_hbm.at[s2], r0, g0)
        gwait(0)
        pltpu.sync_copy(r0, acc.at[d2], add=True)

    plsc.subcore_barrier()
    for k in range(RPS // ZR):
        sl = pl.ds(sid * RPS + k * ZR, ZR)
        pltpu.sync_copy(acc.at[sl], out_hbm.at[cid, sl])



def _dinv(dp_ref):
    d = dp_ref[0] + dp_ref[1]
    return lax.rsqrt(jnp.maximum(d, 1.0))


def _prep_body(x_ref, w_ref, dp_ref, o_ref):
    o_ref[:] = jnp.dot(x_ref[:], w_ref[:],
                       preferred_element_type=jnp.float32) * _dinv(dp_ref)


_prep_tc = pl.pallas_call(
    _prep_body,
    grid=(_G,),
    in_specs=[
        pl.BlockSpec((_BLK, D), lambda i: (i, 0)),
        pl.BlockSpec((D, D), lambda i: (0, 0)),
        pl.BlockSpec((NC, _BLK, 1), lambda i: (0, i, 0)),
    ],
    out_specs=pl.BlockSpec((_BLK, D), lambda i: (i, 0)),
    out_shape=jax.ShapeDtypeStruct((N, D), jnp.float32),
)


def _mid_body(p_ref, dp_ref, b_ref, w_ref, o_ref):
    v = _dinv(dp_ref)
    h = jnp.maximum((p_ref[0] + p_ref[1]) * v + b_ref[:], 0.0)
    o_ref[:] = jnp.dot(h, w_ref[:], preferred_element_type=jnp.float32) * v


_mid_tc = pl.pallas_call(
    _mid_body,
    grid=(_G,),
    in_specs=[
        pl.BlockSpec((NC, _BLK, D), lambda i: (0, i, 0)),
        pl.BlockSpec((NC, _BLK, 1), lambda i: (0, i, 0)),
        pl.BlockSpec((1, D), lambda i: (0, 0)),
        pl.BlockSpec((D, D), lambda i: (0, 0)),
    ],
    out_specs=pl.BlockSpec((_BLK, D), lambda i: (i, 0)),
    out_shape=jax.ShapeDtypeStruct((N, D), jnp.float32),
)


def _fin_body(q_ref, dp_ref, b_ref, o_ref):
    o_ref[:] = (q_ref[0] + q_ref[1]) * _dinv(dp_ref) + b_ref[:]


_fin_tc = pl.pallas_call(
    _fin_body,
    grid=(_G,),
    in_specs=[
        pl.BlockSpec((NC, _BLK, D), lambda i: (0, i, 0)),
        pl.BlockSpec((NC, _BLK, 1), lambda i: (0, i, 0)),
        pl.BlockSpec((1, D), lambda i: (0, 0)),
    ],
    out_specs=pl.BlockSpec((_BLK, D), lambda i: (i, 0)),
    out_shape=jax.ShapeDtypeStruct((N, D), jnp.float32),
)



def kernel(x, edge_index, W1, b1, W2, b2):
    src = edge_index[0]
    dst = edge_index[1]
    dst3 = dst.reshape(NW, NCHD, CD)

    degp = _deg_sc(dst3).reshape(NC, P, 1)
    t1 = _prep_tc(x, W1, degp)
    p = _gs_sc(t1, src, dst)
    t2 = _mid_tc(p, degp, b1.reshape(1, D), W2)
    q = _gs_sc(t2, src, dst)
    return _fin_tc(q, degp, b2.reshape(1, D))

# --- scband reference (transcript-rebuilt; emitter-appended) ---
"""Pipeline reference for scband-gcn-76364518523263 (READ-ONLY COPY).

The authoritative reference and input builder live on the scoring server;
editing this copy changes nothing except your own understanding.
"""

import jax, jax.numpy as jnp
import numpy as np

N = 10000
E = 320000
D_IN = 128
D_HID = 128
D_OUT = 128

def setup_inputs(seed: int = 0) -> dict:
    key = jax.random.key(seed)
    k0, k1, k2, k3, k4, k5 = jax.random.split(key, 6)
    x = jax.random.normal(k0, (N, D_IN), dtype=jnp.float32)
    edge_index = jax.random.randint(k1, (2, E), 0, N, dtype=jnp.int32)
    W1 = jax.random.normal(k2, (D_IN, D_HID), dtype=jnp.float32) * (1.0 / np.sqrt(D_IN))
    b1 = jnp.zeros((D_HID,), dtype=jnp.float32)
    W2 = jax.random.normal(k3, (D_HID, D_OUT), dtype=jnp.float32) * (1.0 / np.sqrt(D_HID))
    b2 = jnp.zeros((D_OUT,), dtype=jnp.float32)
    return {"x": x, "edge_index": edge_index, "W1": W1, "b1": b1, "W2": W2, "b2": b2}

def reference(x, edge_index, W1, b1, W2, b2):
    src = edge_index[0]
    dst = edge_index[1]
    ones = jnp.ones((src.shape[0],), dtype=jnp.float32)
    deg = jax.ops.segment_sum(ones, dst, num_segments=N)
    deg = jnp.clip(deg, 1.0, None)
    dinv = 1.0 / jnp.sqrt(deg)
    norm = dinv[src] * dinv[dst]

    def gcn_conv(h, W, b):
        h = h @ W
        msg = h[src] * norm[:, None]
        agg = jax.ops.segment_sum(msg, dst, num_segments=N)
        return agg + b

    h = jax.nn.relu(gcn_conv(x, W1, b1))
    out = gcn_conv(h, W2, b2)
    return out

if __name__ == "__main__":
    import jax
    _d = setup_inputs()
    print(jax.jit(kernel)(*tuple(_d.values())))

</pallas_src>

<mosaic_0001>
#map = affine_map<(d0, d1) -> (0, 0, 0)>
#map1 = affine_map<(d0, d1) -> (0, 0)>
module attributes {stable_mosaic.version = 14 : i64} {
  func.func @_deg_sc(%arg0: i32, %arg1: i32, %arg2: memref<32x125x80xi32, #tpu.memory_space<hbm>>, %arg3: memref<2x10240xf32, #tpu.memory_space<hbm>>, %arg4: memref<125x80xi32, #tpu.memory_space<vmem>>, %arg5: memref<80xf32, #tpu.memory_space<vmem>>, %arg6: memref<10240xf32, #tpu.memory_space<vmem_shared>>, %arg7: memref<!tpu.dma_semaphore, #tpu.memory_space<semaphore_mem>>) attributes {dimension_semantics = [#tpu.dimension_semantics<core_parallel>, #tpu.dimension_semantics<subcore_parallel>], iteration_bounds = array<i64: 2, 16>, scalar_prefetch = 0 : i64, scratch_operands = 4 : i64, tpu.core_type = #tpu.core_type<sc_vector_subcore>, window_params = [{transform_indices = #map}, {transform_indices = #map1}]} {
    %mul3A = arith.constant 2 : i32
    %mul3A_0 = arith.muli %arg1, %mul3A : i32
    %add3A = arith.addi %mul3A_0, %arg0 : i32
    "tpu.region"() ({
      %run_scoped3A = tpu.sem_alloc : memref<!tpu.dma_semaphore, #tpu.memory_space<semaphore_mem>>
      %dma_start3A = arith.constant 0 : i32
      %dma_start3A_105 = arith.constant 0 : i32
      %dma_start3A_106 = tpu.memref_slice %arg2[%add3A, %dma_start3A, %dma_start3A_105] : memref<32x125x80xi32, #tpu.memory_space<hbm>> -> memref<1x125x80xi32, #tpu.memory_space<hbm>>
      %dma_start3A_107 = tpu.memref_squeeze %dma_start3A_106 : memref<1x125x80xi32, #tpu.memory_space<hbm>> -> memref<125x80xi32, #tpu.memory_space<hbm>>
      %dma_start3A_108 = arith.constant 0 : i32
      %dma_start3A_109 = arith.constant 0 : i32
      %dma_start3A_110 = tpu.memref_slice %arg2[%add3A, %dma_start3A_108, %dma_start3A_109] : memref<32x125x80xi32, #tpu.memory_space<hbm>> -> memref<1x125x80xi32, #tpu.memory_space<hbm>>
      %dma_start3A_111 = tpu.memref_squeeze %dma_start3A_110 : memref<1x125x80xi32, #tpu.memory_space<hbm>> -> memref<125x80xi32, #tpu.memory_space<hbm>>
      tpu.enqueue_dma source(%dma_start3A_111 : memref<125x80xi32, #tpu.memory_space<hbm>>) target(%arg4 : memref<125x80xi32, #tpu.memory_space<vmem>>) target_semaphore(%run_scoped3A : memref<!tpu.dma_semaphore, #tpu.memory_space<semaphore_mem>>)
      %dma_wait3A = arith.constant 0 : i32
      %dma_wait3A_112 = arith.constant 0 : i32
      %dma_wait3A_113 = tpu.memref_slice %arg2[%add3A, %dma_wait3A, %dma_wait3A_112] : memref<32x125x80xi32, #tpu.memory_space<hbm>> -> memref<1x125x80xi32, #tpu.memory_space<hbm>>
      %dma_wait3A_114 = tpu.memref_squeeze %dma_wait3A_113 : memref<1x125x80xi32, #tpu.memory_space<hbm>> -> memref<125x80xi32, #tpu.memory_space<hbm>>
      %dma_wait3A_115 = arith.constant 0 : i32
      %dma_wait3A_116 = arith.constant 0 : i32
      %dma_wait3A_117 = tpu.memref_slice %arg2[%add3A, %dma_wait3A_115, %dma_wait3A_116] : memref<32x125x80xi32, #tpu.memory_space<hbm>> -> memref<1x125x80xi32, #tpu.memory_space<hbm>>
      %dma_wait3A_118 = tpu.memref_squeeze %dma_wait3A_117 : memref<1x125x80xi32, #tpu.memory_space<hbm>> -> memref<125x80xi32, #tpu.memory_space<hbm>>
      tpu.wait_dma2 semaphore(%run_scoped3A : memref<!tpu.dma_semaphore, #tpu.memory_space<semaphore_mem>>) src(%dma_wait3A_118 : memref<125x80xi32, #tpu.memory_space<hbm>>) dst(%arg4 : memref<125x80xi32, #tpu.memory_space<vmem>>)
      tpu.yield
    }) : () -> ()
    %broadcast_in_dim3A = arith.constant 0.000000e+00 : f32
    %broadcast_in_dim3A_1 = vector.broadcast %broadcast_in_dim3A : f32 to vector<16xf32>
    %swap3A = arith.constant 0 : index
    %swap3A_2 = tpu.vector_load %arg5[%swap3A] {strides = array<i32>} : memref<80xf32, #tpu.memory_space<vmem>>, vector<16xf32>,
    %swap3A_3 = vector.shape_cast %swap3A_2 : vector<16xf32> to vector<16xf32>
    %swap3A_4 = vector.shape_cast %broadcast_in_dim3A_1 : vector<16xf32> to vector<16xf32>
    tpu.vector_store %arg5[%swap3A], %swap3A_4 {strides = array<i32>} : memref<80xf32, #tpu.memory_space<vmem>>, vector<16xf32>,
    %broadcast_in_dim3A_5 = arith.constant 0.000000e+00 : f32
    %broadcast_in_dim3A_6 = vector.broadcast %broadcast_in_dim3A_5 : f32 to vector<16xf32>
    %swap3A_7 = arith.constant 16 : index
    %swap3A_8 = tpu.vector_load %arg5[%swap3A_7] {strides = array<i32>} : memref<80xf32, #tpu.memory_space<vmem>>, vector<16xf32>,
    %swap3A_9 = vector.shape_cast %swap3A_8 : vector<16xf32> to vector<16xf32>
    %swap3A_10 = vector.shape_cast %broadcast_in_dim3A_6 : vector<16xf32> to vector<16xf32>
    tpu.vector_store %arg5[%swap3A_7], %swap3A_10 {strides = array<i32>} : memref<80xf32, #tpu.memory_space<vmem>>, vector<16xf32>,
    %broadcast_in_dim3A_11 = arith.constant 0.000000e+00 : f32
    %broadcast_in_dim3A_12 = vector.broadcast %broadcast_in_dim3A_11 : f32 to vector<16xf32>
    %swap3A_13 = arith.constant 32 : index
    %swap3A_14 = tpu.vector_load %arg5[%swap3A_13] {strides = array<i32>} : memref<80xf32, #tpu.memory_space<vmem>>, vector<16xf32>,
    %swap3A_15 = vector.shape_cast %swap3A_14 : vector<16xf32> to vector<16xf32>
    %swap3A_16 = vector.shape_cast %broadcast_in_dim3A_12 : vector<16xf32> to vector<16xf32>
    tpu.vector_store %arg5[%swap3A_13], %swap3A_16 {strides = array<i32>} : memref<80xf32, #tpu.memory_space<vmem>>, vector<16xf32>,
    %broadcast_in_dim3A_17 = arith.constant 0.000000e+00 : f32
    %broadcast_in_dim3A_18 = vector.broadcast %broadcast_in_dim3A_17 : f32 to vector<16xf32>
    %swap3A_19 = arith.constant 48 : index
    %swap3A_20 = tpu.vector_load %arg5[%swap3A_19] {strides = array<i32>} : memref<80xf32, #tpu.memory_space<vmem>>, vector<16xf32>,
    %swap3A_21 = vector.shape_cast %swap3A_20 : vector<16xf32> to vector<16xf32>
    %swap3A_22 = vector.shape_cast %broadcast_in_dim3A_18 : vector<16xf32> to vector<16xf32>
    tpu.vector_store %arg5[%swap3A_19], %swap3A_22 {strides = array<i32>} : memref<80xf32, #tpu.memory_space<vmem>>, vector<16xf32>,
    %broadcast_in_dim3A_23 = arith.constant 0.000000e+00 : f32
    %broadcast_in_dim3A_24 = vector.broadcast %broadcast_in_dim3A_23 : f32 to vector<16xf32>
    %swap3A_25 = arith.constant 64 : index
    %swap3A_26 = tpu.vector_load %arg5[%swap3A_25] {strides = array<i32>} : memref<80xf32, #tpu.memory_space<vmem>>, vector<16xf32>,
    %swap3A_27 = vector.shape_cast %swap3A_26 : vector<16xf32> to vector<16xf32>
    %swap3A_28 = vector.shape_cast %broadcast_in_dim3A_24 : vector<16xf32> to vector<16xf32>
    tpu.vector_store %arg5[%swap3A_25], %swap3A_28 {strides = array<i32>} : memref<80xf32, #tpu.memory_space<vmem>>, vector<16xf32>,
    %mul3A_29 = arith.constant 640 : i32
    %mul3A_30 = arith.muli %arg1, %mul3A_29 : i32
    %add3A_31 = arith.constant 0 : i32
    %add3A_32 = arith.addi %mul3A_30, %add3A_31 : i32
    "tpu.region"() ({
      %run_scoped3A = tpu.sem_alloc : memref<!tpu.dma_semaphore, #tpu.memory_space<semaphore_mem>>
      %dma_start3A = tpu.memref_slice %arg6[%add3A_32] : memref<10240xf32, #tpu.memory_space<vmem_shared>> -> memref<80xf32, #tpu.memory_space<vmem_shared>>
      %dma_start3A_105 = tpu.memref_slice %arg6[%add3A_32] : memref<10240xf32, #tpu.memory_space<vmem_shared>> -> memref<80xf32, #tpu.memory_space<vmem_shared>>
      tpu.enqueue_dma source(%arg5 : memref<80xf32, #tpu.memory_space<vmem>>) target(%dma_start3A_105 : memref<80xf32, #tpu.memory_space<vmem_shared>>) target_semaphore(%run_scoped3A : memref<!tpu.dma_semaphore, #tpu.memory_space<semaphore_mem>>)
      %dma_wait3A = tpu.memref_slice %arg6[%add3A_32] : memref<10240xf32, #tpu.memory_space<vmem_shared>> -> memref<80xf32, #tpu.memory_space<vmem_shared>>
      %dma_wait3A_106 = tpu.memref_slice %arg6[%add3A_32] : memref<10240xf32, #tpu.memory_space<vmem_shared>> -> memref<80xf32, #tpu.memory_space<vmem_shared>>
      tpu.wait_dma2 semaphore(%run_scoped3A : memref<!tpu.dma_semaphore, #tpu.memory_space<semaphore_mem>>) src(%arg5 : memref<80xf32, #tpu.memory_space<vmem>>) dst(%dma_wait3A_106 : memref<80xf32, #tpu.memory_space<vmem_shared>>)
      tpu.yield
    }) : () -> ()
    %mul3A_33 = arith.constant 640 : i32
    %mul3A_34 = arith.muli %arg1, %mul3A_33 : i32
    %add3A_35 = arith.constant 80 : i32
    %add3A_36 = arith.addi %mul3A_34, %add3A_35 : i32
    "tpu.region"() ({
      %run_scoped3A = tpu.sem_alloc : memref<!tpu.dma_semaphore, #tpu.memory_space<semaphore_mem>>
      %dma_start3A = tpu.memref_slice %arg6[%add3A_36] : memref<10240xf32, #tpu.memory_space<vmem_shared>> -> memref<80xf32, #tpu.memory_space<vmem_shared>>
      %dma_start3A_105 = tpu.memref_slice %arg6[%add3A_36] : memref<10240xf32, #tpu.memory_space<vmem_shared>> -> memref<80xf32, #tpu.memory_space<vmem_shared>>
      tpu.enqueue_dma source(%arg5 : memref<80xf32, #tpu.memory_space<vmem>>) target(%dma_start3A_105 : memref<80xf32, #tpu.memory_space<vmem_shared>>) target_semaphore(%run_scoped3A : memref<!tpu.dma_semaphore, #tpu.memory_space<semaphore_mem>>)
      %dma_wait3A = tpu.memref_slice %arg6[%add3A_36] : memref<10240xf32, #tpu.memory_space<vmem_shared>> -> memref<80xf32, #tpu.memory_space<vmem_shared>>
      %dma_wait3A_106 = tpu.memref_slice %arg6[%add3A_36] : memref<10240xf32, #tpu.memory_space<vmem_shared>> -> memref<80xf32, #tpu.memory_space<vmem_shared>>
      tpu.wait_dma2 semaphore(%run_scoped3A : memref<!tpu.dma_semaphore, #tpu.memory_space<semaphore_mem>>) src(%arg5 : memref<80xf32, #tpu.memory_space<vmem>>) dst(%dma_wait3A_106 : memref<80xf32, #tpu.memory_space<vmem_shared>>)
      tpu.yield
    }) : () -> ()
    %mul3A_37 = arith.constant 640 : i32
    %mul3A_38 = arith.muli %arg1, %mul3A_37 : i32
    %add3A_39 = arith.constant 160 : i32
    %add3A_40 = arith.addi %mul3A_38, %add3A_39 : i32
    "tpu.region"() ({
      %run_scoped3A = tpu.sem_alloc : memref<!tpu.dma_semaphore, #tpu.memory_space<semaphore_mem>>
      %dma_start3A = tpu.memref_slice %arg6[%add3A_40] : memref<10240xf32, #tpu.memory_space<vmem_shared>> -> memref<80xf32, #tpu.memory_space<vmem_shared>>
      %dma_start3A_105 = tpu.memref_slice %arg6[%add3A_40] : memref<10240xf32, #tpu.memory_space<vmem_shared>> -> memref<80xf32, #tpu.memory_space<vmem_shared>>
      tpu.enqueue_dma source(%arg5 : memref<80xf32, #tpu.memory_space<vmem>>) target(%dma_start3A_105 : memref<80xf32, #tpu.memory_space<vmem_shared>>) target_semaphore(%run_scoped3A : memref<!tpu.dma_semaphore, #tpu.memory_space<semaphore_mem>>)
      %dma_wait3A = tpu.memref_slice %arg6[%add3A_40] : memref<10240xf32, #tpu.memory_space<vmem_shared>> -> memref<80xf32, #tpu.memory_space<vmem_shared>>
      %dma_wait3A_106 = tpu.memref_slice %arg6[%add3A_40] : memref<10240xf32, #tpu.memory_space<vmem_shared>> -> memref<80xf32, #tpu.memory_space<vmem_shared>>
      tpu.wait_dma2 semaphore(%run_scoped3A : memref<!tpu.dma_semaphore, #tpu.memory_space<semaphore_mem>>) src(%arg5 : memref<80xf32, #tpu.memory_space<vmem>>) dst(%dma_wait3A_106 : memref<80xf32, #tpu.memory_space<vmem_shared>>)
      tpu.yield
    }) : () -> ()
    %mul3A_41 = arith.constant 640 : i32
    %mul3A_42 = arith.muli %arg1, %mul3A_41 : i32
    %add3A_43 = arith.constant 240 : i32
    %add3A_44 = arith.addi %mul3A_42, %add3A_43 : i32
    "tpu.region"() ({
      %run_scoped3A = tpu.sem_alloc : memref<!tpu.dma_semaphore, #tpu.memory_space<semaphore_mem>>
      %dma_start3A = tpu.memref_slice %arg6[%add3A_44] : memref<10240xf32, #tpu.memory_space<vmem_shared>> -> memref<80xf32, #tpu.memory_space<vmem_shared>>
      %dma_start3A_105 = tpu.memref_slice %arg6[%add3A_44] : memref<10240xf32, #tpu.memory_space<vmem_shared>> -> memref<80xf32, #tpu.memory_space<vmem_shared>>
      tpu.enqueue_dma source(%arg5 : memref<80xf32, #tpu.memory_space<vmem>>) target(%dma_start3A_105 : memref<80xf32, #tpu.memory_space<vmem_shared>>) target_semaphore(%run_scoped3A : memref<!tpu.dma_semaphore, #tpu.memory_space<semaphore_mem>>)
      %dma_wait3A = tpu.memref_slice %arg6[%add3A_44] : memref<10240xf32, #tpu.memory_space<vmem_shared>> -> memref<80xf32, #tpu.memory_space<vmem_shared>>
      %dma_wait3A_106 = tpu.memref_slice %arg6[%add3A_44] : memref<10240xf32, #tpu.memory_space<vmem_shared>> -> memref<80xf32, #tpu.memory_space<vmem_shared>>
      tpu.wait_dma2 semaphore(%run_scoped3A : memref<!tpu.dma_semaphore, #tpu.memory_space<semaphore_mem>>) src(%arg5 : memref<80xf32, #tpu.memory_space<vmem>>) dst(%dma_wait3A_106 : memref<80xf32, #tpu.memory_space<vmem_shared>>)
      tpu.yield
    }) : () -> ()
    %mul3A_45 = arith.constant 640 : i32
    %mul3A_46 = arith.muli %arg1, %mul3A_45 : i32
    %add3A_47 = arith.constant 320 : i32
    %add3A_48 = arith.addi %mul3A_46, %add3A_47 : i32
    "tpu.region"() ({
      %run_scoped3A = tpu.sem_alloc : memref<!tpu.dma_semaphore, #tpu.memory_space<semaphore_mem>>
      %dma_start3A = tpu.memref_slice %arg6[%add3A_48] : memref<10240xf32, #tpu.memory_space<vmem_shared>> -> memref<80xf32, #tpu.memory_space<vmem_shared>>
      %dma_start3A_105 = tpu.memref_slice %arg6[%add3A_48] : memref<10240xf32, #tpu.memory_space<vmem_shared>> -> memref<80xf32, #tpu.memory_space<vmem_shared>>
      tpu.enqueue_dma source(%arg5 : memref<80xf32, #tpu.memory_space<vmem>>) target(%dma_start3A_105 : memref<80xf32, #tpu.memory_space<vmem_shared>>) target_semaphore(%run_scoped3A : memref<!tpu.dma_semaphore, #tpu.memory_space<semaphore_mem>>)
      %dma_wait3A = tpu.memref_slice %arg6[%add3A_48] : memref<10240xf32, #tpu.memory_space<vmem_shared>> -> memref<80xf32, #tpu.memory_space<vmem_shared>>
      %dma_wait3A_106 = tpu.memref_slice %arg6[%add3A_48] : memref<10240xf32, #tpu.memory_space<vmem_shared>> -> memref<80xf32, #tpu.memory_space<vmem_shared>>
      tpu.wait_dma2 semaphore(%run_scoped3A : memref<!tpu.dma_semaphore, #tpu.memory_space<semaphore_mem>>) src(%arg5 : memref<80xf32, #tpu.memory_space<vmem>>) dst(%dma_wait3A_106 : memref<80xf32, #tpu.memory_space<vmem_shared>>)
      tpu.yield
    }) : () -> ()
    %mul3A_49 = arith.constant 640 : i32
    %mul3A_50 = arith.muli %arg1, %mul3A_49 : i32
    %add3A_51 = arith.constant 400 : i32
    %add3A_52 = arith.addi %mul3A_50, %add3A_51 : i32
    "tpu.region"() ({
      %run_scoped3A = tpu.sem_alloc : memref<!tpu.dma_semaphore, #tpu.memory_space<semaphore_mem>>
      %dma_start3A = tpu.memref_slice %arg6[%add3A_52] : memref<10240xf32, #tpu.memory_space<vmem_shared>> -> memref<80xf32, #tpu.memory_space<vmem_shared>>
      %dma_start3A_105 = tpu.memref_slice %arg6[%add3A_52] : memref<10240xf32, #tpu.memory_space<vmem_shared>> -> memref<80xf32, #tpu.memory_space<vmem_shared>>
      tpu.enqueue_dma source(%arg5 : memref<80xf32, #tpu.memory_space<vmem>>) target(%dma_start3A_105 : memref<80xf32, #tpu.memory_space<vmem_shared>>) target_semaphore(%run_scoped3A : memref<!tpu.dma_semaphore, #tpu.memory_space<semaphore_mem>>)
      %dma_wait3A = tpu.memref_slice %arg6[%add3A_52] : memref<10240xf32, #tpu.memory_space<vmem_shared>> -> memref<80xf32, #tpu.memory_space<vmem_shared>>
      %dma_wait3A_106 = tpu.memref_slice %arg6[%add3A_52] : memref<10240xf32, #tpu.memory_space<vmem_shared>> -> memref<80xf32, #tpu.memory_space<vmem_shared>>
      tpu.wait_dma2 semaphore(%run_scoped3A : memref<!tpu.dma_semaphore, #tpu.memory_space<semaphore_mem>>) src(%arg5 : memref<80xf32, #tpu.memory_space<vmem>>) dst(%dma_wait3A_106 : memref<80xf32, #tpu.memory_space<vmem_shared>>)
      tpu.yield
    }) : () -> ()
    %mul3A_53 = arith.constant 640 : i32
    %mul3A_54 = arith.muli %arg1, %mul3A_53 : i32
    %add3A_55 = arith.constant 480 : i32
    %add3A_56 = arith.addi %mul3A_54, %add3A_55 : i32
    "tpu.region"() ({
      %run_scoped3A = tpu.sem_alloc : memref<!tpu.dma_semaphore, #tpu.memory_space<semaphore_mem>>
      %dma_start3A = tpu.memref_slice %arg6[%add3A_56] : memref<10240xf32, #tpu.memory_space<vmem_shared>> -> memref<80xf32, #tpu.memory_space<vmem_shared>>
      %dma_start3A_105 = tpu.memref_slice %arg6[%add3A_56] : memref<10240xf32, #tpu.memory_space<vmem_shared>> -> memref<80xf32, #tpu.memory_space<vmem_shared>>
      tpu.enqueue_dma source(%arg5 : memref<80xf32, #tpu.memory_space<vmem>>) target(%dma_start3A_105 : memref<80xf32, #tpu.memory_space<vmem_shared>>) target_semaphore(%run_scoped3A : memref<!tpu.dma_semaphore, #tpu.memory_space<semaphore_mem>>)
      %dma_wait3A = tpu.memref_slice %arg6[%add3A_56] : memref<10240xf32, #tpu.memory_space<vmem_shared>> -> memref<80xf32, #tpu.memory_space<vmem_shared>>
      %dma_wait3A_106 = tpu.memref_slice %arg6[%add3A_56] : memref<10240xf32, #tpu.memory_space<vmem_shared>> -> memref<80xf32, #tpu.memory_space<vmem_shared>>
      tpu.wait_dma2 semaphore(%run_scoped3A : memref<!tpu.dma_semaphore, #tpu.memory_space<semaphore_mem>>) src(%arg5 : memref<80xf32, #tpu.memory_space<vmem>>) dst(%dma_wait3A_106 : memref<80xf32, #tpu.memory_space<vmem_shared>>)
      tpu.yield
    }) : () -> ()
    %mul3A_57 = arith.constant 640 : i32
    %mul3A_58 = arith.muli %arg1, %mul3A_57 : i32
    %add3A_59 = arith.constant 560 : i32
    %add3A_60 = arith.addi %mul3A_58, %add3A_59 : i32
    "tpu.region"() ({
      %run_scoped3A = tpu.sem_alloc : memref<!tpu.dma_semaphore, #tpu.memory_space<semaphore_mem>>
      %dma_start3A = tpu.memref_slice %arg6[%add3A_60] : memref<10240xf32, #tpu.memory_space<vmem_shared>> -> memref<80xf32, #tpu.memory_space<vmem_shared>>
      %dma_start3A_105 = tpu.memref_slice %arg6[%add3A_60] : memref<10240xf32, #tpu.memory_space<vmem_shared>> -> memref<80xf32, #tpu.memory_space<vmem_shared>>
      tpu.enqueue_dma source(%arg5 : memref<80xf32, #tpu.memory_space<vmem>>) target(%dma_start3A_105 : memref<80xf32, #tpu.memory_space<vmem_shared>>) target_semaphore(%run_scoped3A : memref<!tpu.dma_semaphore, #tpu.memory_space<semaphore_mem>>)
      %dma_wait3A = tpu.memref_slice %arg6[%add3A_60] : memref<10240xf32, #tpu.memory_space<vmem_shared>> -> memref<80xf32, #tpu.memory_space<vmem_shared>>
      %dma_wait3A_106 = tpu.memref_slice %arg6[%add3A_60] : memref<10240xf32, #tpu.memory_space<vmem_shared>> -> memref<80xf32, #tpu.memory_space<vmem_shared>>
      tpu.wait_dma2 semaphore(%run_scoped3A : memref<!tpu.dma_semaphore, #tpu.memory_space<semaphore_mem>>) src(%arg5 : memref<80xf32, #tpu.memory_space<vmem>>) dst(%dma_wait3A_106 : memref<80xf32, #tpu.memory_space<vmem_shared>>)
      tpu.yield
    }) : () -> ()
    %broadcast_in_dim3A_61 = arith.constant 1.000000e+00 : f32
    %broadcast_in_dim3A_62 = vector.broadcast %broadcast_in_dim3A_61 : f32 to vector<16xf32>
    %swap3A_63 = arith.constant 0 : index
    %swap3A_64 = tpu.vector_load %arg5[%swap3A_63] {strides = array<i32>} : memref<80xf32, #tpu.memory_space<vmem>>, vector<16xf32>,
    %swap3A_65 = vector.shape_cast %swap3A_64 : vector<16xf32> to vector<16xf32>
    %swap3A_66 = vector.shape_cast %broadcast_in_dim3A_62 : vector<16xf32> to vector<16xf32>
    tpu.vector_store %arg5[%swap3A_63], %swap3A_66 {strides = array<i32>} : memref<80xf32, #tpu.memory_space<vmem>>, vector<16xf32>,
    %broadcast_in_dim3A_67 = arith.constant 1.000000e+00 : f32
    %broadcast_in_dim3A_68 = vector.broadcast %broadcast_in_dim3A_67 : f32 to vector<16xf32>
    %swap3A_69 = arith.constant 16 : index
    %swap3A_70 = tpu.vector_load %arg5[%swap3A_69] {strides = array<i32>} : memref<80xf32, #tpu.memory_space<vmem>>, vector<16xf32>,
    %swap3A_71 = vector.shape_cast %swap3A_70 : vector<16xf32> to vector<16xf32>
    %swap3A_72 = vector.shape_cast %broadcast_in_dim3A_68 : vector<16xf32> to vector<16xf32>
    tpu.vector_store %arg5[%swap3A_69], %swap3A_72 {strides = array<i32>} : memref<80xf32, #tpu.memory_space<vmem>>, vector<16xf32>,
    %broadcast_in_dim3A_73 = arith.constant 1.000000e+00 : f32
    %broadcast_in_dim3A_74 = vector.broadcast %broadcast_in_dim3A_73 : f32 to vector<16xf32>
    %swap3A_75 = arith.constant 32 : index
    %swap3A_76 = tpu.vector_load %arg5[%swap3A_75] {strides = array<i32>} : memref<80xf32, #tpu.memory_space<vmem>>, vector<16xf32>,
    %swap3A_77 = vector.shape_cast %swap3A_76 : vector<16xf32> to vector<16xf32>
    %swap3A_78 = vector.shape_cast %broadcast_in_dim3A_74 : vector<16xf32> to vector<16xf32>
    tpu.vector_store %arg5[%swap3A_75], %swap3A_78 {strides = array<i32>} : memref<80xf32, #tpu.memory_space<vmem>>, vector<16xf32>,
    %broadcast_in_dim3A_79 = arith.constant 1.000000e+00 : f32
    %broadcast_in_dim3A_80 = vector.broadcast %broadcast_in_dim3A_79 : f32 to vector<16xf32>
    %swap3A_81 = arith.constant 48 : index
    %swap3A_82 = tpu.vector_load %arg5[%swap3A_81] {strides = array<i32>} : memref<80xf32, #tpu.memory_space<vmem>>, vector<16xf32>,
    %swap3A_83 = vector.shape_cast %swap3A_82 : vector<16xf32> to vector<16xf32>
    %swap3A_84 = vector.shape_cast %broadcast_in_dim3A_80 : vector<16xf32> to vector<16xf32>
    tpu.vector_store %arg5[%swap3A_81], %swap3A_84 {strides = array<i32>} : memref<80xf32, #tpu.memory_space<vmem>>, vector<16xf32>,
    %broadcast_in_dim3A_85 = arith.constant 1.000000e+00 : f32
    %broadcast_in_dim3A_86 = vector.broadcast %broadcast_in_dim3A_85 : f32 to vector<16xf32>
    %swap3A_87 = arith.constant 64 : index
    %swap3A_88 = tpu.vector_load %arg5[%swap3A_87] {strides = array<i32>} : memref<80xf32, #tpu.memory_space<vmem>>, vector<16xf32>,
    %swap3A_89 = vector.shape_cast %swap3A_88 : vector<16xf32> to vector<16xf32>
    %swap3A_90 = vector.shape_cast %broadcast_in_dim3A_86 : vector<16xf32> to vector<16xf32>
    tpu.vector_store %arg5[%swap3A_87], %swap3A_90 {strides = array<i32>} : memref<80xf32, #tpu.memory_space<vmem>>, vector<16xf32>,
    %barrier3A = arith.constant 0 : index
    tpu.barrier barrier_id(%barrier3A)
    %scan3A = arith.constant 0 : i32
    %scan3A_91 = arith.constant 0 : i32
    %scan3A_92 = arith.constant 125 : i32
    %scan3A_93 = arith.addi %scan3A_91, %scan3A_92 : i32
    %scan3A_94 = arith.constant 1 : i32
    scf.for %scan3A_105 = %scan3A_91 to %scan3A_93 step %scan3A_94  : i32 {
      %dma_start3A = arith.constant 0 : i32
      %dma_start3A_106 = tpu.memref_slice %arg4[%scan3A_105, %dma_start3A] : memref<125x80xi32, #tpu.memory_space<vmem>> -> memref<1x80xi32, #tpu.memory_space<vmem>>
      %dma_start3A_107 = tpu.memref_squeeze %dma_start3A_106 : memref<1x80xi32, #tpu.memory_space<vmem>> -> memref<80xi32, #tpu.memory_space<vmem>>
      %dma_start3A_108 = arith.constant 0 : i32
      %dma_start3A_109 = tpu.memref_slice %arg6[%dma_start3A_108] : memref<10240xf32, #tpu.memory_space<vmem_shared>> -> memref<10240xf32, #tpu.memory_space<vmem_shared>>
      tpu.enqueue_indirect_dma source(%arg5 : memref<80xf32, #tpu.memory_space<vmem>>) target(%dma_start3A_109 : memref<10240xf32, #tpu.memory_space<vmem_shared>>) offsets(%dma_start3A_107 : memref<80xi32, #tpu.memory_space<vmem>>) semaphore(%arg7 : memref<!tpu.dma_semaphore, #tpu.memory_space<semaphore_mem>>) {add = true}
    }
    %scan3A_95 = arith.constant 125 : i32
    %scan3A_96 = arith.constant 0 : i32
    %scan3A_97 = arith.constant 0 : i32
    %scan3A_98 = arith.constant 125 : i32
    %scan3A_99 = arith.addi %scan3A_97, %scan3A_98 : i32
    %scan3A_100 = arith.constant 1 : i32
    scf.for %scan3A_105 = %scan3A_97 to %scan3A_99 step %scan3A_100  : i32 {
      %dma_wait3A = arith.constant 0 : i32
      %dma_wait3A_106 = arith.constant 0 : i32
      %dma_wait3A_107 = tpu.memref_slice %arg4[%dma_wait3A, %dma_wait3A_106] : memref<125x80xi32, #tpu.memory_space<vmem>> -> memref<1x80xi32, #tpu.memory_space<vmem>>
      %dma_wait3A_108 = tpu.memref_squeeze %dma_wait3A_107 : memref<1x80xi32, #tpu.memory_space<vmem>> -> memref<80xi32, #tpu.memory_space<vmem>>
      %dma_wait3A_109 = arith.constant 0 : i32
      %dma_wait3A_110 = tpu.memref_slice %arg6[%dma_wait3A_109] : memref<10240xf32, #tpu.memory_space<vmem_shared>> -> memref<10240xf32, #tpu.memory_space<vmem_shared>>
      tpu.wait_indirect_dma semaphore(%arg7 : memref<!tpu.dma_semaphore, #tpu.memory_space<semaphore_mem>>) src(%arg5 : memref<80xf32, #tpu.memory_space<vmem>>) dst(%dma_wait3A_110 : memref<10240xf32, #tpu.memory_space<vmem_shared>>)
    }
    %scan3A_101 = arith.constant 125 : i32
    %barrier3A_102 = arith.constant 0 : index
    tpu.barrier barrier_id(%barrier3A_102)
    %mul3A_103 = arith.constant 640 : i32
    %mul3A_104 = arith.muli %arg1, %mul3A_103 : i32
    "tpu.region"() ({
      %run_scoped3A = tpu.sem_alloc : memref<!tpu.dma_semaphore, #tpu.memory_space<semaphore_mem>>
      %dma_start3A = tpu.memref_slice %arg3[%arg0, %mul3A_104] : memref<2x10240xf32, #tpu.memory_space<hbm>> -> memref<1x640xf32, #tpu.memory_space<hbm>>
      %dma_start3A_105 = tpu.memref_squeeze %dma_start3A : memref<1x640xf32, #tpu.memory_space<hbm>> -> memref<640xf32, #tpu.memory_space<hbm>>
      %dma_start3A_106 = tpu.memref_slice %arg6[%mul3A_104] : memref<10240xf32, #tpu.memory_space<vmem_shared>> -> memref<640xf32, #tpu.memory_space<vmem_shared>>
      tpu.enqueue_dma source(%dma_start3A_106 : memref<640xf32, #tpu.memory_space<vmem_shared>>) target(%dma_start3A_105 : memref<640xf32, #tpu.memory_space<hbm>>) target_semaphore(%run_scoped3A : memref<!tpu.dma_semaphore, #tpu.memory_space<semaphore_mem>>)
      %dma_wait3A = tpu.memref_slice %arg3[%arg0, %mul3A_104] : memref<2x10240xf32, #tpu.memory_space<hbm>> -> memref<1x640xf32, #tpu.memory_space<hbm>>
      %dma_wait3A_107 = tpu.memref_squeeze %dma_wait3A : memref<1x640xf32, #tpu.memory_space<hbm>> -> memref<640xf32, #tpu.memory_space<hbm>>
      %dma_wait3A_108 = tpu.memref_slice %arg6[%mul3A_104] : memref<10240xf32, #tpu.memory_space<vmem_shared>> -> memref<640xf32, #tpu.memory_space<vmem_shared>>
      tpu.wait_dma2 semaphore(%run_scoped3A : memref<!tpu.dma_semaphore, #tpu.memory_space<semaphore_mem>>) src(%dma_wait3A_108 : memref<640xf32, #tpu.memory_space<vmem_shared>>) dst(%dma_wait3A_107 : memref<640xf32, #tpu.memory_space<hbm>>)
      tpu.yield
    }) : () -> ()
    return
  }
}

#map = affine_map<(d0, d1) -> (0, 0)>
#map1 = affine_map<(d0, d1) -> (0)>
#map2 = affine_map<(d0, d1) -> (0, 0, 0)>
module attributes {stable_mosaic.version = 14 : i64} {
  func.func @_gs_sc(%arg0: i32, %arg1: i32, %arg2: memref<10000x128xf32, #tpu.memory_space<hbm>>, %arg3: memref<320000xi32, #tpu.memory_space<hbm>>, %arg4: memref<320000xi32, #tpu.memory_space<hbm>>, %arg5: memref<2x10240x128xf32, #tpu.memory_space<hbm>>, %arg6: memref<128xi32, #tpu.memory_space<vmem>>, %arg7: memref<128xi32, #tpu.memory_space<vmem>>, %arg8: memref<128xi32, #tpu.memory_space<vmem>>, %arg9: memref<128xi32, #tpu.memory_space<vmem>>, %arg10: memref<128xi32, #tpu.memory_space<vmem>>, %arg11: memref<128xi32, #tpu.memory_space<vmem>>, %arg12: memref<128xi32, #tpu.memory_space<vmem>>, %arg13: memref<128xi32, #tpu.memory_space<vmem>>, %arg14: memref<128x128xf32, #tpu.memory_space<vmem>>, %arg15: memref<128x128xf32, #tpu.memory_space<vmem>>, %arg16: memref<10240x128xf32, #tpu.memory_space<vmem_shared>>, %arg17: memref<!tpu.dma_semaphore, #tpu.memory_space<semaphore_mem>>, %arg18: memref<!tpu.dma_semaphore, #tpu.memory_space<semaphore_mem>>, %arg19: memref<!tpu.dma_semaphore, #tpu.memory_space<semaphore_mem>>, %arg20: memref<!tpu.dma_semaphore, #tpu.memory_space<semaphore_mem>>, %arg21: memref<!tpu.dma_semaphore, #tpu.memory_space<semaphore_mem>>, %arg22: memref<!tpu.dma_semaphore, #tpu.memory_space<semaphore_mem>>, %arg23: memref<!tpu.dma_semaphore, #tpu.memory_space<semaphore_mem>>, %arg24: memref<!tpu.dma_semaphore, #tpu.memory_space<semaphore_mem>>) attributes {dimension_semantics = [#tpu.dimension_semantics<core_parallel>, #tpu.dimension_semantics<subcore_parallel>], iteration_bounds = array<i64: 2, 16>, scalar_prefetch = 0 : i64, scratch_operands = 19 : i64, tpu.core_type = #tpu.core_type<sc_vector_subcore>, window_params = [{transform_indices = #map}, {transform_indices = #map1}, {transform_indices = #map1}, {transform_indices = #map2}]} {
    %mul3A = arith.constant 2 : i32
    %mul3A_0 = arith.muli %arg1, %mul3A : i32
    %add3A = arith.addi %mul3A_0, %arg0 : i32
    %mul3A_1 = arith.constant 9984 : i32
    %mul3A_2 = arith.muli %add3A, %mul3A_1 : i32
    %dma_start3A = tpu.memref_slice %arg3[%mul3A_2] : memref<320000xi32, #tpu.memory_space<hbm>> -> memref<128xi32, #tpu.memory_space<hbm>>
    %dma_start3A_3 = tpu.memref_slice %arg3[%mul3A_2] : memref<320000xi32, #tpu.memory_space<hbm>> -> memref<128xi32, #tpu.memory_space<hbm>>
    tpu.enqueue_dma source(%dma_start3A_3 : memref<128xi32, #tpu.memory_space<hbm>>) target(%arg6 : memref<128xi32, #tpu.memory_space<vmem>>) target_semaphore(%arg17 : memref<!tpu.dma_semaphore, #tpu.memory_space<semaphore_mem>>)
    %dma_start3A_4 = tpu.memref_slice %arg4[%mul3A_2] : memref<320000xi32, #tpu.memory_space<hbm>> -> memref<128xi32, #tpu.memory_space<hbm>>
    %dma_start3A_5 = tpu.memref_slice %arg4[%mul3A_2] : memref<320000xi32, #tpu.memory_space<hbm>> -> memref<128xi32, #tpu.memory_space<hbm>>
    tpu.enqueue_dma source(%dma_start3A_5 : memref<128xi32, #tpu.memory_space<hbm>>) target(%arg7 : memref<128xi32, #tpu.memory_space<vmem>>) target_semaphore(%arg17 : memref<!tpu.dma_semaphore, #tpu.memory_space<semaphore_mem>>)
    %add3A_6 = arith.constant 128 : i32
    %add3A_7 = arith.addi %mul3A_2, %add3A_6 : i32
    %dma_start3A_8 = tpu.memref_slice %arg3[%add3A_7] : memref<320000xi32, #tpu.memory_space<hbm>> -> memref<128xi32, #tpu.memory_space<hbm>>
    %dma_start3A_9 = tpu.memref_slice %arg3[%add3A_7] : memref<320000xi32, #tpu.memory_space<hbm>> -> memref<128xi32, #tpu.memory_space<hbm>>
    tpu.enqueue_dma source(%dma_start3A_9 : memref<128xi32, #tpu.memory_space<hbm>>) target(%arg8 : memref<128xi32, #tpu.memory_space<vmem>>) target_semaphore(%arg18 : memref<!tpu.dma_semaphore, #tpu.memory_space<semaphore_mem>>)
    %dma_start3A_10 = tpu.memref_slice %arg4[%add3A_7] : memref<320000xi32, #tpu.memory_space<hbm>> -> memref<128xi32, #tpu.memory_space<hbm>>
    %dma_start3A_11 = tpu.memref_slice %arg4[%add3A_7] : memref<320000xi32, #tpu.memory_space<hbm>> -> memref<128xi32, #tpu.memory_space<hbm>>
    tpu.enqueue_dma source(%dma_start3A_11 : memref<128xi32, #tpu.memory_space<hbm>>) target(%arg9 : memref<128xi32, #tpu.memory_space<vmem>>) target_semaphore(%arg18 : memref<!tpu.dma_semaphore, #tpu.memory_space<semaphore_mem>>)
    %add3A_12 = arith.constant 256 : i32
    %add3A_13 = arith.addi %mul3A_2, %add3A_12 : i32
    %dma_start3A_14 = tpu.memref_slice %arg3[%add3A_13] : memref<320000xi32, #tpu.memory_space<hbm>> -> memref<128xi32, #tpu.memory_space<hbm>>
    %dma_start3A_15 = tpu.memref_slice %arg3[%add3A_13] : memref<320000xi32, #tpu.memory_space<hbm>> -> memref<128xi32, #tpu.memory_space<hbm>>
    tpu.enqueue_dma source(%dma_start3A_15 : memref<128xi32, #tpu.memory_space<hbm>>) target(%arg10 : memref<128xi32, #tpu.memory_space<vmem>>) target_semaphore(%arg19 : memref<!tpu.dma_semaphore, #tpu.memory_space<semaphore_mem>>)
    %dma_start3A_16 = tpu.memref_slice %arg4[%add3A_13] : memref<320000xi32, #tpu.memory_space<hbm>> -> memref<128xi32, #tpu.memory_space<hbm>>
    %dma_start3A_17 = tpu.memref_slice %arg4[%add3A_13] : memref<320000xi32, #tpu.memory_space<hbm>> -> memref<128xi32, #tpu.memory_space<hbm>>
    tpu.enqueue_dma source(%dma_start3A_17 : memref<128xi32, #tpu.memory_space<hbm>>) target(%arg11 : memref<128xi32, #tpu.memory_space<vmem>>) target_semaphore(%arg19 : memref<!tpu.dma_semaphore, #tpu.memory_space<semaphore_mem>>)
    %broadcast_in_dim3A = arith.constant 0.000000e+00 : f32
    %broadcast_in_dim3A_18 = vector.broadcast %broadcast_in_dim3A : f32 to vector<16xf32>
    %scan3A = arith.constant 0 : i32
    %scan3A_19 = arith.constant 0 : i32
    %scan3A_20 = arith.constant 128 : i32
    %scan3A_21 = arith.addi %scan3A_19, %scan3A_20 : i32
    %scan3A_22 = arith.constant 1 : i32
    scf.for %scan3A_266 = %scan3A_19 to %scan3A_21 step %scan3A_22  : i32 {
      %swap3A = arith.index_cast %scan3A_266 : i32 to index
      %swap3A_267 = arith.constant 0 : index
      %swap3A_268 = tpu.vector_load %arg14[%swap3A, %swap3A_267] {strides = array<i32>} : memref<128x128xf32, #tpu.memory_space<vmem>>, vector<1x16xf32>,
      %swap3A_269 = vector.shape_cast %swap3A_268 : vector<1x16xf32> to vector<16xf32>
      %swap3A_270 = vector.shape_cast %broadcast_in_dim3A_18 : vector<16xf32> to vector<1x16xf32>
      tpu.vector_store %arg14[%swap3A, %swap3A_267], %swap3A_270 {strides = array<i32>} : memref<128x128xf32, #tpu.memory_space<vmem>>, vector<1x16xf32>,
      %swap3A_271 = arith.index_cast %scan3A_266 : i32 to index
      %swap3A_272 = arith.constant 16 : index
      %swap3A_273 = tpu.vector_load %arg14[%swap3A_271, %swap3A_272] {strides = array<i32>} : memref<128x128xf32, #tpu.memory_space<vmem>>, vector<1x16xf32>,
      %swap3A_274 = vector.shape_cast %swap3A_273 : vector<1x16xf32> to vector<16xf32>
      %swap3A_275 = vector.shape_cast %broadcast_in_dim3A_18 : vector<16xf32> to vector<1x16xf32>
      tpu.vector_store %arg14[%swap3A_271, %swap3A_272], %swap3A_275 {strides = array<i32>} : memref<128x128xf32, #tpu.memory_space<vmem>>, vector<1x16xf32>,
      %swap3A_276 = arith.index_cast %scan3A_266 : i32 to index
      %swap3A_277 = arith.constant 32 : index
      %swap3A_278 = tpu.vector_load %arg14[%swap3A_276, %swap3A_277] {strides = array<i32>} : memref<128x128xf32, #tpu.memory_space<vmem>>, vector<1x16xf32>,
      %swap3A_279 = vector.shape_cast %swap3A_278 : vector<1x16xf32> to vector<16xf32>
      %swap3A_280 = vector.shape_cast %broadcast_in_dim3A_18 : vector<16xf32> to vector<1x16xf32>
      tpu.vector_store %arg14[%swap3A_276, %swap3A_277], %swap3A_280 {strides = array<i32>} : memref<128x128xf32, #tpu.memory_space<vmem>>, vector<1x16xf32>,
      %swap3A_281 = arith.index_cast %scan3A_266 : i32 to index
      %swap3A_282 = arith.constant 48 : index
      %swap3A_283 = tpu.vector_load %arg14[%swap3A_281, %swap3A_282] {strides = array<i32>} : memref<128x128xf32, #tpu.memory_space<vmem>>, vector<1x16xf32>,
      %swap3A_284 = vector.shape_cast %swap3A_283 : vector<1x16xf32> to vector<16xf32>
      %swap3A_285 = vector.shape_cast %broadcast_in_dim3A_18 : vector<16xf32> to vector<1x16xf32>
      tpu.vector_store %arg14[%swap3A_281, %swap3A_282], %swap3A_285 {strides = array<i32>} : memref<128x128xf32, #tpu.memory_space<vmem>>, vector<1x16xf32>,
      %swap3A_286 = arith.index_cast %scan3A_266 : i32 to index
      %swap3A_287 = arith.constant 64 : index
      %swap3A_288 = tpu.vector_load %arg14[%swap3A_286, %swap3A_287] {strides = array<i32>} : memref<128x128xf32, #tpu.memory_space<vmem>>, vector<1x16xf32>,
      %swap3A_289 = vector.shape_cast %swap3A_288 : vector<1x16xf32> to vector<16xf32>
      %swap3A_290 = vector.shape_cast %broadcast_in_dim3A_18 : vector<16xf32> to vector<1x16xf32>
      tpu.vector_store %arg14[%swap3A_286, %swap3A_287], %swap3A_290 {strides = array<i32>} : memref<128x128xf32, #tpu.memory_space<vmem>>, vector<1x16xf32>,
      %swap3A_291 = arith.index_cast %scan3A_266 : i32 to index
      %swap3A_292 = arith.constant 80 : index
      %swap3A_293 = tpu.vector_load %arg14[%swap3A_291, %swap3A_292] {strides = array<i32>} : memref<128x128xf32, #tpu.memory_space<vmem>>, vector<1x16xf32>,
      %swap3A_294 = vector.shape_cast %swap3A_293 : vector<1x16xf32> to vector<16xf32>
      %swap3A_295 = vector.shape_cast %broadcast_in_dim3A_18 : vector<16xf32> to vector<1x16xf32>
      tpu.vector_store %arg14[%swap3A_291, %swap3A_292], %swap3A_295 {strides = array<i32>} : memref<128x128xf32, #tpu.memory_space<vmem>>, vector<1x16xf32>,
      %swap3A_296 = arith.index_cast %scan3A_266 : i32 to index
      %swap3A_297 = arith.constant 96 : index
      %swap3A_298 = tpu.vector_load %arg14[%swap3A_296, %swap3A_297] {strides = array<i32>} : memref<128x128xf32, #tpu.memory_space<vmem>>, vector<1x16xf32>,
      %swap3A_299 = vector.shape_cast %swap3A_298 : vector<1x16xf32> to vector<16xf32>
      %swap3A_300 = vector.shape_cast %broadcast_in_dim3A_18 : vector<16xf32> to vector<1x16xf32>
      tpu.vector_store %arg14[%swap3A_296, %swap3A_297], %swap3A_300 {strides = array<i32>} : memref<128x128xf32, #tpu.memory_space<vmem>>, vector<1x16xf32>,
      %swap3A_301 = arith.index_cast %scan3A_266 : i32 to index
      %swap3A_302 = arith.constant 112 : index
      %swap3A_303 = tpu.vector_load %arg14[%swap3A_301, %swap3A_302] {strides = array<i32>} : memref<128x128xf32, #tpu.memory_space<vmem>>, vector<1x16xf32>,
      %swap3A_304 = vector.shape_cast %swap3A_303 : vector<1x16xf32> to vector<16xf32>
      %swap3A_305 = vector.shape_cast %broadcast_in_dim3A_18 : vector<16xf32> to vector<1x16xf32>
      tpu.vector_store %arg14[%swap3A_301, %swap3A_302], %swap3A_305 {strides = array<i32>} : memref<128x128xf32, #tpu.memory_space<vmem>>, vector<1x16xf32>,
    }
    %scan3A_23 = arith.constant 128 : i32
    %mul3A_24 = arith.constant 640 : i32
    %mul3A_25 = arith.muli %arg1, %mul3A_24 : i32
    %add3A_26 = arith.constant 0 : i32
    %add3A_27 = arith.addi %mul3A_25, %add3A_26 : i32
    %dma_start3A_28 = arith.constant 0 : i32
    %dma_start3A_29 = tpu.memref_slice %arg16[%add3A_27, %dma_start3A_28] : memref<10240x128xf32, #tpu.memory_space<vmem_shared>> -> memref<128x128xf32, #tpu.memory_space<vmem_shared>>
    %dma_start3A_30 = arith.constant 0 : i32
    %dma_start3A_31 = tpu.memref_slice %arg16[%add3A_27, %dma_start3A_30] : memref<10240x128xf32, #tpu.memory_space<vmem_shared>> -> memref<128x128xf32, #tpu.memory_space<vmem_shared>>
    tpu.enqueue_dma source(%arg14 : memref<128x128xf32, #tpu.memory_space<vmem>>) target(%dma_start3A_31 : memref<128x128xf32, #tpu.memory_space<vmem_shared>>) target_semaphore(%arg22 : memref<!tpu.dma_semaphore, #tpu.memory_space<semaphore_mem>>)
    %mul3A_32 = arith.constant 640 : i32
    %mul3A_33 = arith.muli %arg1, %mul3A_32 : i32
    %add3A_34 = arith.constant 128 : i32
    %add3A_35 = arith.addi %mul3A_33, %add3A_34 : i32
    %dma_start3A_36 = arith.constant 0 : i32
    %dma_start3A_37 = tpu.memref_slice %arg16[%add3A_35, %dma_start3A_36] : memref<10240x128xf32, #tpu.memory_space<vmem_shared>> -> memref<128x128xf32, #tpu.memory_space<vmem_shared>>
    %dma_start3A_38 = arith.constant 0 : i32
    %dma_start3A_39 = tpu.memref_slice %arg16[%add3A_35, %dma_start3A_38] : memref<10240x128xf32, #tpu.memory_space<vmem_shared>> -> memref<128x128xf32, #tpu.memory_space<vmem_shared>>
    tpu.enqueue_dma source(%arg14 : memref<128x128xf32, #tpu.memory_space<vmem>>) target(%dma_start3A_39 : memref<128x128xf32, #tpu.memory_space<vmem_shared>>) target_semaphore(%arg22 : memref<!tpu.dma_semaphore, #tpu.memory_space<semaphore_mem>>)
    %mul3A_40 = arith.constant 640 : i32
    %mul3A_41 = arith.muli %arg1, %mul3A_40 : i32
    %add3A_42 = arith.constant 256 : i32
    %add3A_43 = arith.addi %mul3A_41, %add3A_42 : i32
    %dma_start3A_44 = arith.constant 0 : i32
    %dma_start3A_45 = tpu.memref_slice %arg16[%add3A_43, %dma_start3A_44] : memref<10240x128xf32, #tpu.memory_space<vmem_shared>> -> memref<128x128xf32, #tpu.memory_space<vmem_shared>>
    %dma_start3A_46 = arith.constant 0 : i32
    %dma_start3A_47 = tpu.memref_slice %arg16[%add3A_43, %dma_start3A_46] : memref<10240x128xf32, #tpu.memory_space<vmem_shared>> -> memref<128x128xf32, #tpu.memory_space<vmem_shared>>
    tpu.enqueue_dma source(%arg14 : memref<128x128xf32, #tpu.memory_space<vmem>>) target(%dma_start3A_47 : memref<128x128xf32, #tpu.memory_space<vmem_shared>>) target_semaphore(%arg22 : memref<!tpu.dma_semaphore, #tpu.memory_space<semaphore_mem>>)
    %mul3A_48 = arith.constant 640 : i32
    %mul3A_49 = arith.muli %arg1, %mul3A_48 : i32
    %add3A_50 = arith.constant 384 : i32
    %add3A_51 = arith.addi %mul3A_49, %add3A_50 : i32
    %dma_start3A_52 = arith.constant 0 : i32
    %dma_start3A_53 = tpu.memref_slice %arg16[%add3A_51, %dma_start3A_52] : memref<10240x128xf32, #tpu.memory_space<vmem_shared>> -> memref<128x128xf32, #tpu.memory_space<vmem_shared>>
    %dma_start3A_54 = arith.constant 0 : i32
    %dma_start3A_55 = tpu.memref_slice %arg16[%add3A_51, %dma_start3A_54] : memref<10240x128xf32, #tpu.memory_space<vmem_shared>> -> memref<128x128xf32, #tpu.memory_space<vmem_shared>>
    tpu.enqueue_dma source(%arg14 : memref<128x128xf32, #tpu.memory_space<vmem>>) target(%dma_start3A_55 : memref<128x128xf32, #tpu.memory_space<vmem_shared>>) target_semaphore(%arg22 : memref<!tpu.dma_semaphore, #tpu.memory_space<semaphore_mem>>)
    %mul3A_56 = arith.constant 640 : i32
    %mul3A_57 = arith.muli %arg1, %mul3A_56 : i32
    %add3A_58 = arith.constant 512 : i32
    %add3A_59 = arith.addi %mul3A_57, %add3A_58 : i32
    %dma_start3A_60 = arith.constant 0 : i32
    %dma_start3A_61 = tpu.memref_slice %arg16[%add3A_59, %dma_start3A_60] : memref<10240x128xf32, #tpu.memory_space<vmem_shared>> -> memref<128x128xf32, #tpu.memory_space<vmem_shared>>
    %dma_start3A_62 = arith.constant 0 : i32
    %dma_start3A_63 = tpu.memref_slice %arg16[%add3A_59, %dma_start3A_62] : memref<10240x128xf32, #tpu.memory_space<vmem_shared>> -> memref<128x128xf32, #tpu.memory_space<vmem_shared>>
    tpu.enqueue_dma source(%arg14 : memref<128x128xf32, #tpu.memory_space<vmem>>) target(%dma_start3A_63 : memref<128x128xf32, #tpu.memory_space<vmem_shared>>) target_semaphore(%arg22 : memref<!tpu.dma_semaphore, #tpu.memory_space<semaphore_mem>>)
    %dma_wait3A = arith.constant 0 : i32
    %dma_wait3A_64 = arith.constant 0 : i32
    %dma_wait3A_65 = tpu.memref_slice %arg16[%dma_wait3A, %dma_wait3A_64] : memref<10240x128xf32, #tpu.memory_space<vmem_shared>> -> memref<128x128xf32, #tpu.memory_space<vmem_shared>>
    %dma_wait3A_66 = arith.constant 0 : i32
    %dma_wait3A_67 = arith.constant 0 : i32
    %dma_wait3A_68 = tpu.memref_slice %arg16[%dma_wait3A_66, %dma_wait3A_67] : memref<10240x128xf32, #tpu.memory_space<vmem_shared>> -> memref<128x128xf32, #tpu.memory_space<vmem_shared>>
    tpu.wait_dma2 semaphore(%arg22 : memref<!tpu.dma_semaphore, #tpu.memory_space<semaphore_mem>>) src(%arg14 : memref<128x128xf32, #tpu.memory_space<vmem>>) dst(%dma_wait3A_68 : memref<128x128xf32, #tpu.memory_space<vmem_shared>>)
    %dma_wait3A_69 = arith.constant 0 : i32
    %dma_wait3A_70 = arith.constant 0 : i32
    %dma_wait3A_71 = tpu.memref_slice %arg16[%dma_wait3A_69, %dma_wait3A_70] : memref<10240x128xf32, #tpu.memory_space<vmem_shared>> -> memref<128x128xf32, #tpu.memory_space<vmem_shared>>
    %dma_wait3A_72 = arith.constant 0 : i32
    %dma_wait3A_73 = arith.constant 0 : i32
    %dma_wait3A_74 = tpu.memref_slice %arg16[%dma_wait3A_72, %dma_wait3A_73] : memref<10240x128xf32, #tpu.memory_space<vmem_shared>> -> memref<128x128xf32, #tpu.memory_space<vmem_shared>>
    tpu.wait_dma2 semaphore(%arg22 : memref<!tpu.dma_semaphore, #tpu.memory_space<semaphore_mem>>) src(%arg14 : memref<128x128xf32, #tpu.memory_space<vmem>>) dst(%dma_wait3A_74 : memref<128x128xf32, #tpu.memory_space<vmem_shared>>)
    %dma_wait3A_75 = arith.constant 0 : i32
    %dma_wait3A_76 = arith.constant 0 : i32
    %dma_wait3A_77 = tpu.memref_slice %arg16[%dma_wait3A_75, %dma_wait3A_76] : memref<10240x128xf32, #tpu.memory_space<vmem_shared>> -> memref<128x128xf32, #tpu.memory_space<vmem_shared>>
    %dma_wait3A_78 = arith.constant 0 : i32
    %dma_wait3A_79 = arith.constant 0 : i32
    %dma_wait3A_80 = tpu.memref_slice %arg16[%dma_wait3A_78, %dma_wait3A_79] : memref<10240x128xf32, #tpu.memory_space<vmem_shared>> -> memref<128x128xf32, #tpu.memory_space<vmem_shared>>
    tpu.wait_dma2 semaphore(%arg22 : memref<!tpu.dma_semaphore, #tpu.memory_space<semaphore_mem>>) src(%arg14 : memref<128x128xf32, #tpu.memory_space<vmem>>) dst(%dma_wait3A_80 : memref<128x128xf32, #tpu.memory_space<vmem_shared>>)
    %dma_wait3A_81 = arith.constant 0 : i32
    %dma_wait3A_82 = arith.constant 0 : i32
    %dma_wait3A_83 = tpu.memref_slice %arg16[%dma_wait3A_81, %dma_wait3A_82] : memref<10240x128xf32, #tpu.memory_space<vmem_shared>> -> memref<128x128xf32, #tpu.memory_space<vmem_shared>>
    %dma_wait3A_84 = arith.constant 0 : i32
    %dma_wait3A_85 = arith.constant 0 : i32
    %dma_wait3A_86 = tpu.memref_slice %arg16[%dma_wait3A_84, %dma_wait3A_85] : memref<10240x128xf32, #tpu.memory_space<vmem_shared>> -> memref<128x128xf32, #tpu.memory_space<vmem_shared>>
    tpu.wait_dma2 semaphore(%arg22 : memref<!tpu.dma_semaphore, #tpu.memory_space<semaphore_mem>>) src(%arg14 : memref<128x128xf32, #tpu.memory_space<vmem>>) dst(%dma_wait3A_86 : memref<128x128xf32, #tpu.memory_space<vmem_shared>>)
    %dma_wait3A_87 = arith.constant 0 : i32
    %dma_wait3A_88 = arith.constant 0 : i32
    %dma_wait3A_89 = tpu.memref_slice %arg16[%dma_wait3A_87, %dma_wait3A_88] : memref<10240x128xf32, #tpu.memory_space<vmem_shared>> -> memref<128x128xf32, #tpu.memory_space<vmem_shared>>
    %dma_wait3A_90 = arith.constant 0 : i32
    %dma_wait3A_91 = arith.constant 0 : i32
    %dma_wait3A_92 = tpu.memref_slice %arg16[%dma_wait3A_90, %dma_wait3A_91] : memref<10240x128xf32, #tpu.memory_space<vmem_shared>> -> memref<128x128xf32, #tpu.memory_space<vmem_shared>>
    tpu.wait_dma2 semaphore(%arg22 : memref<!tpu.dma_semaphore, #tpu.memory_space<semaphore_mem>>) src(%arg14 : memref<128x128xf32, #tpu.memory_space<vmem>>) dst(%dma_wait3A_92 : memref<128x128xf32, #tpu.memory_space<vmem_shared>>)
    %barrier3A = arith.constant 0 : index
    tpu.barrier barrier_id(%barrier3A)
    %dma_wait3A_93 = arith.constant 0 : i32
    %dma_wait3A_94 = tpu.memref_slice %arg3[%dma_wait3A_93] : memref<320000xi32, #tpu.memory_space<hbm>> -> memref<128xi32, #tpu.memory_space<hbm>>
    %dma_wait3A_95 = arith.constant 0 : i32
    %dma_wait3A_96 = tpu.memref_slice %arg3[%dma_wait3A_95] : memref<320000xi32, #tpu.memory_space<hbm>> -> memref<128xi32, #tpu.memory_space<hbm>>
    tpu.wait_dma2 semaphore(%arg17 : memref<!tpu.dma_semaphore, #tpu.memory_space<semaphore_mem>>) src(%dma_wait3A_96 : memref<128xi32, #tpu.memory_space<hbm>>) dst(%arg6 : memref<128xi32, #tpu.memory_space<vmem>>)
    %dma_wait3A_97 = arith.constant 0 : i32
    %dma_wait3A_98 = tpu.memref_slice %arg4[%dma_wait3A_97] : memref<320000xi32, #tpu.memory_space<hbm>> -> memref<128xi32, #tpu.memory_space<hbm>>
    %dma_wait3A_99 = arith.constant 0 : i32
    %dma_wait3A_100 = tpu.memref_slice %arg4[%dma_wait3A_99] : memref<320000xi32, #tpu.memory_space<hbm>> -> memref<128xi32, #tpu.memory_space<hbm>>
    tpu.wait_dma2 semaphore(%arg17 : memref<!tpu.dma_semaphore, #tpu.memory_space<semaphore_mem>>) src(%dma_wait3A_100 : memref<128xi32, #tpu.memory_space<hbm>>) dst(%arg7 : memref<128xi32, #tpu.memory_space<vmem>>)
    %dma_start3A_101 = arith.constant 0 : i32
    %dma_start3A_102 = arith.constant 0 : i32
    %dma_start3A_103 = tpu.memref_slice %arg2[%dma_start3A_101, %dma_start3A_102] : memref<10000x128xf32, #tpu.memory_space<hbm>> -> memref<10000x128xf32, #tpu.memory_space<hbm>>
    tpu.enqueue_indirect_dma source(%dma_start3A_103 : memref<10000x128xf32, #tpu.memory_space<hbm>>) target(%arg14 : memref<128x128xf32, #tpu.memory_space<vmem>>) offsets(%arg6 : memref<128xi32, #tpu.memory_space<vmem>>) semaphore(%arg21 : memref<!tpu.dma_semaphore, #tpu.memory_space<semaphore_mem>>)
    %dma_wait3A_104 = arith.constant 0 : i32
    %dma_wait3A_105 = tpu.memref_slice %arg3[%dma_wait3A_104] : memref<320000xi32, #tpu.memory_space<hbm>> -> memref<128xi32, #tpu.memory_space<hbm>>
    %dma_wait3A_106 = arith.constant 0 : i32
    %dma_wait3A_107 = tpu.memref_slice %arg3[%dma_wait3A_106] : memref<320000xi32, #tpu.memory_space<hbm>> -> memref<128xi32, #tpu.memory_space<hbm>>
    tpu.wait_dma2 semaphore(%arg18 : memref<!tpu.dma_semaphore, #tpu.memory_space<semaphore_mem>>) src(%dma_wait3A_107 : memref<128xi32, #tpu.memory_space<hbm>>) dst(%arg8 : memref<128xi32, #tpu.memory_space<vmem>>)
    %dma_wait3A_108 = arith.constant 0 : i32
    %dma_wait3A_109 = tpu.memref_slice %arg4[%dma_wait3A_108] : memref<320000xi32, #tpu.memory_space<hbm>> -> memref<128xi32, #tpu.memory_space<hbm>>
    %dma_wait3A_110 = arith.constant 0 : i32
    %dma_wait3A_111 = tpu.memref_slice %arg4[%dma_wait3A_110] : memref<320000xi32, #tpu.memory_space<hbm>> -> memref<128xi32, #tpu.memory_space<hbm>>
    tpu.wait_dma2 semaphore(%arg18 : memref<!tpu.dma_semaphore, #tpu.memory_space<semaphore_mem>>) src(%dma_wait3A_111 : memref<128xi32, #tpu.memory_space<hbm>>) dst(%arg9 : memref<128xi32, #tpu.memory_space<vmem>>)
    %dma_start3A_112 = arith.constant 0 : i32
    %dma_start3A_113 = arith.constant 0 : i32
    %dma_start3A_114 = tpu.memref_slice %arg2[%dma_start3A_112, %dma_start3A_113] : memref<10000x128xf32, #tpu.memory_space<hbm>> -> memref<10000x128xf32, #tpu.memory_space<hbm>>
    tpu.enqueue_indirect_dma source(%dma_start3A_114 : memref<10000x128xf32, #tpu.memory_space<hbm>>) target(%arg15 : memref<128x128xf32, #tpu.memory_space<vmem>>) offsets(%arg8 : memref<128xi32, #tpu.memory_space<vmem>>) semaphore(%arg22 : memref<!tpu.dma_semaphore, #tpu.memory_space<semaphore_mem>>)
    %dma_wait3A_115 = arith.constant 0 : i32
    %dma_wait3A_116 = arith.constant 0 : i32
    %dma_wait3A_117 = tpu.memref_slice %arg2[%dma_wait3A_115, %dma_wait3A_116] : memref<10000x128xf32, #tpu.memory_space<hbm>> -> memref<10000x128xf32, #tpu.memory_space<hbm>>
    tpu.wait_indirect_dma semaphore(%arg21 : memref<!tpu.dma_semaphore, #tpu.memory_space<semaphore_mem>>) src(%dma_wait3A_117 : memref<10000x128xf32, #tpu.memory_space<hbm>>) dst(%arg14 : memref<128x128xf32, #tpu.memory_space<vmem>>)
    %dma_start3A_118 = arith.constant 0 : i32
    %dma_start3A_119 = arith.constant 0 : i32
    %dma_start3A_120 = tpu.memref_slice %arg16[%dma_start3A_118, %dma_start3A_119] : memref<10240x128xf32, #tpu.memory_space<vmem_shared>> -> memref<10240x128xf32, #tpu.memory_space<vmem_shared>>
    tpu.enqueue_indirect_dma source(%arg14 : memref<128x128xf32, #tpu.memory_space<vmem>>) target(%dma_start3A_120 : memref<10240x128xf32, #tpu.memory_space<vmem_shared>>) offsets(%arg7 : memref<128xi32, #tpu.memory_space<vmem>>) semaphore(%arg23 : memref<!tpu.dma_semaphore, #tpu.memory_space<semaphore_mem>>) {add = true}
    %add3A_121 = arith.constant 384 : i32
    %add3A_122 = arith.addi %mul3A_2, %add3A_121 : i32
    %dma_start3A_123 = tpu.memref_slice %arg3[%add3A_122] : memref<320000xi32, #tpu.memory_space<hbm>> -> memref<128xi32, #tpu.memory_space<hbm>>
    %dma_start3A_124 = tpu.memref_slice %arg3[%add3A_122] : memref<320000xi32, #tpu.memory_space<hbm>> -> memref<128xi32, #tpu.memory_space<hbm>>
    tpu.enqueue_dma source(%dma_start3A_124 : memref<128xi32, #tpu.memory_space<hbm>>) target(%arg12 : memref<128xi32, #tpu.memory_space<vmem>>) target_semaphore(%arg20 : memref<!tpu.dma_semaphore, #tpu.memory_space<semaphore_mem>>)
    %dma_start3A_125 = tpu.memref_slice %arg4[%add3A_122] : memref<320000xi32, #tpu.memory_space<hbm>> -> memref<128xi32, #tpu.memory_space<hbm>>
    %dma_start3A_126 = tpu.memref_slice %arg4[%add3A_122] : memref<320000xi32, #tpu.memory_space<hbm>> -> memref<128xi32, #tpu.memory_space<hbm>>
    tpu.enqueue_dma source(%dma_start3A_126 : memref<128xi32, #tpu.memory_space<hbm>>) target(%arg13 : memref<128xi32, #tpu.memory_space<vmem>>) target_semaphore(%arg20 : memref<!tpu.dma_semaphore, #tpu.memory_space<semaphore_mem>>)
    %dma_wait3A_127 = arith.constant 0 : i32
    %dma_wait3A_128 = tpu.memref_slice %arg3[%dma_wait3A_127] : memref<320000xi32, #tpu.memory_space<hbm>> -> memref<128xi32, #tpu.memory_space<hbm>>
    %dma_wait3A_129 = arith.constant 0 : i32
    %dma_wait3A_130 = tpu.memref_slice %arg3[%dma_wait3A_129] : memref<320000xi32, #tpu.memory_space<hbm>> -> memref<128xi32, #tpu.memory_space<hbm>>
    tpu.wait_dma2 semaphore(%arg19 : memref<!tpu.dma_semaphore, #tpu.memory_space<semaphore_mem>>) src(%dma_wait3A_130 : memref<128xi32, #tpu.memory_space<hbm>>) dst(%arg10 : memref<128xi32, #tpu.memory_space<vmem>>)
    %dma_wait3A_131 = arith.constant 0 : i32
    %dma_wait3A_132 = tpu.memref_slice %arg4[%dma_wait3A_131] : memref<320000xi32, #tpu.memory_space<hbm>> -> memref<128xi32, #tpu.memory_space<hbm>>
    %dma_wait3A_133 = arith.constant 0 : i32
    %dma_wait3A_134 = tpu.memref_slice %arg4[%dma_wait3A_133] : memref<320000xi32, #tpu.memory_space<hbm>> -> memref<128xi32, #tpu.memory_space<hbm>>
    tpu.wait_dma2 semaphore(%arg19 : memref<!tpu.dma_semaphore, #tpu.memory_space<semaphore_mem>>) src(%dma_wait3A_134 : memref<128xi32, #tpu.memory_space<hbm>>) dst(%arg11 : memref<128xi32, #tpu.memory_space<vmem>>)
    %dma_wait3A_135 = arith.constant 0 : i32
    %dma_wait3A_136 = arith.constant 0 : i32
    %dma_wait3A_137 = tpu.memref_slice %arg16[%dma_wait3A_135, %dma_wait3A_136] : memref<10240x128xf32, #tpu.memory_space<vmem_shared>> -> memref<10240x128xf32, #tpu.memory_space<vmem_shared>>
    tpu.wait_indirect_dma semaphore(%arg23 : memref<!tpu.dma_semaphore, #tpu.memory_space<semaphore_mem>>) src(%arg14 : memref<128x128xf32, #tpu.memory_space<vmem>>) dst(%dma_wait3A_137 : memref<10240x128xf32, #tpu.memory_space<vmem_shared>>)
    %dma_start3A_138 = arith.constant 0 : i32
    %dma_start3A_139 = arith.constant 0 : i32
    %dma_start3A_140 = tpu.memref_slice %arg2[%dma_start3A_138, %dma_start3A_139] : memref<10000x128xf32, #tpu.memory_space<hbm>> -> memref<10000x128xf32, #tpu.memory_space<hbm>>
    tpu.enqueue_indirect_dma source(%dma_start3A_140 : memref<10000x128xf32, #tpu.memory_space<hbm>>) target(%arg14 : memref<128x128xf32, #tpu.memory_space<vmem>>) offsets(%arg10 : memref<128xi32, #tpu.memory_space<vmem>>) semaphore(%arg21 : memref<!tpu.dma_semaphore, #tpu.memory_space<semaphore_mem>>)
    %dma_wait3A_141 = arith.constant 0 : i32
    %dma_wait3A_142 = arith.constant 0 : i32
    %dma_wait3A_143 = tpu.memref_slice %arg2[%dma_wait3A_141, %dma_wait3A_142] : memref<10000x128xf32, #tpu.memory_space<hbm>> -> memref<10000x128xf32, #tpu.memory_space<hbm>>
    tpu.wait_indirect_dma semaphore(%arg22 : memref<!tpu.dma_semaphore, #tpu.memory_space<semaphore_mem>>) src(%dma_wait3A_143 : memref<10000x128xf32, #tpu.memory_space<hbm>>) dst(%arg15 : memref<128x128xf32, #tpu.memory_space<vmem>>)
    %dma_start3A_144 = arith.constant 0 : i32
    %dma_start3A_145 = arith.constant 0 : i32
    %dma_start3A_146 = tpu.memref_slice %arg16[%dma_start3A_144, %dma_start3A_145] : memref<10240x128xf32, #tpu.memory_space<vmem_shared>> -> memref<10240x128xf32, #tpu.memory_space<vmem_shared>>
    tpu.enqueue_indirect_dma source(%arg15 : memref<128x128xf32, #tpu.memory_space<vmem>>) target(%dma_start3A_146 : memref<10240x128xf32, #tpu.memory_space<vmem_shared>>) offsets(%arg9 : memref<128xi32, #tpu.memory_space<vmem>>) semaphore(%arg24 : memref<!tpu.dma_semaphore, #tpu.memory_space<semaphore_mem>>) {add = true}
    %add3A_147 = arith.constant 512 : i32
    %add3A_148 = arith.addi %mul3A_2, %add3A_147 : i32
    %dma_start3A_149 = tpu.memref_slice %arg3[%add3A_148] : memref<320000xi32, #tpu.memory_space<hbm>> -> memref<128xi32, #tpu.memory_space<hbm>>
    %dma_start3A_150 = tpu.memref_slice %arg3[%add3A_148] : memref<320000xi32, #tpu.memory_space<hbm>> -> memref<128xi32, #tpu.memory_space<hbm>>
    tpu.enqueue_dma source(%dma_start3A_150 : memref<128xi32, #tpu.memory_space<hbm>>) target(%arg6 : memref<128xi32, #tpu.memory_space<vmem>>) target_semaphore(%arg17 : memref<!tpu.dma_semaphore, #tpu.memory_space<semaphore_mem>>)
    %dma_start3A_151 = tpu.memref_slice %arg4[%add3A_148] : memref<320000xi32, #tpu.memory_space<hbm>> -> memref<128xi32, #tpu.memory_space<hbm>>
    %dma_start3A_152 = tpu.memref_slice %arg4[%add3A_148] : memref<320000xi32, #tpu.memory_space<hbm>> -> memref<128xi32, #tpu.memory_space<hbm>>
    tpu.enqueue_dma source(%dma_start3A_152 : memref<128xi32, #tpu.memory_space<hbm>>) target(%arg7 : memref<128xi32, #tpu.memory_space<vmem>>) target_semaphore(%arg17 : memref<!tpu.dma_semaphore, #tpu.memory_space<semaphore_mem>>)
    %dma_wait3A_153 = arith.constant 0 : i32
    %dma_wait3A_154 = tpu.memref_slice %arg3[%dma_wait3A_153] : memref<320000xi32, #tpu.memory_space<hbm>> -> memref<128xi32, #tpu.memory_space<hbm>>
    %dma_wait3A_155 = arith.constant 0 : i32
    %dma_wait3A_156 = tpu.memref_slice %arg3[%dma_wait3A_155] : memref<320000xi32, #tpu.memory_space<hbm>> -> memref<128xi32, #tpu.memory_space<hbm>>
    tpu.wait_dma2 semaphore(%arg20 : memref<!tpu.dma_semaphore, #tpu.memory_space<semaphore_mem>>) src(%dma_wait3A_156 : memref<128xi32, #tpu.memory_space<hbm>>) dst(%arg12 : memref<128xi32, #tpu.memory_space<vmem>>)
    %dma_wait3A_157 = arith.constant 0 : i32
    %dma_wait3A_158 = tpu.memref_slice %arg4[%dma_wait3A_157] : memref<320000xi32, #tpu.memory_space<hbm>> -> memref<128xi32, #tpu.memory_space<hbm>>
    %dma_wait3A_159 = arith.constant 0 : i32
    %dma_wait3A_160 = tpu.memref_slice %arg4[%dma_wait3A_159] : memref<320000xi32, #tpu.memory_space<hbm>> -> memref<128xi32, #tpu.memory_space<hbm>>
    tpu.wait_dma2 semaphore(%arg20 : memref<!tpu.dma_semaphore, #tpu.memory_space<semaphore_mem>>) src(%dma_wait3A_160 : memref<128xi32, #tpu.memory_space<hbm>>) dst(%arg13 : memref<128xi32, #tpu.memory_space<vmem>>)
    %dma_wait3A_161 = arith.constant 0 : i32
    %dma_wait3A_162 = arith.constant 0 : i32
    %dma_wait3A_163 = tpu.memref_slice %arg16[%dma_wait3A_161, %dma_wait3A_162] : memref<10240x128xf32, #tpu.memory_space<vmem_shared>> -> memref<10240x128xf32, #tpu.memory_space<vmem_shared>>
    tpu.wait_indirect_dma semaphore(%arg24 : memref<!tpu.dma_semaphore, #tpu.memory_space<semaphore_mem>>) src(%arg15 : memref<128x128xf32, #tpu.memory_space<vmem>>) dst(%dma_wait3A_163 : memref<10240x128xf32, #tpu.memory_space<vmem_shared>>)
    %dma_start3A_164 = arith.constant 0 : i32
    %dma_start3A_165 = arith.constant 0 : i32
    %dma_start3A_166 = tpu.memref_slice %arg2[%dma_start3A_164, %dma_start3A_165] : memref<10000x128xf32, #tpu.memory_space<hbm>> -> memref<10000x128xf32, #tpu.memory_space<hbm>>
    tpu.enqueue_indirect_dma source(%dma_start3A_166 : memref<10000x128xf32, #tpu.memory_space<hbm>>) target(%arg15 : memref<128x128xf32, #tpu.memory_space<vmem>>) offsets(%arg12 : memref<128xi32, #tpu.memory_space<vmem>>) semaphore(%arg22 : memref<!tpu.dma_semaphore, #tpu.memory_space<semaphore_mem>>)
    %dma_wait3A_167 = arith.constant 0 : i32
    %dma_wait3A_168 = arith.constant 0 : i32
    %dma_wait3A_169 = tpu.memref_slice %arg2[%dma_wait3A_167, %dma_wait3A_168] : memref<10000x128xf32, #tpu.memory_space<hbm>> -> memref<10000x128xf32, #tpu.memory_space<hbm>>
    tpu.wait_indirect_dma semaphore(%arg21 : memref<!tpu.dma_semaphore, #tpu.memory_space<semaphore_mem>>) src(%dma_wait3A_169 : memref<10000x128xf32, #tpu.memory_space<hbm>>) dst(%arg14 : memref<128x128xf32, #tpu.memory_space<vmem>>)
    %dma_start3A_170 = arith.constant 0 : i32
    %dma_start3A_171 = arith.constant 0 : i32
    %dma_start3A_172 = tpu.memref_slice %arg16[%dma_start3A_170, %dma_start3A_171] : memref<10240x128xf32, #tpu.memory_space<vmem_shared>> -> memref<10240x128xf32, #tpu.memory_space<vmem_shared>>
    tpu.enqueue_indirect_dma source(%arg14 : memref<128x128xf32, #tpu.memory_space<vmem>>) target(%dma_start3A_172 : memref<10240x128xf32, #tpu.memory_space<vmem_shared>>) offsets(%arg11 : memref<128xi32, #tpu.memory_space<vmem>>) semaphore(%arg23 : memref<!tpu.dma_semaphore, #tpu.memory_space<semaphore_mem>>) {add = true}
    %add3A_173 = arith.constant 640 : i32
    %add3A_174 = arith.addi %mul3A_2, %add3A_173 : i32
    %dma_start3A_175 = tpu.memref_slice %arg3[%add3A_174] : memref<320000xi32, #tpu.memory_space<hbm>> -> memref<128xi32, #tpu.memory_space<hbm>>
    %dma_start3A_176 = tpu.memref_slice %arg3[%add3A_174] : memref<320000xi32, #tpu.memory_space<hbm>> -> memref<128xi32, #tpu.memory_space<hbm>>
    tpu.enqueue_dma source(%dma_start3A_176 : memref<128xi32, #tpu.memory_space<hbm>>) target(%arg8 : memref<128xi32, #tpu.memory_space<vmem>>) target_semaphore(%arg18 : memref<!tpu.dma_semaphore, #tpu.memory_space<semaphore_mem>>)
    %dma_start3A_177 = tpu.memref_slice %arg4[%add3A_174] : memref<320000xi32, #tpu.memory_space<hbm>> -> memref<128xi32, #tpu.memory_space<hbm>>
    %dma_start3A_178 = tpu.memref_slice %arg4[%add3A_174] : memref<320000xi32, #tpu.memory_space<hbm>> -> memref<128xi32, #tpu.memory_space<hbm>>
    tpu.enqueue_dma source(%dma_start3A_178 : memref<128xi32, #tpu.memory_space<hbm>>) target(%arg9 : memref<128xi32, #tpu.memory_space<vmem>>) target_semaphore(%arg18 : memref<!tpu.dma_semaphore, #tpu.memory_space<semaphore_mem>>)
    %dma_wait3A_179 = arith.constant 0 : i32
    %dma_wait3A_180 = tpu.memref_slice %arg3[%dma_wait3A_179] : memref<320000xi32, #tpu.memory_space<hbm>> -> memref<128xi32, #tpu.memory_space<hbm>>
    %dma_wait3A_181 = arith.constant 0 : i32
    %dma_wait3A_182 = tpu.memref_slice %arg3[%dma_wait3A_181] : memref<320000xi32, #tpu.memory_space<hbm>> -> memref<128xi32, #tpu.memory_space<hbm>>
    tpu.wait_dma2 semaphore(%arg17 : memref<!tpu.dma_semaphore, #tpu.memory_space<semaphore_mem>>) src(%dma_wait3A_182 : memref<128xi32, #tpu.memory_space<hbm>>) dst(%arg6 : memref<128xi32, #tpu.memory_space<vmem>>)
    %dma_wait3A_183 = arith.constant 0 : i32
    %dma_wait3A_184 = tpu.memref_slice %arg4[%dma_wait3A_183] : memref<320000xi32, #tpu.memory_space<hbm>> -> memref<128xi32, #tpu.memory_space<hbm>>
    %dma_wait3A_185 = arith.constant 0 : i32
    %dma_wait3A_186 = tpu.memref_slice %arg4[%dma_wait3A_185] : memref<320000xi32, #tpu.memory_space<hbm>> -> memref<128xi32, #tpu.memory_space<hbm>>
    tpu.wait_dma2 semaphore(%arg17 : memref<!tpu.dma_semaphore, #tpu.memory_space<semaphore_mem>>) src(%dma_wait3A_186 : memref<128xi32, #tpu.memory_space<hbm>>) dst(%arg7 : memref<128xi32, #tpu.memory_space<vmem>>)
    %dma_wait3A_187 = arith.constant 0 : i32
    %dma_wait3A_188 = arith.constant 0 : i32
    %dma_wait3A_189 = tpu.memref_slice %arg16[%dma_wait3A_187, %dma_wait3A_188] : memref<10240x128xf32, #tpu.memory_space<vmem_shared>> -> memref<10240x128xf32, #tpu.memory_space<vmem_shared>>
    tpu.wait_indirect_dma semaphore(%arg23 : memref<!tpu.dma_semaphore, #tpu.memory_space<semaphore_mem>>) src(%arg14 : memref<128x128xf32, #tpu.memory_space<vmem>>) dst(%dma_wait3A_189 : memref<10240x128xf32, #tpu.memory_space<vmem_shared>>)
    %dma_start3A_190 = arith.constant 0 : i32
    %dma_start3A_191 = arith.constant 0 : i32
    %dma_start3A_192 = tpu.memref_slice %arg2[%dma_start3A_190, %dma_start3A_191] : memref<10000x128xf32, #tpu.memory_space<hbm>> -> memref<10000x128xf32, #tpu.memory_space<hbm>>
    tpu.enqueue_indirect_dma source(%dma_start3A_192 : memref<10000x128xf32, #tpu.memory_space<hbm>>) target(%arg14 : memref<128x128xf32, #tpu.memory_space<vmem>>) offsets(%arg6 : memref<128xi32, #tpu.memory_space<vmem>>) semaphore(%arg21 : memref<!tpu.dma_semaphore, #tpu.memory_space<semaphore_mem>>)
    %dma_wait3A_193 = arith.constant 0 : i32
    %dma_wait3A_194 = arith.constant 0 : i32
    %dma_wait3A_195 = tpu.memref_slice %arg2[%dma_wait3A_193, %dma_wait3A_194] : memref<10000x128xf32, #tpu.memory_space<hbm>> -> memref<10000x128xf32, #tpu.memory_space<hbm>>
    tpu.wait_indirect_dma semaphore(%arg22 : memref<!tpu.dma_semaphore, #tpu.memory_space<semaphore_mem>>) src(%dma_wait3A_195 : memref<10000x128xf32, #tpu.memory_space<hbm>>) dst(%arg15 : memref<128x128xf32, #tpu.memory_space<vmem>>)
    %dma_start3A_196 = arith.constant 0 : i32
    %dma_start3A_197 = arith.constant 0 : i32
    %dma_start3A_198 = tpu.memref_slice %arg16[%dma_start3A_196, %dma_start3A_197] : memref<10240x128xf32, #tpu.memory_space<vmem_shared>> -> memref<10240x128xf32, #tpu.memory_space<vmem_shared>>
    tpu.enqueue_indirect_dma source(%arg15 : memref<128x128xf32, #tpu.memory_space<vmem>>) target(%dma_start3A_198 : memref<10240x128xf32, #tpu.memory_space<vmem_shared>>) offsets(%arg13 : memref<128xi32, #tpu.memory_space<vmem>>) semaphore(%arg24 : memref<!tpu.dma_semaphore, #tpu.memory_space<semaphore_mem>>) {add = true}
    %add3A_199 = arith.constant 768 : i32
    %add3A_200 = arith.addi %mul3A_2, %add3A_199 : i32
    %dma_start3A_201 = tpu.memref_slice %arg3[%add3A_200] : memref<320000xi32, #tpu.memory_space<hbm>> -> memref<128xi32, #tpu.memory_space<hbm>>
    %dma_start3A_202 = tpu.memref_slice %arg3[%add3A_200] : memref<320000xi32, #tpu.memory_space<hbm>> -> memref<128xi32, #tpu.memory_space<hbm>>
    tpu.enqueue_dma source(%dma_start3A_202 : memref<128xi32, #tpu.memory_space<hbm>>) target(%arg10 : memref<128xi32, #tpu.memory_space<vmem>>) target_semaphore(%arg19 : memref<!tpu.dma_semaphore, #tpu.memory_space<semaphore_mem>>)
    %dma_start3A_203 = tpu.memref_slice %arg4[%add3A_200] : memref<320000xi32, #tpu.memory_space<hbm>> -> memref<128xi32, #tpu.memory_space<hbm>>
    %dma_start3A_204 = tpu.memref_slice %arg4[%add3A_200] : memref<320000xi32, #tpu.memory_space<hbm>> -> memref<128xi32, #tpu.memory_space<hbm>>
    tpu.enqueue_dma source(%dma_start3A_204 : memref<128xi32, #tpu.memory_space<hbm>>) target(%arg11 : memref<128xi32, #tpu.memory_space<vmem>>) target_semaphore(%arg19 : memref<!tpu.dma_semaphore, #tpu.memory_space<semaphore_mem>>)
    %scan3A_205 = arith.constant 0 : i32
    %scan3A_206 = arith.constant 0 : i32
    %scan3A_207 = arith.constant 18 : i32
    %scan3A_208 = arith.addi %scan3A_206, %scan3A_207 : i32
    %scan3A_209 = arith.constant 1 : i32
    scf.for %scan3A_266 = %scan3A_206 to %scan3A_208 step %scan3A_209  : i32 {
      %add3A_267 = arith.constant 1 : i32
      %add3A_268 = arith.addi %scan3A_266, %add3A_267 : i32
      %mul3A_269 = arith.constant 4 : i32
      %mul3A_270 = arith.muli %mul3A_269, %add3A_268 : i32
      %add3A_271 = arith.constant 1 : i32
      %add3A_272 = arith.addi %mul3A_270, %add3A_271 : i32
      %dma_wait3A_273 = arith.constant 0 : i32
      %dma_wait3A_274 = tpu.memref_slice %arg3[%dma_wait3A_273] : memref<320000xi32, #tpu.memory_space<hbm>> -> memref<128xi32, #tpu.memory_space<hbm>>
      %dma_wait3A_275 = arith.constant 0 : i32
      %dma_wait3A_276 = tpu.memref_slice %arg3[%dma_wait3A_275] : memref<320000xi32, #tpu.memory_space<hbm>> -> memref<128xi32, #tpu.memory_space<hbm>>
      tpu.wait_dma2 semaphore(%arg18 : memref<!tpu.dma_semaphore, #tpu.memory_space<semaphore_mem>>) src(%dma_wait3A_276 : memref<128xi32, #tpu.memory_space<hbm>>) dst(%arg8 : memref<128xi32, #tpu.memory_space<vmem>>)
      %dma_wait3A_277 = arith.constant 0 : i32
      %dma_wait3A_278 = tpu.memref_slice %arg4[%dma_wait3A_277] : memref<320000xi32, #tpu.memory_space<hbm>> -> memref<128xi32, #tpu.memory_space<hbm>>
      %dma_wait3A_279 = arith.constant 0 : i32
      %dma_wait3A_280 = tpu.memref_slice %arg4[%dma_wait3A_279] : memref<320000xi32, #tpu.memory_space<hbm>> -> memref<128xi32, #tpu.memory_space<hbm>>
      tpu.wait_dma2 semaphore(%arg18 : memref<!tpu.dma_semaphore, #tpu.memory_space<semaphore_mem>>) src(%dma_wait3A_280 : memref<128xi32, #tpu.memory_space<hbm>>) dst(%arg9 : memref<128xi32, #tpu.memory_space<vmem>>)
      %dma_wait3A_281 = arith.constant 0 : i32
      %dma_wait3A_282 = arith.constant 0 : i32
      %dma_wait3A_283 = tpu.memref_slice %arg16[%dma_wait3A_281, %dma_wait3A_282] : memref<10240x128xf32, #tpu.memory_space<vmem_shared>> -> memref<10240x128xf32, #tpu.memory_space<vmem_shared>>
      tpu.wait_indirect_dma semaphore(%arg24 : memref<!tpu.dma_semaphore, #tpu.memory_space<semaphore_mem>>) src(%arg15 : memref<128x128xf32, #tpu.memory_space<vmem>>) dst(%dma_wait3A_283 : memref<10240x128xf32, #tpu.memory_space<vmem_shared>>)
      %dma_start3A_284 = arith.constant 0 : i32
      %dma_start3A_285 = arith.constant 0 : i32
      %dma_start3A_286 = tpu.memref_slice %arg2[%dma_start3A_284, %dma_start3A_285] : memref<10000x128xf32, #tpu.memory_space<hbm>> -> memref<10000x128xf32, #tpu.memory_space<hbm>>
      tpu.enqueue_indirect_dma source(%dma_start3A_286 : memref<10000x128xf32, #tpu.memory_space<hbm>>) target(%arg15 : memref<128x128xf32, #tpu.memory_space<vmem>>) offsets(%arg8 : memref<128xi32, #tpu.memory_space<vmem>>) semaphore(%arg22 : memref<!tpu.dma_semaphore, #tpu.memory_space<semaphore_mem>>)
      %dma_wait3A_287 = arith.constant 0 : i32
      %dma_wait3A_288 = arith.constant 0 : i32
      %dma_wait3A_289 = tpu.memref_slice %arg2[%dma_wait3A_287, %dma_wait3A_288] : memref<10000x128xf32, #tpu.memory_space<hbm>> -> memref<10000x128xf32, #tpu.memory_space<hbm>>
      tpu.wait_indirect_dma semaphore(%arg21 : memref<!tpu.dma_semaphore, #tpu.memory_space<semaphore_mem>>) src(%dma_wait3A_289 : memref<10000x128xf32, #tpu.memory_space<hbm>>) dst(%arg14 : memref<128x128xf32, #tpu.memory_space<vmem>>)
      %dma_start3A_290 = arith.constant 0 : i32
      %dma_start3A_291 = arith.constant 0 : i32
      %dma_start3A_292 = tpu.memref_slice %arg16[%dma_start3A_290, %dma_start3A_291] : memref<10240x128xf32, #tpu.memory_space<vmem_shared>> -> memref<10240x128xf32, #tpu.memory_space<vmem_shared>>
      tpu.enqueue_indirect_dma source(%arg14 : memref<128x128xf32, #tpu.memory_space<vmem>>) target(%dma_start3A_292 : memref<10240x128xf32, #tpu.memory_space<vmem_shared>>) offsets(%arg7 : memref<128xi32, #tpu.memory_space<vmem>>) semaphore(%arg23 : memref<!tpu.dma_semaphore, #tpu.memory_space<semaphore_mem>>) {add = true}
      %add3A_293 = arith.constant 2 : i32
      %add3A_294 = arith.addi %add3A_272, %add3A_293 : i32
      %mul3A_295 = arith.constant 128 : i32
      %mul3A_296 = arith.muli %add3A_294, %mul3A_295 : i32
      %add3A_297 = arith.addi %mul3A_2, %mul3A_296 : i32
      %dma_start3A_298 = tpu.memref_slice %arg3[%add3A_297] : memref<320000xi32, #tpu.memory_space<hbm>> -> memref<128xi32, #tpu.memory_space<hbm>>
      %dma_start3A_299 = tpu.memref_slice %arg3[%add3A_297] : memref<320000xi32, #tpu.memory_space<hbm>> -> memref<128xi32, #tpu.memory_space<hbm>>
      tpu.enqueue_dma source(%dma_start3A_299 : memref<128xi32, #tpu.memory_space<hbm>>) target(%arg12 : memref<128xi32, #tpu.memory_space<vmem>>) target_semaphore(%arg20 : memref<!tpu.dma_semaphore, #tpu.memory_space<semaphore_mem>>)
      %dma_start3A_300 = tpu.memref_slice %arg4[%add3A_297] : memref<320000xi32, #tpu.memory_space<hbm>> -> memref<128xi32, #tpu.memory_space<hbm>>
      %dma_start3A_301 = tpu.memref_slice %arg4[%add3A_297] : memref<320000xi32, #tpu.memory_space<hbm>> -> memref<128xi32, #tpu.memory_space<hbm>>
      tpu.enqueue_dma source(%dma_start3A_301 : memref<128xi32, #tpu.memory_space<hbm>>) target(%arg13 : memref<128xi32, #tpu.memory_space<vmem>>) target_semaphore(%arg20 : memref<!tpu.dma_semaphore, #tpu.memory_space<semaphore_mem>>)
      %add3A_302 = arith.constant 2 : i32
      %add3A_303 = arith.addi %mul3A_270, %add3A_302 : i32
      %dma_wait3A_304 = arith.constant 0 : i32
      %dma_wait3A_305 = tpu.memref_slice %arg3[%dma_wait3A_304] : memref<320000xi32, #tpu.memory_space<hbm>> -> memref<128xi32, #tpu.memory_space<hbm>>
      %dma_wait3A_306 = arith.constant 0 : i32
      %dma_wait3A_307 = tpu.memref_slice %arg3[%dma_wait3A_306] : memref<320000xi32, #tpu.memory_space<hbm>> -> memref<128xi32, #tpu.memory_space<hbm>>
      tpu.wait_dma2 semaphore(%arg19 : memref<!tpu.dma_semaphore, #tpu.memory_space<semaphore_mem>>) src(%dma_wait3A_307 : memref<128xi32, #tpu.memory_space<hbm>>) dst(%arg10 : memref<128xi32, #tpu.memory_space<vmem>>)
      %dma_wait3A_308 = arith.constant 0 : i32
      %dma_wait3A_309 = tpu.memref_slice %arg4[%dma_wait3A_308] : memref<320000xi32, #tpu.memory_space<hbm>> -> memref<128xi32, #tpu.memory_space<hbm>>
      %dma_wait3A_310 = arith.constant 0 : i32
      %dma_wait3A_311 = tpu.memref_slice %arg4[%dma_wait3A_310] : memref<320000xi32, #tpu.memory_space<hbm>> -> memref<128xi32, #tpu.memory_space<hbm>>
      tpu.wait_dma2 semaphore(%arg19 : memref<!tpu.dma_semaphore, #tpu.memory_space<semaphore_mem>>) src(%dma_wait3A_311 : memref<128xi32, #tpu.memory_space<hbm>>) dst(%arg11 : memref<128xi32, #tpu.memory_space<vmem>>)
      %dma_wait3A_312 = arith.constant 0 : i32
      %dma_wait3A_313 = arith.constant 0 : i32
      %dma_wait3A_314 = tpu.memref_slice %arg16[%dma_wait3A_312, %dma_wait3A_313] : memref<10240x128xf32, #tpu.memory_space<vmem_shared>> -> memref<10240x128xf32, #tpu.memory_space<vmem_shared>>
      tpu.wait_indirect_dma semaphore(%arg23 : memref<!tpu.dma_semaphore, #tpu.memory_space<semaphore_mem>>) src(%arg14 : memref<128x128xf32, #tpu.memory_space<vmem>>) dst(%dma_wait3A_314 : memref<10240x128xf32, #tpu.memory_space<vmem_shared>>)
      %dma_start3A_315 = arith.constant 0 : i32
      %dma_start3A_316 = arith.constant 0 : i32
      %dma_start3A_317 = tpu.memref_slice %arg2[%dma_start3A_315, %dma_start3A_316] : memref<10000x128xf32, #tpu.memory_space<hbm>> -> memref<10000x128xf32, #tpu.memory_space<hbm>>
      tpu.enqueue_indirect_dma source(%dma_start3A_317 : memref<10000x128xf32, #tpu.memory_space<hbm>>) target(%arg14 : memref<128x128xf32, #tpu.memory_space<vmem>>) offsets(%arg10 : memref<128xi32, #tpu.memory_space<vmem>>) semaphore(%arg21 : memref<!tpu.dma_semaphore, #tpu.memory_space<semaphore_mem>>)
      %dma_wait3A_318 = arith.constant 0 : i32
      %dma_wait3A_319 = arith.constant 0 : i32
      %dma_wait3A_320 = tpu.memref_slice %arg2[%dma_wait3A_318, %dma_wait3A_319] : memref<10000x128xf32, #tpu.memory_space<hbm>> -> memref<10000x128xf32, #tpu.memory_space<hbm>>
      tpu.wait_indirect_dma semaphore(%arg22 : memref<!tpu.dma_semaphore, #tpu.memory_space<semaphore_mem>>) src(%dma_wait3A_320 : memref<10000x128xf32, #tpu.memory_space<hbm>>) dst(%arg15 : memref<128x128xf32, #tpu.memory_space<vmem>>)
      %dma_start3A_321 = arith.constant 0 : i32
      %dma_start3A_322 = arith.constant 0 : i32
      %dma_start3A_323 = tpu.memref_slice %arg16[%dma_start3A_321, %dma_start3A_322] : memref<10240x128xf32, #tpu.memory_space<vmem_shared>> -> memref<10240x128xf32, #tpu.memory_space<vmem_shared>>
      tpu.enqueue_indirect_dma source(%arg15 : memref<128x128xf32, #tpu.memory_space<vmem>>) target(%dma_start3A_323 : memref<10240x128xf32, #tpu.memory_space<vmem_shared>>) offsets(%arg9 : memref<128xi32, #tpu.memory_space<vmem>>) semaphore(%arg24 : memref<!tpu.dma_semaphore, #tpu.memory_space<semaphore_mem>>) {add = true}
      %add3A_324 = arith.constant 2 : i32
      %add3A_325 = arith.addi %add3A_303, %add3A_324 : i32
      %mul3A_326 = arith.constant 128 : i32
      %mul3A_327 = arith.muli %add3A_325, %mul3A_326 : i32
      %add3A_328 = arith.addi %mul3A_2, %mul3A_327 : i32
      %dma_start3A_329 = tpu.memref_slice %arg3[%add3A_328] : memref<320000xi32, #tpu.memory_space<hbm>> -> memref<128xi32, #tpu.memory_space<hbm>>
      %dma_start3A_330 = tpu.memref_slice %arg3[%add3A_328] : memref<320000xi32, #tpu.memory_space<hbm>> -> memref<128xi32, #tpu.memory_space<hbm>>
      tpu.enqueue_dma source(%dma_start3A_330 : memref<128xi32, #tpu.memory_space<hbm>>) target(%arg6 : memref<128xi32, #tpu.memory_space<vmem>>) target_semaphore(%arg17 : memref<!tpu.dma_semaphore, #tpu.memory_space<semaphore_mem>>)
      %dma_start3A_331 = tpu.memref_slice %arg4[%add3A_328] : memref<320000xi32, #tpu.memory_space<hbm>> -> memref<128xi32, #tpu.memory_space<hbm>>
      %dma_start3A_332 = tpu.memref_slice %arg4[%add3A_328] : memref<320000xi32, #tpu.memory_space<hbm>> -> memref<128xi32, #tpu.memory_space<hbm>>
      tpu.enqueue_dma source(%dma_start3A_332 : memref<128xi32, #tpu.memory_space<hbm>>) target(%arg7 : memref<128xi32, #tpu.memory_space<vmem>>) target_semaphore(%arg17 : memref<!tpu.dma_semaphore, #tpu.memory_space<semaphore_mem>>)
      %add3A_333 = arith.constant 3 : i32
      %add3A_334 = arith.addi %mul3A_270, %add3A_333 : i32
      %dma_wait3A_335 = arith.constant 0 : i32
      %dma_wait3A_336 = tpu.memref_slice %arg3[%dma_wait3A_335] : memref<320000xi32, #tpu.memory_space<hbm>> -> memref<128xi32, #tpu.memory_space<hbm>>
      %dma_wait3A_337 = arith.constant 0 : i32
      %dma_wait3A_338 = tpu.memref_slice %arg3[%dma_wait3A_337] : memref<320000xi32, #tpu.memory_space<hbm>> -> memref<128xi32, #tpu.memory_space<hbm>>
      tpu.wait_dma2 semaphore(%arg20 : memref<!tpu.dma_semaphore, #tpu.memory_space<semaphore_mem>>) src(%dma_wait3A_338 : memref<128xi32, #tpu.memory_space<hbm>>) dst(%arg12 : memref<128xi32, #tpu.memory_space<vmem>>)
      %dma_wait3A_339 = arith.constant 0 : i32
      %dma_wait3A_340 = tpu.memref_slice %arg4[%dma_wait3A_339] : memref<320000xi32, #tpu.memory_space<hbm>> -> memref<128xi32, #tpu.memory_space<hbm>>
      %dma_wait3A_341 = arith.constant 0 : i32
      %dma_wait3A_342 = tpu.memref_slice %arg4[%dma_wait3A_341] : memref<320000xi32, #tpu.memory_space<hbm>> -> memref<128xi32, #tpu.memory_space<hbm>>
      tpu.wait_dma2 semaphore(%arg20 : memref<!tpu.dma_semaphore, #tpu.memory_space<semaphore_mem>>) src(%dma_wait3A_342 : memref<128xi32, #tpu.memory_space<hbm>>) dst(%arg13 : memref<128xi32, #tpu.memory_space<vmem>>)
      %dma_wait3A_343 = arith.constant 0 : i32
      %dma_wait3A_344 = arith.constant 0 : i32
      %dma_wait3A_345 = tpu.memref_slice %arg16[%dma_wait3A_343, %dma_wait3A_344] : memref<10240x128xf32, #tpu.memory_space<vmem_shared>> -> memref<10240x128xf32, #tpu.memory_space<vmem_shared>>
      tpu.wait_indirect_dma semaphore(%arg24 : memref<!tpu.dma_semaphore, #tpu.memory_space<semaphore_mem>>) src(%arg15 : memref<128x128xf32, #tpu.memory_space<vmem>>) dst(%dma_wait3A_345 : memref<10240x128xf32, #tpu.memory_space<vmem_shared>>)
      %dma_start3A_346 = arith.constant 0 : i32
      %dma_start3A_347 = arith.constant 0 : i32
      %dma_start3A_348 = tpu.memref_slice %arg2[%dma_start3A_346, %dma_start3A_347] : memref<10000x128xf32, #tpu.memory_space<hbm>> -> memref<10000x128xf32, #tpu.memory_space<hbm>>
      tpu.enqueue_indirect_dma source(%dma_start3A_348 : memref<10000x128xf32, #tpu.memory_space<hbm>>) target(%arg15 : memref<128x128xf32, #tpu.memory_space<vmem>>) offsets(%arg12 : memref<128xi32, #tpu.memory_space<vmem>>) semaphore(%arg22 : memref<!tpu.dma_semaphore, #tpu.memory_space<semaphore_mem>>)
      %dma_wait3A_349 = arith.constant 0 : i32
      %dma_wait3A_350 = arith.constant 0 : i32
      %dma_wait3A_351 = tpu.memref_slice %arg2[%dma_wait3A_349, %dma_wait3A_350] : memref<10000x128xf32, #tpu.memory_space<hbm>> -> memref<10000x128xf32, #tpu.memory_space<hbm>>
      tpu.wait_indirect_dma semaphore(%arg21 : memref<!tpu.dma_semaphore, #tpu.memory_space<semaphore_mem>>) src(%dma_wait3A_351 : memref<10000x128xf32, #tpu.memory_space<hbm>>) dst(%arg14 : memref<128x128xf32, #tpu.memory_space<vmem>>)
      %dma_start3A_352 = arith.constant 0 : i32
      %dma_start3A_353 = arith.constant 0 : i32
      %dma_start3A_354 = tpu.memref_slice %arg16[%dma_start3A_352, %dma_start3A_353] : memref<10240x128xf32, #tpu.memory_space<vmem_shared>> -> memref<10240x128xf32, #tpu.memory_space<vmem_shared>>
      tpu.enqueue_indirect_dma source(%arg14 : memref<128x128xf32, #tpu.memory_space<vmem>>) target(%dma_start3A_354 : memref<10240x128xf32, #tpu.memory_space<vmem_shared>>) offsets(%arg11 : memref<128xi32, #tpu.memory_space<vmem>>) semaphore(%arg23 : memref<!tpu.dma_semaphore, #tpu.memory_space<semaphore_mem>>) {add = true}
      %add3A_355 = arith.constant 2 : i32
      %add3A_356 = arith.addi %add3A_334, %add3A_355 : i32
      %mul3A_357 = arith.constant 128 : i32
      %mul3A_358 = arith.muli %add3A_356, %mul3A_357 : i32
      %add3A_359 = arith.addi %mul3A_2, %mul3A_358 : i32
      %dma_start3A_360 = tpu.memref_slice %arg3[%add3A_359] : memref<320000xi32, #tpu.memory_space<hbm>> -> memref<128xi32, #tpu.memory_space<hbm>>
      %dma_start3A_361 = tpu.memref_slice %arg3[%add3A_359] : memref<320000xi32, #tpu.memory_space<hbm>> -> memref<128xi32, #tpu.memory_space<hbm>>
      tpu.enqueue_dma source(%dma_start3A_361 : memref<128xi32, #tpu.memory_space<hbm>>) target(%arg8 : memref<128xi32, #tpu.memory_space<vmem>>) target_semaphore(%arg18 : memref<!tpu.dma_semaphore, #tpu.memory_space<semaphore_mem>>)
      %dma_start3A_362 = tpu.memref_slice %arg4[%add3A_359] : memref<320000xi32, #tpu.memory_space<hbm>> -> memref<128xi32, #tpu.memory_space<hbm>>
      %dma_start3A_363 = tpu.memref_slice %arg4[%add3A_359] : memref<320000xi32, #tpu.memory_space<hbm>> -> memref<128xi32, #tpu.memory_space<hbm>>
      tpu.enqueue_dma source(%dma_start3A_363 : memref<128xi32, #tpu.memory_space<hbm>>) target(%arg9 : memref<128xi32, #tpu.memory_space<vmem>>) target_semaphore(%arg18 : memref<!tpu.dma_semaphore, #tpu.memory_space<semaphore_mem>>)
      %add3A_364 = arith.constant 4 : i32
      %add3A_365 = arith.addi %mul3A_270, %add3A_364 : i32
      %lt3A_366 = arith.constant 18 : i32
      %lt3A_367 = arith.cmpi slt, %add3A_268, %lt3A_366 : i32
      %dma_wait3A_368 = arith.constant 0 : i32
      %dma_wait3A_369 = tpu.memref_slice %arg3[%dma_wait3A_368] : memref<320000xi32, #tpu.memory_space<hbm>> -> memref<128xi32, #tpu.memory_space<hbm>>
      %dma_wait3A_370 = arith.constant 0 : i32
      %dma_wait3A_371 = tpu.memref_slice %arg3[%dma_wait3A_370] : memref<320000xi32, #tpu.memory_space<hbm>> -> memref<128xi32, #tpu.memory_space<hbm>>
      tpu.wait_dma2 semaphore(%arg17 : memref<!tpu.dma_semaphore, #tpu.memory_space<semaphore_mem>>) src(%dma_wait3A_371 : memref<128xi32, #tpu.memory_space<hbm>>) dst(%arg6 : memref<128xi32, #tpu.memory_space<vmem>>)
      %dma_wait3A_372 = arith.constant 0 : i32
      %dma_wait3A_373 = tpu.memref_slice %arg4[%dma_wait3A_372] : memref<320000xi32, #tpu.memory_space<hbm>> -> memref<128xi32, #tpu.memory_space<hbm>>
      %dma_wait3A_374 = arith.constant 0 : i32
      %dma_wait3A_375 = tpu.memref_slice %arg4[%dma_wait3A_374] : memref<320000xi32, #tpu.memory_space<hbm>> -> memref<128xi32, #tpu.memory_space<hbm>>
      tpu.wait_dma2 semaphore(%arg17 : memref<!tpu.dma_semaphore, #tpu.memory_space<semaphore_mem>>) src(%dma_wait3A_375 : memref<128xi32, #tpu.memory_space<hbm>>) dst(%arg7 : memref<128xi32, #tpu.memory_space<vmem>>)
      %dma_wait3A_376 = arith.constant 0 : i32
      %dma_wait3A_377 = arith.constant 0 : i32
      %dma_wait3A_378 = tpu.memref_slice %arg16[%dma_wait3A_376, %dma_wait3A_377] : memref<10240x128xf32, #tpu.memory_space<vmem_shared>> -> memref<10240x128xf32, #tpu.memory_space<vmem_shared>>
      tpu.wait_indirect_dma semaphore(%arg23 : memref<!tpu.dma_semaphore, #tpu.memory_space<semaphore_mem>>) src(%arg14 : memref<128x128xf32, #tpu.memory_space<vmem>>) dst(%dma_wait3A_378 : memref<10240x128xf32, #tpu.memory_space<vmem_shared>>)
      %dma_start3A_379 = arith.constant 0 : i32
      %dma_start3A_380 = arith.constant 0 : i32
      %dma_start3A_381 = tpu.memref_slice %arg2[%dma_start3A_379, %dma_start3A_380] : memref<10000x128xf32, #tpu.memory_space<hbm>> -> memref<10000x128xf32, #tpu.memory_space<hbm>>
      tpu.enqueue_indirect_dma source(%dma_start3A_381 : memref<10000x128xf32, #tpu.memory_space<hbm>>) target(%arg14 : memref<128x128xf32, #tpu.memory_space<vmem>>) offsets(%arg6 : memref<128xi32, #tpu.memory_space<vmem>>) semaphore(%arg21 : memref<!tpu.dma_semaphore, #tpu.memory_space<semaphore_mem>>)
      %dma_wait3A_382 = arith.constant 0 : i32
      %dma_wait3A_383 = arith.constant 0 : i32
      %dma_wait3A_384 = tpu.memref_slice %arg2[%dma_wait3A_382, %dma_wait3A_383] : memref<10000x128xf32, #tpu.memory_space<hbm>> -> memref<10000x128xf32, #tpu.memory_space<hbm>>
      tpu.wait_indirect_dma semaphore(%arg22 : memref<!tpu.dma_semaphore, #tpu.memory_space<semaphore_mem>>) src(%dma_wait3A_384 : memref<10000x128xf32, #tpu.memory_space<hbm>>) dst(%arg15 : memref<128x128xf32, #tpu.memory_space<vmem>>)
      %dma_start3A_385 = arith.constant 0 : i32
      %dma_start3A_386 = arith.constant 0 : i32
      %dma_start3A_387 = tpu.memref_slice %arg16[%dma_start3A_385, %dma_start3A_386] : memref<10240x128xf32, #tpu.memory_space<vmem_shared>> -> memref<10240x128xf32, #tpu.memory_space<vmem_shared>>
      tpu.enqueue_indirect_dma source(%arg15 : memref<128x128xf32, #tpu.memory_space<vmem>>) target(%dma_start3A_387 : memref<10240x128xf32, #tpu.memory_space<vmem_shared>>) offsets(%arg13 : memref<128xi32, #tpu.memory_space<vmem>>) semaphore(%arg24 : memref<!tpu.dma_semaphore, #tpu.memory_space<semaphore_mem>>) {add = true}
      %add3A_388 = arith.constant 2 : i32
      %add3A_389 = arith.addi %add3A_365, %add3A_388 : i32
      %mul3A_390 = arith.constant 128 : i32
      %mul3A_391 = arith.muli %add3A_389, %mul3A_390 : i32
      %add3A_392 = arith.addi %mul3A_2, %mul3A_391 : i32
      %convert_element_type3A_393 = arith.extui %lt3A_367 : i1 to i32
      %cond3A_394 = arith.constant 0 : i32
      %cond3A_395 = arith.cmpi ne, %convert_element_type3A_393, %cond3A_394 : i32
      scf.if %cond3A_395 {
        %dma_start3A_396 = tpu.memref_slice %arg3[%add3A_392] : memref<320000xi32, #tpu.memory_space<hbm>> -> memref<128xi32, #tpu.memory_space<hbm>>
        %dma_start3A_397 = tpu.memref_slice %arg3[%add3A_392] : memref<320000xi32, #tpu.memory_space<hbm>> -> memref<128xi32, #tpu.memory_space<hbm>>
        tpu.enqueue_dma source(%dma_start3A_397 : memref<128xi32, #tpu.memory_space<hbm>>) target(%arg10 : memref<128xi32, #tpu.memory_space<vmem>>) target_semaphore(%arg19 : memref<!tpu.dma_semaphore, #tpu.memory_space<semaphore_mem>>)
        %dma_start3A_398 = tpu.memref_slice %arg4[%add3A_392] : memref<320000xi32, #tpu.memory_space<hbm>> -> memref<128xi32, #tpu.memory_space<hbm>>
        %dma_start3A_399 = tpu.memref_slice %arg4[%add3A_392] : memref<320000xi32, #tpu.memory_space<hbm>> -> memref<128xi32, #tpu.memory_space<hbm>>
        tpu.enqueue_dma source(%dma_start3A_399 : memref<128xi32, #tpu.memory_space<hbm>>) target(%arg11 : memref<128xi32, #tpu.memory_space<vmem>>) target_semaphore(%arg19 : memref<!tpu.dma_semaphore, #tpu.memory_space<semaphore_mem>>)
      } else {
      }
    }
    %scan3A_210 = arith.constant 18 : i32
    %dma_wait3A_211 = arith.constant 0 : i32
    %dma_wait3A_212 = tpu.memref_slice %arg3[%dma_wait3A_211] : memref<320000xi32, #tpu.memory_space<hbm>> -> memref<128xi32, #tpu.memory_space<hbm>>
    %dma_wait3A_213 = arith.constant 0 : i32
    %dma_wait3A_214 = tpu.memref_slice %arg3[%dma_wait3A_213] : memref<320000xi32, #tpu.memory_space<hbm>> -> memref<128xi32, #tpu.memory_space<hbm>>
    tpu.wait_dma2 semaphore(%arg18 : memref<!tpu.dma_semaphore, #tpu.memory_space<semaphore_mem>>) src(%dma_wait3A_214 : memref<128xi32, #tpu.memory_space<hbm>>) dst(%arg8 : memref<128xi32, #tpu.memory_space<vmem>>)
    %dma_wait3A_215 = arith.constant 0 : i32
    %dma_wait3A_216 = tpu.memref_slice %arg4[%dma_wait3A_215] : memref<320000xi32, #tpu.memory_space<hbm>> -> memref<128xi32, #tpu.memory_space<hbm>>
    %dma_wait3A_217 = arith.constant 0 : i32
    %dma_wait3A_218 = tpu.memref_slice %arg4[%dma_wait3A_217] : memref<320000xi32, #tpu.memory_space<hbm>> -> memref<128xi32, #tpu.memory_space<hbm>>
    tpu.wait_dma2 semaphore(%arg18 : memref<!tpu.dma_semaphore, #tpu.memory_space<semaphore_mem>>) src(%dma_wait3A_218 : memref<128xi32, #tpu.memory_space<hbm>>) dst(%arg9 : memref<128xi32, #tpu.memory_space<vmem>>)
    %dma_wait3A_219 = arith.constant 0 : i32
    %dma_wait3A_220 = arith.constant 0 : i32
    %dma_wait3A_221 = tpu.memref_slice %arg16[%dma_wait3A_219, %dma_wait3A_220] : memref<10240x128xf32, #tpu.memory_space<vmem_shared>> -> memref<10240x128xf32, #tpu.memory_space<vmem_shared>>
    tpu.wait_indirect_dma semaphore(%arg24 : memref<!tpu.dma_semaphore, #tpu.memory_space<semaphore_mem>>) src(%arg15 : memref<128x128xf32, #tpu.memory_space<vmem>>) dst(%dma_wait3A_221 : memref<10240x128xf32, #tpu.memory_space<vmem_shared>>)
    %dma_start3A_222 = arith.constant 0 : i32
    %dma_start3A_223 = arith.constant 0 : i32
    %dma_start3A_224 = tpu.memref_slice %arg2[%dma_start3A_222, %dma_start3A_223] : memref<10000x128xf32, #tpu.memory_space<hbm>> -> memref<10000x128xf32, #tpu.memory_space<hbm>>
    tpu.enqueue_indirect_dma source(%dma_start3A_224 : memref<10000x128xf32, #tpu.memory_space<hbm>>) target(%arg15 : memref<128x128xf32, #tpu.memory_space<vmem>>) offsets(%arg8 : memref<128xi32, #tpu.memory_space<vmem>>) semaphore(%arg22 : memref<!tpu.dma_semaphore, #tpu.memory_space<semaphore_mem>>)
    %dma_wait3A_225 = arith.constant 0 : i32
    %dma_wait3A_226 = arith.constant 0 : i32
    %dma_wait3A_227 = tpu.memref_slice %arg2[%dma_wait3A_225, %dma_wait3A_226] : memref<10000x128xf32, #tpu.memory_space<hbm>> -> memref<10000x128xf32, #tpu.memory_space<hbm>>
    tpu.wait_indirect_dma semaphore(%arg21 : memref<!tpu.dma_semaphore, #tpu.memory_space<semaphore_mem>>) src(%dma_wait3A_227 : memref<10000x128xf32, #tpu.memory_space<hbm>>) dst(%arg14 : memref<128x128xf32, #tpu.memory_space<vmem>>)
    %dma_start3A_228 = arith.constant 0 : i32
    %dma_start3A_229 = arith.constant 0 : i32
    %dma_start3A_230 = tpu.memref_slice %arg16[%dma_start3A_228, %dma_start3A_229] : memref<10240x128xf32, #tpu.memory_space<vmem_shared>> -> memref<10240x128xf32, #tpu.memory_space<vmem_shared>>
    tpu.enqueue_indirect_dma source(%arg14 : memref<128x128xf32, #tpu.memory_space<vmem>>) target(%dma_start3A_230 : memref<10240x128xf32, #tpu.memory_space<vmem_shared>>) offsets(%arg7 : memref<128xi32, #tpu.memory_space<vmem>>) semaphore(%arg23 : memref<!tpu.dma_semaphore, #tpu.memory_space<semaphore_mem>>) {add = true}
    %dma_wait3A_231 = arith.constant 0 : i32
    %dma_wait3A_232 = arith.constant 0 : i32
    %dma_wait3A_233 = tpu.memref_slice %arg2[%dma_wait3A_231, %dma_wait3A_232] : memref<10000x128xf32, #tpu.memory_space<hbm>> -> memref<10000x128xf32, #tpu.memory_space<hbm>>
    tpu.wait_indirect_dma semaphore(%arg22 : memref<!tpu.dma_semaphore, #tpu.memory_space<semaphore_mem>>) src(%dma_wait3A_233 : memref<10000x128xf32, #tpu.memory_space<hbm>>) dst(%arg15 : memref<128x128xf32, #tpu.memory_space<vmem>>)
    %dma_start3A_234 = arith.constant 0 : i32
    %dma_start3A_235 = arith.constant 0 : i32
    %dma_start3A_236 = tpu.memref_slice %arg16[%dma_start3A_234, %dma_start3A_235] : memref<10240x128xf32, #tpu.memory_space<vmem_shared>> -> memref<10240x128xf32, #tpu.memory_space<vmem_shared>>
    tpu.enqueue_indirect_dma source(%arg15 : memref<128x128xf32, #tpu.memory_space<vmem>>) target(%dma_start3A_236 : memref<10240x128xf32, #tpu.memory_space<vmem_shared>>) offsets(%arg9 : memref<128xi32, #tpu.memory_space<vmem>>) semaphore(%arg24 : memref<!tpu.dma_semaphore, #tpu.memory_space<semaphore_mem>>) {add = true}
    %dma_wait3A_237 = arith.constant 0 : i32
    %dma_wait3A_238 = arith.constant 0 : i32
    %dma_wait3A_239 = tpu.memref_slice %arg16[%dma_wait3A_237, %dma_wait3A_238] : memref<10240x128xf32, #tpu.memory_space<vmem_shared>> -> memref<10240x128xf32, #tpu.memory_space<vmem_shared>>
    tpu.wait_indirect_dma semaphore(%arg23 : memref<!tpu.dma_semaphore, #tpu.memory_space<semaphore_mem>>) src(%arg14 : memref<128x128xf32, #tpu.memory_space<vmem>>) dst(%dma_wait3A_239 : memref<10240x128xf32, #tpu.memory_space<vmem_shared>>)
    %dma_wait3A_240 = arith.constant 0 : i32
    %dma_wait3A_241 = arith.constant 0 : i32
    %dma_wait3A_242 = tpu.memref_slice %arg16[%dma_wait3A_240, %dma_wait3A_241] : memref<10240x128xf32, #tpu.memory_space<vmem_shared>> -> memref<10240x128xf32, #tpu.memory_space<vmem_shared>>
    tpu.wait_indirect_dma semaphore(%arg24 : memref<!tpu.dma_semaphore, #tpu.memory_space<semaphore_mem>>) src(%arg15 : memref<128x128xf32, #tpu.memory_space<vmem>>) dst(%dma_wait3A_242 : memref<10240x128xf32, #tpu.memory_space<vmem_shared>>)
    %lt3A = arith.constant 4 : i32
    %lt3A_243 = arith.cmpi slt, %add3A, %lt3A : i32
    %convert_element_type3A = arith.extui %lt3A_243 : i1 to i32
    %cond3A = arith.constant 0 : i32
    %cond3A_244 = arith.cmpi ne, %convert_element_type3A, %cond3A : i32
    scf.if %cond3A_244 {
      %mul3A_266 = arith.constant 128 : i32
      %mul3A_267 = arith.muli %add3A, %mul3A_266 : i32
      %add3A_268 = arith.constant 319488 : i32
      %add3A_269 = arith.addi %add3A_268, %mul3A_267 : i32
      %dma_start3A_270 = tpu.memref_slice %arg3[%add3A_269] : memref<320000xi32, #tpu.memory_space<hbm>> -> memref<128xi32, #tpu.memory_space<hbm>>
      %dma_start3A_271 = tpu.memref_slice %arg3[%add3A_269] : memref<320000xi32, #tpu.memory_space<hbm>> -> memref<128xi32, #tpu.memory_space<hbm>>
      tpu.enqueue_dma source(%dma_start3A_271 : memref<128xi32, #tpu.memory_space<hbm>>) target(%arg10 : memref<128xi32, #tpu.memory_space<vmem>>) target_semaphore(%arg19 : memref<!tpu.dma_semaphore, #tpu.memory_space<semaphore_mem>>)
      %dma_start3A_272 = tpu.memref_slice %arg4[%add3A_269] : memref<320000xi32, #tpu.memory_space<hbm>> -> memref<128xi32, #tpu.memory_space<hbm>>
      %dma_start3A_273 = tpu.memref_slice %arg4[%add3A_269] : memref<320000xi32, #tpu.memory_space<hbm>> -> memref<128xi32, #tpu.memory_space<hbm>>
      tpu.enqueue_dma source(%dma_start3A_273 : memref<128xi32, #tpu.memory_space<hbm>>) target(%arg11 : memref<128xi32, #tpu.memory_space<vmem>>) target_semaphore(%arg19 : memref<!tpu.dma_semaphore, #tpu.memory_space<semaphore_mem>>)
      %dma_wait3A_274 = arith.constant 0 : i32
      %dma_wait3A_275 = tpu.memref_slice %arg3[%dma_wait3A_274] : memref<320000xi32, #tpu.memory_space<hbm>> -> memref<128xi32, #tpu.memory_space<hbm>>
      %dma_wait3A_276 = arith.constant 0 : i32
      %dma_wait3A_277 = tpu.memref_slice %arg3[%dma_wait3A_276] : memref<320000xi32, #tpu.memory_space<hbm>> -> memref<128xi32, #tpu.memory_space<hbm>>
      tpu.wait_dma2 semaphore(%arg19 : memref<!tpu.dma_semaphore, #tpu.memory_space<semaphore_mem>>) src(%dma_wait3A_277 : memref<128xi32, #tpu.memory_space<hbm>>) dst(%arg10 : memref<128xi32, #tpu.memory_space<vmem>>)
      %dma_wait3A_278 = arith.constant 0 : i32
      %dma_wait3A_279 = tpu.memref_slice %arg4[%dma_wait3A_278] : memref<320000xi32, #tpu.memory_space<hbm>> -> memref<128xi32, #tpu.memory_space<hbm>>
      %dma_wait3A_280 = arith.constant 0 : i32
      %dma_wait3A_281 = tpu.memref_slice %arg4[%dma_wait3A_280] : memref<320000xi32, #tpu.memory_space<hbm>> -> memref<128xi32, #tpu.memory_space<hbm>>
      tpu.wait_dma2 semaphore(%arg19 : memref<!tpu.dma_semaphore, #tpu.memory_space<semaphore_mem>>) src(%dma_wait3A_281 : memref<128xi32, #tpu.memory_space<hbm>>) dst(%arg11 : memref<128xi32, #tpu.memory_space<vmem>>)
      %dma_start3A_282 = arith.constant 0 : i32
      %dma_start3A_283 = arith.constant 0 : i32
      %dma_start3A_284 = tpu.memref_slice %arg2[%dma_start3A_282, %dma_start3A_283] : memref<10000x128xf32, #tpu.memory_space<hbm>> -> memref<10000x128xf32, #tpu.memory_space<hbm>>
      tpu.enqueue_indirect_dma source(%dma_start3A_284 : memref<10000x128xf32, #tpu.memory_space<hbm>>) target(%arg14 : memref<128x128xf32, #tpu.memory_space<vmem>>) offsets(%arg10 : memref<128xi32, #tpu.memory_space<vmem>>) semaphore(%arg21 : memref<!tpu.dma_semaphore, #tpu.memory_space<semaphore_mem>>)
      %dma_wait3A_285 = arith.constant 0 : i32
      %dma_wait3A_286 = arith.constant 0 : i32
      %dma_wait3A_287 = tpu.memref_slice %arg2[%dma_wait3A_285, %dma_wait3A_286] : memref<10000x128xf32, #tpu.memory_space<hbm>> -> memref<10000x128xf32, #tpu.memory_space<hbm>>
      tpu.wait_indirect_dma semaphore(%arg21 : memref<!tpu.dma_semaphore, #tpu.memory_space<semaphore_mem>>) src(%dma_wait3A_287 : memref<10000x128xf32, #tpu.memory_space<hbm>>) dst(%arg14 : memref<128x128xf32, #tpu.memory_space<vmem>>)
      "tpu.region"() ({
        %run_scoped3A = tpu.sem_alloc : memref<!tpu.dma_semaphore, #tpu.memory_space<semaphore_mem>>
        %dma_start3A_288 = arith.constant 0 : i32
        %dma_start3A_289 = arith.constant 0 : i32
        %dma_start3A_290 = tpu.memref_slice %arg16[%dma_start3A_288, %dma_start3A_289] : memref<10240x128xf32, #tpu.memory_space<vmem_shared>> -> memref<10240x128xf32, #tpu.memory_space<vmem_shared>>
        tpu.enqueue_indirect_dma source(%arg14 : memref<128x128xf32, #tpu.memory_space<vmem>>) target(%dma_start3A_290 : memref<10240x128xf32, #tpu.memory_space<vmem_shared>>) offsets(%arg11 : memref<128xi32, #tpu.memory_space<vmem>>) semaphore(%run_scoped3A : memref<!tpu.dma_semaphore, #tpu.memory_space<semaphore_mem>>) {add = true}
        %dma_wait3A_291 = arith.constant 0 : i32
        %dma_wait3A_292 = arith.constant 0 : i32
        %dma_wait3A_293 = tpu.memref_slice %arg16[%dma_wait3A_291, %dma_wait3A_292] : memref<10240x128xf32, #tpu.memory_space<vmem_shared>> -> memref<10240x128xf32, #tpu.memory_space<vmem_shared>>
        tpu.wait_indirect_dma semaphore(%run_scoped3A : memref<!tpu.dma_semaphore, #tpu.memory_space<semaphore_mem>>) src(%arg14 : memref<128x128xf32, #tpu.memory_space<vmem>>) dst(%dma_wait3A_293 : memref<10240x128xf32, #tpu.memory_space<vmem_shared>>)
        tpu.yield
      }) : () -> ()
    } else {
    }
    %barrier3A_245 = arith.constant 0 : index
    tpu.barrier barrier_id(%barrier3A_245)
    %mul3A_246 = arith.constant 640 : i32
    %mul3A_247 = arith.muli %arg1, %mul3A_246 : i32
    %add3A_248 = arith.constant 0 : i32
    %add3A_249 = arith.addi %mul3A_247, %add3A_248 : i32
    "tpu.region"() ({
      %run_scoped3A = tpu.sem_alloc : memref<!tpu.dma_semaphore, #tpu.memory_space<semaphore_mem>>
      %dma_start3A_266 = arith.constant 0 : i32
      %dma_start3A_267 = tpu.memref_slice %arg5[%arg0, %add3A_249, %dma_start3A_266] : memref<2x10240x128xf32, #tpu.memory_space<hbm>> -> memref<1x128x128xf32, #tpu.memory_space<hbm>>
      %dma_start3A_268 = tpu.memref_squeeze %dma_start3A_267 : memref<1x128x128xf32, #tpu.memory_space<hbm>> -> memref<128x128xf32, #tpu.memory_space<hbm>>
      %dma_start3A_269 = arith.constant 0 : i32
      %dma_start3A_270 = tpu.memref_slice %arg16[%add3A_249, %dma_start3A_269] : memref<10240x128xf32, #tpu.memory_space<vmem_shared>> -> memref<128x128xf32, #tpu.memory_space<vmem_shared>>
      tpu.enqueue_dma source(%dma_start3A_270 : memref<128x128xf32, #tpu.memory_space<vmem_shared>>) target(%dma_start3A_268 : memref<128x128xf32, #tpu.memory_space<hbm>>) target_semaphore(%run_scoped3A : memref<!tpu.dma_semaphore, #tpu.memory_space<semaphore_mem>>)
      %dma_wait3A_271 = arith.constant 0 : i32
      %dma_wait3A_272 = tpu.memref_slice %arg5[%arg0, %add3A_249, %dma_wait3A_271] : memref<2x10240x128xf32, #tpu.memory_space<hbm>> -> memref<1x128x128xf32, #tpu.memory_space<hbm>>
      %dma_wait3A_273 = tpu.memref_squeeze %dma_wait3A_272 : memref<1x128x128xf32, #tpu.memory_space<hbm>> -> memref<128x128xf32, #tpu.memory_space<hbm>>
      %dma_wait3A_274 = arith.constant 0 : i32
      %dma_wait3A_275 = tpu.memref_slice %arg16[%add3A_249, %dma_wait3A_274] : memref<10240x128xf32, #tpu.memory_space<vmem_shared>> -> memref<128x128xf32, #tpu.memory_space<vmem_shared>>
      tpu.wait_dma2 semaphore(%run_scoped3A : memref<!tpu.dma_semaphore, #tpu.memory_space<semaphore_mem>>) src(%dma_wait3A_275 : memref<128x128xf32, #tpu.memory_space<vmem_shared>>) dst(%dma_wait3A_273 : memref<128x128xf32, #tpu.memory_space<hbm>>)
      tpu.yield
    }) : () -> ()
    %mul3A_250 = arith.constant 640 : i32
    %mul3A_251 = arith.muli %arg1, %mul3A_250 : i32
    %add3A_252 = arith.constant 128 : i32
    %add3A_253 = arith.addi %mul3A_251, %add3A_252 : i32
    "tpu.region"() ({
      %run_scoped3A = tpu.sem_alloc : memref<!tpu.dma_semaphore, #tpu.memory_space<semaphore_mem>>
      %dma_start3A_266 = arith.constant 0 : i32
      %dma_start3A_267 = tpu.memref_slice %arg5[%arg0, %add3A_253, %dma_start3A_266] : memref<2x10240x128xf32, #tpu.memory_space<hbm>> -> memref<1x128x128xf32, #tpu.memory_space<hbm>>
      %dma_start3A_268 = tpu.memref_squeeze %dma_start3A_267 : memref<1x128x128xf32, #tpu.memory_space<hbm>> -> memref<128x128xf32, #tpu.memory_space<hbm>>
      %dma_start3A_269 = arith.constant 0 : i32
      %dma_start3A_270 = tpu.memref_slice %arg16[%add3A_253, %dma_start3A_269] : memref<10240x128xf32, #tpu.memory_space<vmem_shared>> -> memref<128x128xf32, #tpu.memory_space<vmem_shared>>
      tpu.enqueue_dma source(%dma_start3A_270 : memref<128x128xf32, #tpu.memory_space<vmem_shared>>) target(%dma_start3A_268 : memref<128x128xf32, #tpu.memory_space<hbm>>) target_semaphore(%run_scoped3A : memref<!tpu.dma_semaphore, #tpu.memory_space<semaphore_mem>>)
      %dma_wait3A_271 = arith.constant 0 : i32
      %dma_wait3A_272 = tpu.memref_slice %arg5[%arg0, %add3A_253, %dma_wait3A_271] : memref<2x10240x128xf32, #tpu.memory_space<hbm>> -> memref<1x128x128xf32, #tpu.memory_space<hbm>>
      %dma_wait3A_273 = tpu.memref_squeeze %dma_wait3A_272 : memref<1x128x128xf32, #tpu.memory_space<hbm>> -> memref<128x128xf32, #tpu.memory_space<hbm>>
      %dma_wait3A_274 = arith.constant 0 : i32
      %dma_wait3A_275 = tpu.memref_slice %arg16[%add3A_253, %dma_wait3A_274] : memref<10240x128xf32, #tpu.memory_space<vmem_shared>> -> memref<128x128xf32, #tpu.memory_space<vmem_shared>>
      tpu.wait_dma2 semaphore(%run_scoped3A : memref<!tpu.dma_semaphore, #tpu.memory_space<semaphore_mem>>) src(%dma_wait3A_275 : memref<128x128xf32, #tpu.memory_space<vmem_shared>>) dst(%dma_wait3A_273 : memref<128x128xf32, #tpu.memory_space<hbm>>)
      tpu.yield
    }) : () -> ()
    %mul3A_254 = arith.constant 640 : i32
    %mul3A_255 = arith.muli %arg1, %mul3A_254 : i32
    %add3A_256 = arith.constant 256 : i32
    %add3A_257 = arith.addi %mul3A_255, %add3A_256 : i32
    "tpu.region"() ({
      %run_scoped3A = tpu.sem_alloc : memref<!tpu.dma_semaphore, #tpu.memory_space<semaphore_mem>>
      %dma_start3A_266 = arith.constant 0 : i32
      %dma_start3A_267 = tpu.memref_slice %arg5[%arg0, %add3A_257, %dma_start3A_266] : memref<2x10240x128xf32, #tpu.memory_space<hbm>> -> memref<1x128x128xf32, #tpu.memory_space<hbm>>
      %dma_start3A_268 = tpu.memref_squeeze %dma_start3A_267 : memref<1x128x128xf32, #tpu.memory_space<hbm>> -> memref<128x128xf32, #tpu.memory_space<hbm>>
      %dma_start3A_269 = arith.constant 0 : i32
      %dma_start3A_270 = tpu.memref_slice %arg16[%add3A_257, %dma_start3A_269] : memref<10240x128xf32, #tpu.memory_space<vmem_shared>> -> memref<128x128xf32, #tpu.memory_space<vmem_shared>>
      tpu.enqueue_dma source(%dma_start3A_270 : memref<128x128xf32, #tpu.memory_space<vmem_shared>>) target(%dma_start3A_268 : memref<128x128xf32, #tpu.memory_space<hbm>>) target_semaphore(%run_scoped3A : memref<!tpu.dma_semaphore, #tpu.memory_space<semaphore_mem>>)
      %dma_wait3A_271 = arith.constant 0 : i32
      %dma_wait3A_272 = tpu.memref_slice %arg5[%arg0, %add3A_257, %dma_wait3A_271] : memref<2x10240x128xf32, #tpu.memory_space<hbm>> -> memref<1x128x128xf32, #tpu.memory_space<hbm>>
      %dma_wait3A_273 = tpu.memref_squeeze %dma_wait3A_272 : memref<1x128x128xf32, #tpu.memory_space<hbm>> -> memref<128x128xf32, #tpu.memory_space<hbm>>
      %dma_wait3A_274 = arith.constant 0 : i32
      %dma_wait3A_275 = tpu.memref_slice %arg16[%add3A_257, %dma_wait3A_274] : memref<10240x128xf32, #tpu.memory_space<vmem_shared>> -> memref<128x128xf32, #tpu.memory_space<vmem_shared>>
      tpu.wait_dma2 semaphore(%run_scoped3A : memref<!tpu.dma_semaphore, #tpu.memory_space<semaphore_mem>>) src(%dma_wait3A_275 : memref<128x128xf32, #tpu.memory_space<vmem_shared>>) dst(%dma_wait3A_273 : memref<128x128xf32, #tpu.memory_space<hbm>>)
      tpu.yield
    }) : () -> ()
    %mul3A_258 = arith.constant 640 : i32
    %mul3A_259 = arith.muli %arg1, %mul3A_258 : i32
    %add3A_260 = arith.constant 384 : i32
    %add3A_261 = arith.addi %mul3A_259, %add3A_260 : i32
    "tpu.region"() ({
      %run_scoped3A = tpu.sem_alloc : memref<!tpu.dma_semaphore, #tpu.memory_space<semaphore_mem>>
      %dma_start3A_266 = arith.constant 0 : i32
      %dma_start3A_267 = tpu.memref_slice %arg5[%arg0, %add3A_261, %dma_start3A_266] : memref<2x10240x128xf32, #tpu.memory_space<hbm>> -> memref<1x128x128xf32, #tpu.memory_space<hbm>>
      %dma_start3A_268 = tpu.memref_squeeze %dma_start3A_267 : memref<1x128x128xf32, #tpu.memory_space<hbm>> -> memref<128x128xf32, #tpu.memory_space<hbm>>
      %dma_start3A_269 = arith.constant 0 : i32
      %dma_start3A_270 = tpu.memref_slice %arg16[%add3A_261, %dma_start3A_269] : memref<10240x128xf32, #tpu.memory_space<vmem_shared>> -> memref<128x128xf32, #tpu.memory_space<vmem_shared>>
      tpu.enqueue_dma source(%dma_start3A_270 : memref<128x128xf32, #tpu.memory_space<vmem_shared>>) target(%dma_start3A_268 : memref<128x128xf32, #tpu.memory_space<hbm>>) target_semaphore(%run_scoped3A : memref<!tpu.dma_semaphore, #tpu.memory_space<semaphore_mem>>)
      %dma_wait3A_271 = arith.constant 0 : i32
      %dma_wait3A_272 = tpu.memref_slice %arg5[%arg0, %add3A_261, %dma_wait3A_271] : memref<2x10240x128xf32, #tpu.memory_space<hbm>> -> memref<1x128x128xf32, #tpu.memory_space<hbm>>
      %dma_wait3A_273 = tpu.memref_squeeze %dma_wait3A_272 : memref<1x128x128xf32, #tpu.memory_space<hbm>> -> memref<128x128xf32, #tpu.memory_space<hbm>>
      %dma_wait3A_274 = arith.constant 0 : i32
      %dma_wait3A_275 = tpu.memref_slice %arg16[%add3A_261, %dma_wait3A_274] : memref<10240x128xf32, #tpu.memory_space<vmem_shared>> -> memref<128x128xf32, #tpu.memory_space<vmem_shared>>
      tpu.wait_dma2 semaphore(%run_scoped3A : memref<!tpu.dma_semaphore, #tpu.memory_space<semaphore_mem>>) src(%dma_wait3A_275 : memref<128x128xf32, #tpu.memory_space<vmem_shared>>) dst(%dma_wait3A_273 : memref<128x128xf32, #tpu.memory_space<hbm>>)
      tpu.yield
    }) : () -> ()
    %mul3A_262 = arith.constant 640 : i32
    %mul3A_263 = arith.muli %arg1, %mul3A_262 : i32
    %add3A_264 = arith.constant 512 : i32
    %add3A_265 = arith.addi %mul3A_263, %add3A_264 : i32
    "tpu.region"() ({
      %run_scoped3A = tpu.sem_alloc : memref<!tpu.dma_semaphore, #tpu.memory_space<semaphore_mem>>
      %dma_start3A_266 = arith.constant 0 : i32
      %dma_start3A_267 = tpu.memref_slice %arg5[%arg0, %add3A_265, %dma_start3A_266] : memref<2x10240x128xf32, #tpu.memory_space<hbm>> -> memref<1x128x128xf32, #tpu.memory_space<hbm>>
      %dma_start3A_268 = tpu.memref_squeeze %dma_start3A_267 : memref<1x128x128xf32, #tpu.memory_space<hbm>> -> memref<128x128xf32, #tpu.memory_space<hbm>>
      %dma_start3A_269 = arith.constant 0 : i32
      %dma_start3A_270 = tpu.memref_slice %arg16[%add3A_265, %dma_start3A_269] : memref<10240x128xf32, #tpu.memory_space<vmem_shared>> -> memref<128x128xf32, #tpu.memory_space<vmem_shared>>
      tpu.enqueue_dma source(%dma_start3A_270 : memref<128x128xf32, #tpu.memory_space<vmem_shared>>) target(%dma_start3A_268 : memref<128x128xf32, #tpu.memory_space<hbm>>) target_semaphore(%run_scoped3A : memref<!tpu.dma_semaphore, #tpu.memory_space<semaphore_mem>>)
      %dma_wait3A_271 = arith.constant 0 : i32
      %dma_wait3A_272 = tpu.memref_slice %arg5[%arg0, %add3A_265, %dma_wait3A_271] : memref<2x10240x128xf32, #tpu.memory_space<hbm>> -> memref<1x128x128xf32, #tpu.memory_space<hbm>>
      %dma_wait3A_273 = tpu.memref_squeeze %dma_wait3A_272 : memref<1x128x128xf32, #tpu.memory_space<hbm>> -> memref<128x128xf32, #tpu.memory_space<hbm>>
      %dma_wait3A_274 = arith.constant 0 : i32
      %dma_wait3A_275 = tpu.memref_slice %arg16[%add3A_265, %dma_wait3A_274] : memref<10240x128xf32, #tpu.memory_space<vmem_shared>> -> memref<128x128xf32, #tpu.memory_space<vmem_shared>>
      tpu.wait_dma2 semaphore(%run_scoped3A : memref<!tpu.dma_semaphore, #tpu.memory_space<semaphore_mem>>) src(%dma_wait3A_275 : memref<128x128xf32, #tpu.memory_space<vmem_shared>>) dst(%dma_wait3A_273 : memref<128x128xf32, #tpu.memory_space<hbm>>)
      tpu.yield
    }) : () -> ()
    return
  }
}

#map = affine_map<(d0, d1) -> (0, 0)>
#map1 = affine_map<(d0, d1) -> (0)>
#map2 = affine_map<(d0, d1) -> (0, 0, 0)>
module attributes {stable_mosaic.version = 14 : i64} {
  func.func @_gs_sc(%arg0: i32, %arg1: i32, %arg2: memref<10000x128xf32, #tpu.memory_space<hbm>>, %arg3: memref<320000xi32, #tpu.memory_space<hbm>>, %arg4: memref<320000xi32, #tpu.memory_space<hbm>>, %arg5: memref<2x10240x128xf32, #tpu.memory_space<hbm>>, %arg6: memref<128xi32, #tpu.memory_space<vmem>>, %arg7: memref<128xi32, #tpu.memory_space<vmem>>, %arg8: memref<128xi32, #tpu.memory_space<vmem>>, %arg9: memref<128xi32, #tpu.memory_space<vmem>>, %arg10: memref<128xi32, #tpu.memory_space<vmem>>, %arg11: memref<128xi32, #tpu.memory_space<vmem>>, %arg12: memref<128xi32, #tpu.memory_space<vmem>>, %arg13: memref<128xi32, #tpu.memory_space<vmem>>, %arg14: memref<128x128xf32, #tpu.memory_space<vmem>>, %arg15: memref<128x128xf32, #tpu.memory_space<vmem>>, %arg16: memref<10240x128xf32, #tpu.memory_space<vmem_shared>>, %arg17: memref<!tpu.dma_semaphore, #tpu.memory_space<semaphore_mem>>, %arg18: memref<!tpu.dma_semaphore, #tpu.memory_space<semaphore_mem>>, %arg19: memref<!tpu.dma_semaphore, #tpu.memory_space<semaphore_mem>>, %arg20: memref<!tpu.dma_semaphore, #tpu.memory_space<semaphore_mem>>, %arg21: memref<!tpu.dma_semaphore, #tpu.memory_space<semaphore_mem>>, %arg22: memref<!tpu.dma_semaphore, #tpu.memory_space<semaphore_mem>>, %arg23: memref<!tpu.dma_semaphore, #tpu.memory_space<semaphore_mem>>, %arg24: memref<!tpu.dma_semaphore, #tpu.memory_space<semaphore_mem>>) attributes {dimension_semantics = [#tpu.dimension_semantics<core_parallel>, #tpu.dimension_semantics<subcore_parallel>], iteration_bounds = array<i64: 2, 16>, scalar_prefetch = 0 : i64, scratch_operands = 19 : i64, tpu.core_type = #tpu.core_type<sc_vector_subcore>, window_params = [{transform_indices = #map}, {transform_indices = #map1}, {transform_indices = #map1}, {transform_indices = #map2}]} {
    %mul3A = arith.constant 2 : i32
    %mul3A_0 = arith.muli %arg1, %mul3A : i32
    %add3A = arith.addi %mul3A_0, %arg0 : i32
    %mul3A_1 = arith.constant 9984 : i32
    %mul3A_2 = arith.muli %add3A, %mul3A_1 : i32
    %dma_start3A = tpu.memref_slice %arg3[%mul3A_2] : memref<320000xi32, #tpu.memory_space<hbm>> -> memref<128xi32, #tpu.memory_space<hbm>>
    %dma_start3A_3 = tpu.memref_slice %arg3[%mul3A_2] : memref<320000xi32, #tpu.memory_space<hbm>> -> memref<128xi32, #tpu.memory_space<hbm>>
    tpu.enqueue_dma source(%dma_start3A_3 : memref<128xi32, #tpu.memory_space<hbm>>) target(%arg6 : memref<128xi32, #tpu.memory_space<vmem>>) target_semaphore(%arg17 : memref<!tpu.dma_semaphore, #tpu.memory_space<semaphore_mem>>)
    %dma_start3A_4 = tpu.memref_slice %arg4[%mul3A_2] : memref<320000xi32, #tpu.memory_space<hbm>> -> memref<128xi32, #tpu.memory_space<hbm>>
    %dma_start3A_5 = tpu.memref_slice %arg4[%mul3A_2] : memref<320000xi32, #tpu.memory_space<hbm>> -> memref<128xi32, #tpu.memory_space<hbm>>
    tpu.enqueue_dma source(%dma_start3A_5 : memref<128xi32, #tpu.memory_space<hbm>>) target(%arg7 : memref<128xi32, #tpu.memory_space<vmem>>) target_semaphore(%arg17 : memref<!tpu.dma_semaphore, #tpu.memory_space<semaphore_mem>>)
    %add3A_6 = arith.constant 128 : i32
    %add3A_7 = arith.addi %mul3A_2, %add3A_6 : i32
    %dma_start3A_8 = tpu.memref_slice %arg3[%add3A_7] : memref<320000xi32, #tpu.memory_space<hbm>> -> memref<128xi32, #tpu.memory_space<hbm>>
    %dma_start3A_9 = tpu.memref_slice %arg3[%add3A_7] : memref<320000xi32, #tpu.memory_space<hbm>> -> memref<128xi32, #tpu.memory_space<hbm>>
    tpu.enqueue_dma source(%dma_start3A_9 : memref<128xi32, #tpu.memory_space<hbm>>) target(%arg8 : memref<128xi32, #tpu.memory_space<vmem>>) target_semaphore(%arg18 : memref<!tpu.dma_semaphore, #tpu.memory_space<semaphore_mem>>)
    %dma_start3A_10 = tpu.memref_slice %arg4[%add3A_7] : memref<320000xi32, #tpu.memory_space<hbm>> -> memref<128xi32, #tpu.memory_space<hbm>>
    %dma_start3A_11 = tpu.memref_slice %arg4[%add3A_7] : memref<320000xi32, #tpu.memory_space<hbm>> -> memref<128xi32, #tpu.memory_space<hbm>>
    tpu.enqueue_dma source(%dma_start3A_11 : memref<128xi32, #tpu.memory_space<hbm>>) target(%arg9 : memref<128xi32, #tpu.memory_space<vmem>>) target_semaphore(%arg18 : memref<!tpu.dma_semaphore, #tpu.memory_space<semaphore_mem>>)
    %add3A_12 = arith.constant 256 : i32
    %add3A_13 = arith.addi %mul3A_2, %add3A_12 : i32
    %dma_start3A_14 = tpu.memref_slice %arg3[%add3A_13] : memref<320000xi32, #tpu.memory_space<hbm>> -> memref<128xi32, #tpu.memory_space<hbm>>
    %dma_start3A_15 = tpu.memref_slice %arg3[%add3A_13] : memref<320000xi32, #tpu.memory_space<hbm>> -> memref<128xi32, #tpu.memory_space<hbm>>
    tpu.enqueue_dma source(%dma_start3A_15 : memref<128xi32, #tpu.memory_space<hbm>>) target(%arg10 : memref<128xi32, #tpu.memory_space<vmem>>) target_semaphore(%arg19 : memref<!tpu.dma_semaphore, #tpu.memory_space<semaphore_mem>>)
    %dma_start3A_16 = tpu.memref_slice %arg4[%add3A_13] : memref<320000xi32, #tpu.memory_space<hbm>> -> memref<128xi32, #tpu.memory_space<hbm>>
    %dma_start3A_17 = tpu.memref_slice %arg4[%add3A_13] : memref<320000xi32, #tpu.memory_space<hbm>> -> memref<128xi32, #tpu.memory_space<hbm>>
    tpu.enqueue_dma source(%dma_start3A_17 : memref<128xi32, #tpu.memory_space<hbm>>) target(%arg11 : memref<128xi32, #tpu.memory_space<vmem>>) target_semaphore(%arg19 : memref<!tpu.dma_semaphore, #tpu.memory_space<semaphore_mem>>)
    %broadcast_in_dim3A = arith.constant 0.000000e+00 : f32
    %broadcast_in_dim3A_18 = vector.broadcast %broadcast_in_dim3A : f32 to vector<16xf32>
    %scan3A = arith.constant 0 : i32
    %scan3A_19 = arith.constant 0 : i32
    %scan3A_20 = arith.constant 128 : i32
    %scan3A_21 = arith.addi %scan3A_19, %scan3A_20 : i32
    %scan3A_22 = arith.constant 1 : i32
    scf.for %scan3A_266 = %scan3A_19 to %scan3A_21 step %scan3A_22  : i32 {
      %swap3A = arith.index_cast %scan3A_266 : i32 to index
      %swap3A_267 = arith.constant 0 : index
      %swap3A_268 = tpu.vector_load %arg14[%swap3A, %swap3A_267] {strides = array<i32>} : memref<128x128xf32, #tpu.memory_space<vmem>>, vector<1x16xf32>,
      %swap3A_269 = vector.shape_cast %swap3A_268 : vector<1x16xf32> to vector<16xf32>
      %swap3A_270 = vector.shape_cast %broadcast_in_dim3A_18 : vector<16xf32> to vector<1x16xf32>
      tpu.vector_store %arg14[%swap3A, %swap3A_267], %swap3A_270 {strides = array<i32>} : memref<128x128xf32, #tpu.memory_space<vmem>>, vector<1x16xf32>,
      %swap3A_271 = arith.index_cast %scan3A_266 : i32 to index
      %swap3A_272 = arith.constant 16 : index
      %swap3A_273 = tpu.vector_load %arg14[%swap3A_271, %swap3A_272] {strides = array<i32>} : memref<128x128xf32, #tpu.memory_space<vmem>>, vector<1x16xf32>,
      %swap3A_274 = vector.shape_cast %swap3A_273 : vector<1x16xf32> to vector<16xf32>
      %swap3A_275 = vector.shape_cast %broadcast_in_dim3A_18 : vector<16xf32> to vector<1x16xf32>
      tpu.vector_store %arg14[%swap3A_271, %swap3A_272], %swap3A_275 {strides = array<i32>} : memref<128x128xf32, #tpu.memory_space<vmem>>, vector<1x16xf32>,
      %swap3A_276 = arith.index_cast %scan3A_266 : i32 to index
      %swap3A_277 = arith.constant 32 : index
      %swap3A_278 = tpu.vector_load %arg14[%swap3A_276, %swap3A_277] {strides = array<i32>} : memref<128x128xf32, #tpu.memory_space<vmem>>, vector<1x16xf32>,
      %swap3A_279 = vector.shape_cast %swap3A_278 : vector<1x16xf32> to vector<16xf32>
      %swap3A_280 = vector.shape_cast %broadcast_in_dim3A_18 : vector<16xf32> to vector<1x16xf32>
      tpu.vector_store %arg14[%swap3A_276, %swap3A_277], %swap3A_280 {strides = array<i32>} : memref<128x128xf32, #tpu.memory_space<vmem>>, vector<1x16xf32>,
      %swap3A_281 = arith.index_cast %scan3A_266 : i32 to index
      %swap3A_282 = arith.constant 48 : index
      %swap3A_283 = tpu.vector_load %arg14[%swap3A_281, %swap3A_282] {strides = array<i32>} : memref<128x128xf32, #tpu.memory_space<vmem>>, vector<1x16xf32>,
      %swap3A_284 = vector.shape_cast %swap3A_283 : vector<1x16xf32> to vector<16xf32>
      %swap3A_285 = vector.shape_cast %broadcast_in_dim3A_18 : vector<16xf32> to vector<1x16xf32>
      tpu.vector_store %arg14[%swap3A_281, %swap3A_282], %swap3A_285 {strides = array<i32>} : memref<128x128xf32, #tpu.memory_space<vmem>>, vector<1x16xf32>,
      %swap3A_286 = arith.index_cast %scan3A_266 : i32 to index
      %swap3A_287 = arith.constant 64 : index
      %swap3A_288 = tpu.vector_load %arg14[%swap3A_286, %swap3A_287] {strides = array<i32>} : memref<128x128xf32, #tpu.memory_space<vmem>>, vector<1x16xf32>,
      %swap3A_289 = vector.shape_cast %swap3A_288 : vector<1x16xf32> to vector<16xf32>
      %swap3A_290 = vector.shape_cast %broadcast_in_dim3A_18 : vector<16xf32> to vector<1x16xf32>
      tpu.vector_store %arg14[%swap3A_286, %swap3A_287], %swap3A_290 {strides = array<i32>} : memref<128x128xf32, #tpu.memory_space<vmem>>, vector<1x16xf32>,
      %swap3A_291 = arith.index_cast %scan3A_266 : i32 to index
      %swap3A_292 = arith.constant 80 : index
      %swap3A_293 = tpu.vector_load %arg14[%swap3A_291, %swap3A_292] {strides = array<i32>} : memref<128x128xf32, #tpu.memory_space<vmem>>, vector<1x16xf32>,
      %swap3A_294 = vector.shape_cast %swap3A_293 : vector<1x16xf32> to vector<16xf32>
      %swap3A_295 = vector.shape_cast %broadcast_in_dim3A_18 : vector<16xf32> to vector<1x16xf32>
      tpu.vector_store %arg14[%swap3A_291, %swap3A_292], %swap3A_295 {strides = array<i32>} : memref<128x128xf32, #tpu.memory_space<vmem>>, vector<1x16xf32>,
      %swap3A_296 = arith.index_cast %scan3A_266 : i32 to index
      %swap3A_297 = arith.constant 96 : index
      %swap3A_298 = tpu.vector_load %arg14[%swap3A_296, %swap3A_297] {strides = array<i32>} : memref<128x128xf32, #tpu.memory_space<vmem>>, vector<1x16xf32>,
      %swap3A_299 = vector.shape_cast %swap3A_298 : vector<1x16xf32> to vector<16xf32>
      %swap3A_300 = vector.shape_cast %broadcast_in_dim3A_18 : vector<16xf32> to vector<1x16xf32>
      tpu.vector_store %arg14[%swap3A_296, %swap3A_297], %swap3A_300 {strides = array<i32>} : memref<128x128xf32, #tpu.memory_space<vmem>>, vector<1x16xf32>,
      %swap3A_301 = arith.index_cast %scan3A_266 : i32 to index
      %swap3A_302 = arith.constant 112 : index
      %swap3A_303 = tpu.vector_load %arg14[%swap3A_301, %swap3A_302] {strides = array<i32>} : memref<128x128xf32, #tpu.memory_space<vmem>>, vector<1x16xf32>,
      %swap3A_304 = vector.shape_cast %swap3A_303 : vector<1x16xf32> to vector<16xf32>
      %swap3A_305 = vector.shape_cast %broadcast_in_dim3A_18 : vector<16xf32> to vector<1x16xf32>
      tpu.vector_store %arg14[%swap3A_301, %swap3A_302], %swap3A_305 {strides = array<i32>} : memref<128x128xf32, #tpu.memory_space<vmem>>, vector<1x16xf32>,
    }
    %scan3A_23 = arith.constant 128 : i32
    %mul3A_24 = arith.constant 640 : i32
    %mul3A_25 = arith.muli %arg1, %mul3A_24 : i32
    %add3A_26 = arith.constant 0 : i32
    %add3A_27 = arith.addi %mul3A_25, %add3A_26 : i32
    %dma_start3A_28 = arith.constant 0 : i32
    %dma_start3A_29 = tpu.memref_slice %arg16[%add3A_27, %dma_start3A_28] : memref<10240x128xf32, #tpu.memory_space<vmem_shared>> -> memref<128x128xf32, #tpu.memory_space<vmem_shared>>
    %dma_start3A_30 = arith.constant 0 : i32
    %dma_start3A_31 = tpu.memref_slice %arg16[%add3A_27, %dma_start3A_30] : memref<10240x128xf32, #tpu.memory_space<vmem_shared>> -> memref<128x128xf32, #tpu.memory_space<vmem_shared>>
    tpu.enqueue_dma source(%arg14 : memref<128x128xf32, #tpu.memory_space<vmem>>) target(%dma_start3A_31 : memref<128x128xf32, #tpu.memory_space<vmem_shared>>) target_semaphore(%arg22 : memref<!tpu.dma_semaphore, #tpu.memory_space<semaphore_mem>>)
    %mul3A_32 = arith.constant 640 : i32
    %mul3A_33 = arith.muli %arg1, %mul3A_32 : i32
    %add3A_34 = arith.constant 128 : i32
    %add3A_35 = arith.addi %mul3A_33, %add3A_34 : i32
    %dma_start3A_36 = arith.constant 0 : i32
    %dma_start3A_37 = tpu.memref_slice %arg16[%add3A_35, %dma_start3A_36] : memref<10240x128xf32, #tpu.memory_space<vmem_shared>> -> memref<128x128xf32, #tpu.memory_space<vmem_shared>>
    %dma_start3A_38 = arith.constant 0 : i32
    %dma_start3A_39 = tpu.memref_slice %arg16[%add3A_35, %dma_start3A_38] : memref<10240x128xf32, #tpu.memory_space<vmem_shared>> -> memref<128x128xf32, #tpu.memory_space<vmem_shared>>
    tpu.enqueue_dma source(%arg14 : memref<128x128xf32, #tpu.memory_space<vmem>>) target(%dma_start3A_39 : memref<128x128xf32, #tpu.memory_space<vmem_shared>>) target_semaphore(%arg22 : memref<!tpu.dma_semaphore, #tpu.memory_space<semaphore_mem>>)
    %mul3A_40 = arith.constant 640 : i32
    %mul3A_41 = arith.muli %arg1, %mul3A_40 : i32
    %add3A_42 = arith.constant 256 : i32
    %add3A_43 = arith.addi %mul3A_41, %add3A_42 : i32
    %dma_start3A_44 = arith.constant 0 : i32
    %dma_start3A_45 = tpu.memref_slice %arg16[%add3A_43, %dma_start3A_44] : memref<10240x128xf32, #tpu.memory_space<vmem_shared>> -> memref<128x128xf32, #tpu.memory_space<vmem_shared>>
    %dma_start3A_46 = arith.constant 0 : i32
    %dma_start3A_47 = tpu.memref_slice %arg16[%add3A_43, %dma_start3A_46] : memref<10240x128xf32, #tpu.memory_space<vmem_shared>> -> memref<128x128xf32, #tpu.memory_space<vmem_shared>>
    tpu.enqueue_dma source(%arg14 : memref<128x128xf32, #tpu.memory_space<vmem>>) target(%dma_start3A_47 : memref<128x128xf32, #tpu.memory_space<vmem_shared>>) target_semaphore(%arg22 : memref<!tpu.dma_semaphore, #tpu.memory_space<semaphore_mem>>)
    %mul3A_48 = arith.constant 640 : i32
    %mul3A_49 = arith.muli %arg1, %mul3A_48 : i32
    %add3A_50 = arith.constant 384 : i32
    %add3A_51 = arith.addi %mul3A_49, %add3A_50 : i32
    %dma_start3A_52 = arith.constant 0 : i32
    %dma_start3A_53 = tpu.memref_slice %arg16[%add3A_51, %dma_start3A_52] : memref<10240x128xf32, #tpu.memory_space<vmem_shared>> -> memref<128x128xf32, #tpu.memory_space<vmem_shared>>
    %dma_start3A_54 = arith.constant 0 : i32
    %dma_start3A_55 = tpu.memref_slice %arg16[%add3A_51, %dma_start3A_54] : memref<10240x128xf32, #tpu.memory_space<vmem_shared>> -> memref<128x128xf32, #tpu.memory_space<vmem_shared>>
    tpu.enqueue_dma source(%arg14 : memref<128x128xf32, #tpu.memory_space<vmem>>) target(%dma_start3A_55 : memref<128x128xf32, #tpu.memory_space<vmem_shared>>) target_semaphore(%arg22 : memref<!tpu.dma_semaphore, #tpu.memory_space<semaphore_mem>>)
    %mul3A_56 = arith.constant 640 : i32
    %mul3A_57 = arith.muli %arg1, %mul3A_56 : i32
    %add3A_58 = arith.constant 512 : i32
    %add3A_59 = arith.addi %mul3A_57, %add3A_58 : i32
    %dma_start3A_60 = arith.constant 0 : i32
    %dma_start3A_61 = tpu.memref_slice %arg16[%add3A_59, %dma_start3A_60] : memref<10240x128xf32, #tpu.memory_space<vmem_shared>> -> memref<128x128xf32, #tpu.memory_space<vmem_shared>>
    %dma_start3A_62 = arith.constant 0 : i32
    %dma_start3A_63 = tpu.memref_slice %arg16[%add3A_59, %dma_start3A_62] : memref<10240x128xf32, #tpu.memory_space<vmem_shared>> -> memref<128x128xf32, #tpu.memory_space<vmem_shared>>
    tpu.enqueue_dma source(%arg14 : memref<128x128xf32, #tpu.memory_space<vmem>>) target(%dma_start3A_63 : memref<128x128xf32, #tpu.memory_space<vmem_shared>>) target_semaphore(%arg22 : memref<!tpu.dma_semaphore, #tpu.memory_space<semaphore_mem>>)
    %dma_wait3A = arith.constant 0 : i32
    %dma_wait3A_64 = arith.constant 0 : i32
    %dma_wait3A_65 = tpu.memref_slice %arg16[%dma_wait3A, %dma_wait3A_64] : memref<10240x128xf32, #tpu.memory_space<vmem_shared>> -> memref<128x128xf32, #tpu.memory_space<vmem_shared>>
    %dma_wait3A_66 = arith.constant 0 : i32
    %dma_wait3A_67 = arith.constant 0 : i32
    %dma_wait3A_68 = tpu.memref_slice %arg16[%dma_wait3A_66, %dma_wait3A_67] : memref<10240x128xf32, #tpu.memory_space<vmem_shared>> -> memref<128x128xf32, #tpu.memory_space<vmem_shared>>
    tpu.wait_dma2 semaphore(%arg22 : memref<!tpu.dma_semaphore, #tpu.memory_space<semaphore_mem>>) src(%arg14 : memref<128x128xf32, #tpu.memory_space<vmem>>) dst(%dma_wait3A_68 : memref<128x128xf32, #tpu.memory_space<vmem_shared>>)
    %dma_wait3A_69 = arith.constant 0 : i32
    %dma_wait3A_70 = arith.constant 0 : i32
    %dma_wait3A_71 = tpu.memref_slice %arg16[%dma_wait3A_69, %dma_wait3A_70] : memref<10240x128xf32, #tpu.memory_space<vmem_shared>> -> memref<128x128xf32, #tpu.memory_space<vmem_shared>>
    %dma_wait3A_72 = arith.constant 0 : i32
    %dma_wait3A_73 = arith.constant 0 : i32
    %dma_wait3A_74 = tpu.memref_slice %arg16[%dma_wait3A_72, %dma_wait3A_73] : memref<10240x128xf32, #tpu.memory_space<vmem_shared>> -> memref<128x128xf32, #tpu.memory_space<vmem_shared>>
    tpu.wait_dma2 semaphore(%arg22 : memref<!tpu.dma_semaphore, #tpu.memory_space<semaphore_mem>>) src(%arg14 : memref<128x128xf32, #tpu.memory_space<vmem>>) dst(%dma_wait3A_74 : memref<128x128xf32, #tpu.memory_space<vmem_shared>>)
    %dma_wait3A_75 = arith.constant 0 : i32
    %dma_wait3A_76 = arith.constant 0 : i32
    %dma_wait3A_77 = tpu.memref_slice %arg16[%dma_wait3A_75, %dma_wait3A_76] : memref<10240x128xf32, #tpu.memory_space<vmem_shared>> -> memref<128x128xf32, #tpu.memory_space<vmem_shared>>
    %dma_wait3A_78 = arith.constant 0 : i32
    %dma_wait3A_79 = arith.constant 0 : i32
    %dma_wait3A_80 = tpu.memref_slice %arg16[%dma_wait3A_78, %dma_wait3A_79] : memref<10240x128xf32, #tpu.memory_space<vmem_shared>> -> memref<128x128xf32, #tpu.memory_space<vmem_shared>>
    tpu.wait_dma2 semaphore(%arg22 : memref<!tpu.dma_semaphore, #tpu.memory_space<semaphore_mem>>) src(%arg14 : memref<128x128xf32, #tpu.memory_space<vmem>>) dst(%dma_wait3A_80 : memref<128x128xf32, #tpu.memory_space<vmem_shared>>)
    %dma_wait3A_81 = arith.constant 0 : i32
    %dma_wait3A_82 = arith.constant 0 : i32
    %dma_wait3A_83 = tpu.memref_slice %arg16[%dma_wait3A_81, %dma_wait3A_82] : memref<10240x128xf32, #tpu.memory_space<vmem_shared>> -> memref<128x128xf32, #tpu.memory_space<vmem_shared>>
    %dma_wait3A_84 = arith.constant 0 : i32
    %dma_wait3A_85 = arith.constant 0 : i32
    %dma_wait3A_86 = tpu.memref_slice %arg16[%dma_wait3A_84, %dma_wait3A_85] : memref<10240x128xf32, #tpu.memory_space<vmem_shared>> -> memref<128x128xf32, #tpu.memory_space<vmem_shared>>
    tpu.wait_dma2 semaphore(%arg22 : memref<!tpu.dma_semaphore, #tpu.memory_space<semaphore_mem>>) src(%arg14 : memref<128x128xf32, #tpu.memory_space<vmem>>) dst(%dma_wait3A_86 : memref<128x128xf32, #tpu.memory_space<vmem_shared>>)
    %dma_wait3A_87 = arith.constant 0 : i32
    %dma_wait3A_88 = arith.constant 0 : i32
    %dma_wait3A_89 = tpu.memref_slice %arg16[%dma_wait3A_87, %dma_wait3A_88] : memref<10240x128xf32, #tpu.memory_space<vmem_shared>> -> memref<128x128xf32, #tpu.memory_space<vmem_shared>>
    %dma_wait3A_90 = arith.constant 0 : i32
    %dma_wait3A_91 = arith.constant 0 : i32
    %dma_wait3A_92 = tpu.memref_slice %arg16[%dma_wait3A_90, %dma_wait3A_91] : memref<10240x128xf32, #tpu.memory_space<vmem_shared>> -> memref<128x128xf32, #tpu.memory_space<vmem_shared>>
    tpu.wait_dma2 semaphore(%arg22 : memref<!tpu.dma_semaphore, #tpu.memory_space<semaphore_mem>>) src(%arg14 : memref<128x128xf32, #tpu.memory_space<vmem>>) dst(%dma_wait3A_92 : memref<128x128xf32, #tpu.memory_space<vmem_shared>>)
    %barrier3A = arith.constant 0 : index
    tpu.barrier barrier_id(%barrier3A)
    %dma_wait3A_93 = arith.constant 0 : i32
    %dma_wait3A_94 = tpu.memref_slice %arg3[%dma_wait3A_93] : memref<320000xi32, #tpu.memory_space<hbm>> -> memref<128xi32, #tpu.memory_space<hbm>>
    %dma_wait3A_95 = arith.constant 0 : i32
    %dma_wait3A_96 = tpu.memref_slice %arg3[%dma_wait3A_95] : memref<320000xi32, #tpu.memory_space<hbm>> -> memref<128xi32, #tpu.memory_space<hbm>>
    tpu.wait_dma2 semaphore(%arg17 : memref<!tpu.dma_semaphore, #tpu.memory_space<semaphore_mem>>) src(%dma_wait3A_96 : memref<128xi32, #tpu.memory_space<hbm>>) dst(%arg6 : memref<128xi32, #tpu.memory_space<vmem>>)
    %dma_wait3A_97 = arith.constant 0 : i32
    %dma_wait3A_98 = tpu.memref_slice %arg4[%dma_wait3A_97] : memref<320000xi32, #tpu.memory_space<hbm>> -> memref<128xi32, #tpu.memory_space<hbm>>
    %dma_wait3A_99 = arith.constant 0 : i32
    %dma_wait3A_100 = tpu.memref_slice %arg4[%dma_wait3A_99] : memref<320000xi32, #tpu.memory_space<hbm>> -> memref<128xi32, #tpu.memory_space<hbm>>
    tpu.wait_dma2 semaphore(%arg17 : memref<!tpu.dma_semaphore, #tpu.memory_space<semaphore_mem>>) src(%dma_wait3A_100 : memref<128xi32, #tpu.memory_space<hbm>>) dst(%arg7 : memref<128xi32, #tpu.memory_space<vmem>>)
    %dma_start3A_101 = arith.constant 0 : i32
    %dma_start3A_102 = arith.constant 0 : i32
    %dma_start3A_103 = tpu.memref_slice %arg2[%dma_start3A_101, %dma_start3A_102] : memref<10000x128xf32, #tpu.memory_space<hbm>> -> memref<10000x128xf32, #tpu.memory_space<hbm>>
    tpu.enqueue_indirect_dma source(%dma_start3A_103 : memref<10000x128xf32, #tpu.memory_space<hbm>>) target(%arg14 : memref<128x128xf32, #tpu.memory_space<vmem>>) offsets(%arg6 : memref<128xi32, #tpu.memory_space<vmem>>) semaphore(%arg21 : memref<!tpu.dma_semaphore, #tpu.memory_space<semaphore_mem>>)
    %dma_wait3A_104 = arith.constant 0 : i32
    %dma_wait3A_105 = tpu.memref_slice %arg3[%dma_wait3A_104] : memref<320000xi32, #tpu.memory_space<hbm>> -> memref<128xi32, #tpu.memory_space<hbm>>
    %dma_wait3A_106 = arith.constant 0 : i32
    %dma_wait3A_107 = tpu.memref_slice %arg3[%dma_wait3A_106] : memref<320000xi32, #tpu.memory_space<hbm>> -> memref<128xi32, #tpu.memory_space<hbm>>
    tpu.wait_dma2 semaphore(%arg18 : memref<!tpu.dma_semaphore, #tpu.memory_space<semaphore_mem>>) src(%dma_wait3A_107 : memref<128xi32, #tpu.memory_space<hbm>>) dst(%arg8 : memref<128xi32, #tpu.memory_space<vmem>>)
    %dma_wait3A_108 = arith.constant 0 : i32
    %dma_wait3A_109 = tpu.memref_slice %arg4[%dma_wait3A_108] : memref<320000xi32, #tpu.memory_space<hbm>> -> memref<128xi32, #tpu.memory_space<hbm>>
    %dma_wait3A_110 = arith.constant 0 : i32
    %dma_wait3A_111 = tpu.memref_slice %arg4[%dma_wait3A_110] : memref<320000xi32, #tpu.memory_space<hbm>> -> memref<128xi32, #tpu.memory_space<hbm>>
    tpu.wait_dma2 semaphore(%arg18 : memref<!tpu.dma_semaphore, #tpu.memory_space<semaphore_mem>>) src(%dma_wait3A_111 : memref<128xi32, #tpu.memory_space<hbm>>) dst(%arg9 : memref<128xi32, #tpu.memory_space<vmem>>)
    %dma_start3A_112 = arith.constant 0 : i32
    %dma_start3A_113 = arith.constant 0 : i32
    %dma_start3A_114 = tpu.memref_slice %arg2[%dma_start3A_112, %dma_start3A_113] : memref<10000x128xf32, #tpu.memory_space<hbm>> -> memref<10000x128xf32, #tpu.memory_space<hbm>>
    tpu.enqueue_indirect_dma source(%dma_start3A_114 : memref<10000x128xf32, #tpu.memory_space<hbm>>) target(%arg15 : memref<128x128xf32, #tpu.memory_space<vmem>>) offsets(%arg8 : memref<128xi32, #tpu.memory_space<vmem>>) semaphore(%arg22 : memref<!tpu.dma_semaphore, #tpu.memory_space<semaphore_mem>>)
    %dma_wait3A_115 = arith.constant 0 : i32
    %dma_wait3A_116 = arith.constant 0 : i32
    %dma_wait3A_117 = tpu.memref_slice %arg2[%dma_wait3A_115, %dma_wait3A_116] : memref<10000x128xf32, #tpu.memory_space<hbm>> -> memref<10000x128xf32, #tpu.memory_space<hbm>>
    tpu.wait_indirect_dma semaphore(%arg21 : memref<!tpu.dma_semaphore, #tpu.memory_space<semaphore_mem>>) src(%dma_wait3A_117 : memref<10000x128xf32, #tpu.memory_space<hbm>>) dst(%arg14 : memref<128x128xf32, #tpu.memory_space<vmem>>)
    %dma_start3A_118 = arith.constant 0 : i32
    %dma_start3A_119 = arith.constant 0 : i32
    %dma_start3A_120 = tpu.memref_slice %arg16[%dma_start3A_118, %dma_start3A_119] : memref<10240x128xf32, #tpu.memory_space<vmem_shared>> -> memref<10240x128xf32, #tpu.memory_space<vmem_shared>>
    tpu.enqueue_indirect_dma source(%arg14 : memref<128x128xf32, #tpu.memory_space<vmem>>) target(%dma_start3A_120 : memref<10240x128xf32, #tpu.memory_space<vmem_shared>>) offsets(%arg7 : memref<128xi32, #tpu.memory_space<vmem>>) semaphore(%arg23 : memref<!tpu.dma_semaphore, #tpu.memory_space<semaphore_mem>>) {add = true}
    %add3A_121 = arith.constant 384 : i32
    %add3A_122 = arith.addi %mul3A_2, %add3A_121 : i32
    %dma_start3A_123 = tpu.memref_slice %arg3[%add3A_122] : memref<320000xi32, #tpu.memory_space<hbm>> -> memref<128xi32, #tpu.memory_space<hbm>>
    %dma_start3A_124 = tpu.memref_slice %arg3[%add3A_122] : memref<320000xi32, #tpu.memory_space<hbm>> -> memref<128xi32, #tpu.memory_space<hbm>>
    tpu.enqueue_dma source(%dma_start3A_124 : memref<128xi32, #tpu.memory_space<hbm>>) target(%arg12 : memref<128xi32, #tpu.memory_space<vmem>>) target_semaphore(%arg20 : memref<!tpu.dma_semaphore, #tpu.memory_space<semaphore_mem>>)
    %dma_start3A_125 = tpu.memref_slice %arg4[%add3A_122] : memref<320000xi32, #tpu.memory_space<hbm>> -> memref<128xi32, #tpu.memory_space<hbm>>
    %dma_start3A_126 = tpu.memref_slice %arg4[%add3A_122] : memref<320000xi32, #tpu.memory_space<hbm>> -> memref<128xi32, #tpu.memory_space<hbm>>
    tpu.enqueue_dma source(%dma_start3A_126 : memref<128xi32, #tpu.memory_space<hbm>>) target(%arg13 : memref<128xi32, #tpu.memory_space<vmem>>) target_semaphore(%arg20 : memref<!tpu.dma_semaphore, #tpu.memory_space<semaphore_mem>>)
    %dma_wait3A_127 = arith.constant 0 : i32
    %dma_wait3A_128 = tpu.memref_slice %arg3[%dma_wait3A_127] : memref<320000xi32, #tpu.memory_space<hbm>> -> memref<128xi32, #tpu.memory_space<hbm>>
    %dma_wait3A_129 = arith.constant 0 : i32
    %dma_wait3A_130 = tpu.memref_slice %arg3[%dma_wait3A_129] : memref<320000xi32, #tpu.memory_space<hbm>> -> memref<128xi32, #tpu.memory_space<hbm>>
    tpu.wait_dma2 semaphore(%arg19 : memref<!tpu.dma_semaphore, #tpu.memory_space<semaphore_mem>>) src(%dma_wait3A_130 : memref<128xi32, #tpu.memory_space<hbm>>) dst(%arg10 : memref<128xi32, #tpu.memory_space<vmem>>)
    %dma_wait3A_131 = arith.constant 0 : i32
    %dma_wait3A_132 = tpu.memref_slice %arg4[%dma_wait3A_131] : memref<320000xi32, #tpu.memory_space<hbm>> -> memref<128xi32, #tpu.memory_space<hbm>>
    %dma_wait3A_133 = arith.constant 0 : i32
    %dma_wait3A_134 = tpu.memref_slice %arg4[%dma_wait3A_133] : memref<320000xi32, #tpu.memory_space<hbm>> -> memref<128xi32, #tpu.memory_space<hbm>>
    tpu.wait_dma2 semaphore(%arg19 : memref<!tpu.dma_semaphore, #tpu.memory_space<semaphore_mem>>) src(%dma_wait3A_134 : memref<128xi32, #tpu.memory_space<hbm>>) dst(%arg11 : memref<128xi32, #tpu.memory_space<vmem>>)
    %dma_wait3A_135 = arith.constant 0 : i32
    %dma_wait3A_136 = arith.constant 0 : i32
    %dma_wait3A_137 = tpu.memref_slice %arg16[%dma_wait3A_135, %dma_wait3A_136] : memref<10240x128xf32, #tpu.memory_space<vmem_shared>> -> memref<10240x128xf32, #tpu.memory_space<vmem_shared>>
    tpu.wait_indirect_dma semaphore(%arg23 : memref<!tpu.dma_semaphore, #tpu.memory_space<semaphore_mem>>) src(%arg14 : memref<128x128xf32, #tpu.memory_space<vmem>>) dst(%dma_wait3A_137 : memref<10240x128xf32, #tpu.memory_space<vmem_shared>>)
    %dma_start3A_138 = arith.constant 0 : i32
    %dma_start3A_139 = arith.constant 0 : i32
    %dma_start3A_140 = tpu.memref_slice %arg2[%dma_start3A_138, %dma_start3A_139] : memref<10000x128xf32, #tpu.memory_space<hbm>> -> memref<10000x128xf32, #tpu.memory_space<hbm>>
    tpu.enqueue_indirect_dma source(%dma_start3A_140 : memref<10000x128xf32, #tpu.memory_space<hbm>>) target(%arg14 : memref<128x128xf32, #tpu.memory_space<vmem>>) offsets(%arg10 : memref<128xi32, #tpu.memory_space<vmem>>) semaphore(%arg21 : memref<!tpu.dma_semaphore, #tpu.memory_space<semaphore_mem>>)
    %dma_wait3A_141 = arith.constant 0 : i32
    %dma_wait3A_142 = arith.constant 0 : i32
    %dma_wait3A_143 = tpu.memref_slice %arg2[%dma_wait3A_141, %dma_wait3A_142] : memref<10000x128xf32, #tpu.memory_space<hbm>> -> memref<10000x128xf32, #tpu.memory_space<hbm>>
    tpu.wait_indirect_dma semaphore(%arg22 : memref<!tpu.dma_semaphore, #tpu.memory_space<semaphore_mem>>) src(%dma_wait3A_143 : memref<10000x128xf32, #tpu.memory_space<hbm>>) dst(%arg15 : memref<128x128xf32, #tpu.memory_space<vmem>>)
    %dma_start3A_144 = arith.constant 0 : i32
    %dma_start3A_145 = arith.constant 0 : i32
    %dma_start3A_146 = tpu.memref_slice %arg16[%dma_start3A_144, %dma_start3A_145] : memref<10240x128xf32, #tpu.memory_space<vmem_shared>> -> memref<10240x128xf32, #tpu.memory_space<vmem_shared>>
    tpu.enqueue_indirect_dma source(%arg15 : memref<128x128xf32, #tpu.memory_space<vmem>>) target(%dma_start3A_146 : memref<10240x128xf32, #tpu.memory_space<vmem_shared>>) offsets(%arg9 : memref<128xi32, #tpu.memory_space<vmem>>) semaphore(%arg24 : memref<!tpu.dma_semaphore, #tpu.memory_space<semaphore_mem>>) {add = true}
    %add3A_147 = arith.constant 512 : i32
    %add3A_148 = arith.addi %mul3A_2, %add3A_147 : i32
    %dma_start3A_149 = tpu.memref_slice %arg3[%add3A_148] : memref<320000xi32, #tpu.memory_space<hbm>> -> memref<128xi32, #tpu.memory_space<hbm>>
    %dma_start3A_150 = tpu.memref_slice %arg3[%add3A_148] : memref<320000xi32, #tpu.memory_space<hbm>> -> memref<128xi32, #tpu.memory_space<hbm>>
    tpu.enqueue_dma source(%dma_start3A_150 : memref<128xi32, #tpu.memory_space<hbm>>) target(%arg6 : memref<128xi32, #tpu.memory_space<vmem>>) target_semaphore(%arg17 : memref<!tpu.dma_semaphore, #tpu.memory_space<semaphore_mem>>)
    %dma_start3A_151 = tpu.memref_slice %arg4[%add3A_148] : memref<320000xi32, #tpu.memory_space<hbm>> -> memref<128xi32, #tpu.memory_space<hbm>>
    %dma_start3A_152 = tpu.memref_slice %arg4[%add3A_148] : memref<320000xi32, #tpu.memory_space<hbm>> -> memref<128xi32, #tpu.memory_space<hbm>>
    tpu.enqueue_dma source(%dma_start3A_152 : memref<128xi32, #tpu.memory_space<hbm>>) target(%arg7 : memref<128xi32, #tpu.memory_space<vmem>>) target_semaphore(%arg17 : memref<!tpu.dma_semaphore, #tpu.memory_space<semaphore_mem>>)
    %dma_wait3A_153 = arith.constant 0 : i32
    %dma_wait3A_154 = tpu.memref_slice %arg3[%dma_wait3A_153] : memref<320000xi32, #tpu.memory_space<hbm>> -> memref<128xi32, #tpu.memory_space<hbm>>
    %dma_wait3A_155 = arith.constant 0 : i32
    %dma_wait3A_156 = tpu.memref_slice %arg3[%dma_wait3A_155] : memref<320000xi32, #tpu.memory_space<hbm>> -> memref<128xi32, #tpu.memory_space<hbm>>
    tpu.wait_dma2 semaphore(%arg20 : memref<!tpu.dma_semaphore, #tpu.memory_space<semaphore_mem>>) src(%dma_wait3A_156 : memref<128xi32, #tpu.memory_space<hbm>>) dst(%arg12 : memref<128xi32, #tpu.memory_space<vmem>>)
    %dma_wait3A_157 = arith.constant 0 : i32
    %dma_wait3A_158 = tpu.memref_slice %arg4[%dma_wait3A_157] : memref<320000xi32, #tpu.memory_space<hbm>> -> memref<128xi32, #tpu.memory_space<hbm>>
    %dma_wait3A_159 = arith.constant 0 : i32
    %dma_wait3A_160 = tpu.memref_slice %arg4[%dma_wait3A_159] : memref<320000xi32, #tpu.memory_space<hbm>> -> memref<128xi32, #tpu.memory_space<hbm>>
    tpu.wait_dma2 semaphore(%arg20 : memref<!tpu.dma_semaphore, #tpu.memory_space<semaphore_mem>>) src(%dma_wait3A_160 : memref<128xi32, #tpu.memory_space<hbm>>) dst(%arg13 : memref<128xi32, #tpu.memory_space<vmem>>)
    %dma_wait3A_161 = arith.constant 0 : i32
    %dma_wait3A_162 = arith.constant 0 : i32
    %dma_wait3A_163 = tpu.memref_slice %arg16[%dma_wait3A_161, %dma_wait3A_162] : memref<10240x128xf32, #tpu.memory_space<vmem_shared>> -> memref<10240x128xf32, #tpu.memory_space<vmem_shared>>
    tpu.wait_indirect_dma semaphore(%arg24 : memref<!tpu.dma_semaphore, #tpu.memory_space<semaphore_mem>>) src(%arg15 : memref<128x128xf32, #tpu.memory_space<vmem>>) dst(%dma_wait3A_163 : memref<10240x128xf32, #tpu.memory_space<vmem_shared>>)
    %dma_start3A_164 = arith.constant 0 : i32
    %dma_start3A_165 = arith.constant 0 : i32
    %dma_start3A_166 = tpu.memref_slice %arg2[%dma_start3A_164, %dma_start3A_165] : memref<10000x128xf32, #tpu.memory_space<hbm>> -> memref<10000x128xf32, #tpu.memory_space<hbm>>
    tpu.enqueue_indirect_dma source(%dma_start3A_166 : memref<10000x128xf32, #tpu.memory_space<hbm>>) target(%arg15 : memref<128x128xf32, #tpu.memory_space<vmem>>) offsets(%arg12 : memref<128xi32, #tpu.memory_space<vmem>>) semaphore(%arg22 : memref<!tpu.dma_semaphore, #tpu.memory_space<semaphore_mem>>)
    %dma_wait3A_167 = arith.constant 0 : i32
    %dma_wait3A_168 = arith.constant 0 : i32
    %dma_wait3A_169 = tpu.memref_slice %arg2[%dma_wait3A_167, %dma_wait3A_168] : memref<10000x128xf32, #tpu.memory_space<hbm>> -> memref<10000x128xf32, #tpu.memory_space<hbm>>
    tpu.wait_indirect_dma semaphore(%arg21 : memref<!tpu.dma_semaphore, #tpu.memory_space<semaphore_mem>>) src(%dma_wait3A_169 : memref<10000x128xf32, #tpu.memory_space<hbm>>) dst(%arg14 : memref<128x128xf32, #tpu.memory_space<vmem>>)
    %dma_start3A_170 = arith.constant 0 : i32
    %dma_start3A_171 = arith.constant 0 : i32
    %dma_start3A_172 = tpu.memref_slice %arg16[%dma_start3A_170, %dma_start3A_171] : memref<10240x128xf32, #tpu.memory_space<vmem_shared>> -> memref<10240x128xf32, #tpu.memory_space<vmem_shared>>
    tpu.enqueue_indirect_dma source(%arg14 : memref<128x128xf32, #tpu.memory_space<vmem>>) target(%dma_start3A_172 : memref<10240x128xf32, #tpu.memory_space<vmem_shared>>) offsets(%arg11 : memref<128xi32, #tpu.memory_space<vmem>>) semaphore(%arg23 : memref<!tpu.dma_semaphore, #tpu.memory_space<semaphore_mem>>) {add = true}
    %add3A_173 = arith.constant 640 : i32
    %add3A_174 = arith.addi %mul3A_2, %add3A_173 : i32
    %dma_start3A_175 = tpu.memref_slice %arg3[%add3A_174] : memref<320000xi32, #tpu.memory_space<hbm>> -> memref<128xi32, #tpu.memory_space<hbm>>
    %dma_start3A_176 = tpu.memref_slice %arg3[%add3A_174] : memref<320000xi32, #tpu.memory_space<hbm>> -> memref<128xi32, #tpu.memory_space<hbm>>
    tpu.enqueue_dma source(%dma_start3A_176 : memref<128xi32, #tpu.memory_space<hbm>>) target(%arg8 : memref<128xi32, #tpu.memory_space<vmem>>) target_semaphore(%arg18 : memref<!tpu.dma_semaphore, #tpu.memory_space<semaphore_mem>>)
    %dma_start3A_177 = tpu.memref_slice %arg4[%add3A_174] : memref<320000xi32, #tpu.memory_space<hbm>> -> memref<128xi32, #tpu.memory_space<hbm>>
    %dma_start3A_178 = tpu.memref_slice %arg4[%add3A_174] : memref<320000xi32, #tpu.memory_space<hbm>> -> memref<128xi32, #tpu.memory_space<hbm>>
    tpu.enqueue_dma source(%dma_start3A_178 : memref<128xi32, #tpu.memory_space<hbm>>) target(%arg9 : memref<128xi32, #tpu.memory_space<vmem>>) target_semaphore(%arg18 : memref<!tpu.dma_semaphore, #tpu.memory_space<semaphore_mem>>)
    %dma_wait3A_179 = arith.constant 0 : i32
    %dma_wait3A_180 = tpu.memref_slice %arg3[%dma_wait3A_179] : memref<320000xi32, #tpu.memory_space<hbm>> -> memref<128xi32, #tpu.memory_space<hbm>>
    %dma_wait3A_181 = arith.constant 0 : i32
    %dma_wait3A_182 = tpu.memref_slice %arg3[%dma_wait3A_181] : memref<320000xi32, #tpu.memory_space<hbm>> -> memref<128xi32, #tpu.memory_space<hbm>>
    tpu.wait_dma2 semaphore(%arg17 : memref<!tpu.dma_semaphore, #tpu.memory_space<semaphore_mem>>) src(%dma_wait3A_182 : memref<128xi32, #tpu.memory_space<hbm>>) dst(%arg6 : memref<128xi32, #tpu.memory_space<vmem>>)
    %dma_wait3A_183 = arith.constant 0 : i32
    %dma_wait3A_184 = tpu.memref_slice %arg4[%dma_wait3A_183] : memref<320000xi32, #tpu.memory_space<hbm>> -> memref<128xi32, #tpu.memory_space<hbm>>
    %dma_wait3A_185 = arith.constant 0 : i32
    %dma_wait3A_186 = tpu.memref_slice %arg4[%dma_wait3A_185] : memref<320000xi32, #tpu.memory_space<hbm>> -> memref<128xi32, #tpu.memory_space<hbm>>
    tpu.wait_dma2 semaphore(%arg17 : memref<!tpu.dma_semaphore, #tpu.memory_space<semaphore_mem>>) src(%dma_wait3A_186 : memref<128xi32, #tpu.memory_space<hbm>>) dst(%arg7 : memref<128xi32, #tpu.memory_space<vmem>>)
    %dma_wait3A_187 = arith.constant 0 : i32
    %dma_wait3A_188 = arith.constant 0 : i32
    %dma_wait3A_189 = tpu.memref_slice %arg16[%dma_wait3A_187, %dma_wait3A_188] : memref<10240x128xf32, #tpu.memory_space<vmem_shared>> -> memref<10240x128xf32, #tpu.memory_space<vmem_shared>>
    tpu.wait_indirect_dma semaphore(%arg23 : memref<!tpu.dma_semaphore, #tpu.memory_space<semaphore_mem>>) src(%arg14 : memref<128x128xf32, #tpu.memory_space<vmem>>) dst(%dma_wait3A_189 : memref<10240x128xf32, #tpu.memory_space<vmem_shared>>)
    %dma_start3A_190 = arith.constant 0 : i32
    %dma_start3A_191 = arith.constant 0 : i32
    %dma_start3A_192 = tpu.memref_slice %arg2[%dma_start3A_190, %dma_start3A_191] : memref<10000x128xf32, #tpu.memory_space<hbm>> -> memref<10000x128xf32, #tpu.memory_space<hbm>>
    tpu.enqueue_indirect_dma source(%dma_start3A_192 : memref<10000x128xf32, #tpu.memory_space<hbm>>) target(%arg14 : memref<128x128xf32, #tpu.memory_space<vmem>>) offsets(%arg6 : memref<128xi32, #tpu.memory_space<vmem>>) semaphore(%arg21 : memref<!tpu.dma_semaphore, #tpu.memory_space<semaphore_mem>>)
    %dma_wait3A_193 = arith.constant 0 : i32
    %dma_wait3A_194 = arith.constant 0 : i32
    %dma_wait3A_195 = tpu.memref_slice %arg2[%dma_wait3A_193, %dma_wait3A_194] : memref<10000x128xf32, #tpu.memory_space<hbm>> -> memref<10000x128xf32, #tpu.memory_space<hbm>>
    tpu.wait_indirect_dma semaphore(%arg22 : memref<!tpu.dma_semaphore, #tpu.memory_space<semaphore_mem>>) src(%dma_wait3A_195 : memref<10000x128xf32, #tpu.memory_space<hbm>>) dst(%arg15 : memref<128x128xf32, #tpu.memory_space<vmem>>)
    %dma_start3A_196 = arith.constant 0 : i32
    %dma_start3A_197 = arith.constant 0 : i32
    %dma_start3A_198 = tpu.memref_slice %arg16[%dma_start3A_196, %dma_start3A_197] : memref<10240x128xf32, #tpu.memory_space<vmem_shared>> -> memref<10240x128xf32, #tpu.memory_space<vmem_shared>>
    tpu.enqueue_indirect_dma source(%arg15 : memref<128x128xf32, #tpu.memory_space<vmem>>) target(%dma_start3A_198 : memref<10240x128xf32, #tpu.memory_space<vmem_shared>>) offsets(%arg13 : memref<128xi32, #tpu.memory_space<vmem>>) semaphore(%arg24 : memref<!tpu.dma_semaphore, #tpu.memory_space<semaphore_mem>>) {add = true}
    %add3A_199 = arith.constant 768 : i32
    %add3A_200 = arith.addi %mul3A_2, %add3A_199 : i32
    %dma_start3A_201 = tpu.memref_slice %arg3[%add3A_200] : memref<320000xi32, #tpu.memory_space<hbm>> -> memref<128xi32, #tpu.memory_space<hbm>>
    %dma_start3A_202 = tpu.memref_slice %arg3[%add3A_200] : memref<320000xi32, #tpu.memory_space<hbm>> -> memref<128xi32, #tpu.memory_space<hbm>>
    tpu.enqueue_dma source(%dma_start3A_202 : memref<128xi32, #tpu.memory_space<hbm>>) target(%arg10 : memref<128xi32, #tpu.memory_space<vmem>>) target_semaphore(%arg19 : memref<!tpu.dma_semaphore, #tpu.memory_space<semaphore_mem>>)
    %dma_start3A_203 = tpu.memref_slice %arg4[%add3A_200] : memref<320000xi32, #tpu.memory_space<hbm>> -> memref<128xi32, #tpu.memory_space<hbm>>
    %dma_start3A_204 = tpu.memref_slice %arg4[%add3A_200] : memref<320000xi32, #tpu.memory_space<hbm>> -> memref<128xi32, #tpu.memory_space<hbm>>
    tpu.enqueue_dma source(%dma_start3A_204 : memref<128xi32, #tpu.memory_space<hbm>>) target(%arg11 : memref<128xi32, #tpu.memory_space<vmem>>) target_semaphore(%arg19 : memref<!tpu.dma_semaphore, #tpu.memory_space<semaphore_mem>>)
    %scan3A_205 = arith.constant 0 : i32
    %scan3A_206 = arith.constant 0 : i32
    %scan3A_207 = arith.constant 18 : i32
    %scan3A_208 = arith.addi %scan3A_206, %scan3A_207 : i32
    %scan3A_209 = arith.constant 1 : i32
    scf.for %scan3A_266 = %scan3A_206 to %scan3A_208 step %scan3A_209  : i32 {
      %add3A_267 = arith.constant 1 : i32
      %add3A_268 = arith.addi %scan3A_266, %add3A_267 : i32
      %mul3A_269 = arith.constant 4 : i32
      %mul3A_270 = arith.muli %mul3A_269, %add3A_268 : i32
      %add3A_271 = arith.constant 1 : i32
      %add3A_272 = arith.addi %mul3A_270, %add3A_271 : i32
      %dma_wait3A_273 = arith.constant 0 : i32
      %dma_wait3A_274 = tpu.memref_slice %arg3[%dma_wait3A_273] : memref<320000xi32, #tpu.memory_space<hbm>> -> memref<128xi32, #tpu.memory_space<hbm>>
      %dma_wait3A_275 = arith.constant 0 : i32
      %dma_wait3A_276 = tpu.memref_slice %arg3[%dma_wait3A_275] : memref<320000xi32, #tpu.memory_space<hbm>> -> memref<128xi32, #tpu.memory_space<hbm>>
      tpu.wait_dma2 semaphore(%arg18 : memref<!tpu.dma_semaphore, #tpu.memory_space<semaphore_mem>>) src(%dma_wait3A_276 : memref<128xi32, #tpu.memory_space<hbm>>) dst(%arg8 : memref<128xi32, #tpu.memory_space<vmem>>)
      %dma_wait3A_277 = arith.constant 0 : i32
      %dma_wait3A_278 = tpu.memref_slice %arg4[%dma_wait3A_277] : memref<320000xi32, #tpu.memory_space<hbm>> -> memref<128xi32, #tpu.memory_space<hbm>>
      %dma_wait3A_279 = arith.constant 0 : i32
      %dma_wait3A_280 = tpu.memref_slice %arg4[%dma_wait3A_279] : memref<320000xi32, #tpu.memory_space<hbm>> -> memref<128xi32, #tpu.memory_space<hbm>>
      tpu.wait_dma2 semaphore(%arg18 : memref<!tpu.dma_semaphore, #tpu.memory_space<semaphore_mem>>) src(%dma_wait3A_280 : memref<128xi32, #tpu.memory_space<hbm>>) dst(%arg9 : memref<128xi32, #tpu.memory_space<vmem>>)
      %dma_wait3A_281 = arith.constant 0 : i32
      %dma_wait3A_282 = arith.constant 0 : i32
      %dma_wait3A_283 = tpu.memref_slice %arg16[%dma_wait3A_281, %dma_wait3A_282] : memref<10240x128xf32, #tpu.memory_space<vmem_shared>> -> memref<10240x128xf32, #tpu.memory_space<vmem_shared>>
      tpu.wait_indirect_dma semaphore(%arg24 : memref<!tpu.dma_semaphore, #tpu.memory_space<semaphore_mem>>) src(%arg15 : memref<128x128xf32, #tpu.memory_space<vmem>>) dst(%dma_wait3A_283 : memref<10240x128xf32, #tpu.memory_space<vmem_shared>>)
      %dma_start3A_284 = arith.constant 0 : i32
      %dma_start3A_285 = arith.constant 0 : i32
      %dma_start3A_286 = tpu.memref_slice %arg2[%dma_start3A_284, %dma_start3A_285] : memref<10000x128xf32, #tpu.memory_space<hbm>> -> memref<10000x128xf32, #tpu.memory_space<hbm>>
      tpu.enqueue_indirect_dma source(%dma_start3A_286 : memref<10000x128xf32, #tpu.memory_space<hbm>>) target(%arg15 : memref<128x128xf32, #tpu.memory_space<vmem>>) offsets(%arg8 : memref<128xi32, #tpu.memory_space<vmem>>) semaphore(%arg22 : memref<!tpu.dma_semaphore, #tpu.memory_space<semaphore_mem>>)
      %dma_wait3A_287 = arith.constant 0 : i32
      %dma_wait3A_288 = arith.constant 0 : i32
      %dma_wait3A_289 = tpu.memref_slice %arg2[%dma_wait3A_287, %dma_wait3A_288] : memref<10000x128xf32, #tpu.memory_space<hbm>> -> memref<10000x128xf32, #tpu.memory_space<hbm>>
      tpu.wait_indirect_dma semaphore(%arg21 : memref<!tpu.dma_semaphore, #tpu.memory_space<semaphore_mem>>) src(%dma_wait3A_289 : memref<10000x128xf32, #tpu.memory_space<hbm>>) dst(%arg14 : memref<128x128xf32, #tpu.memory_space<vmem>>)
      %dma_start3A_290 = arith.constant 0 : i32
      %dma_start3A_291 = arith.constant 0 : i32
      %dma_start3A_292 = tpu.memref_slice %arg16[%dma_start3A_290, %dma_start3A_291] : memref<10240x128xf32, #tpu.memory_space<vmem_shared>> -> memref<10240x128xf32, #tpu.memory_space<vmem_shared>>
      tpu.enqueue_indirect_dma source(%arg14 : memref<128x128xf32, #tpu.memory_space<vmem>>) target(%dma_start3A_292 : memref<10240x128xf32, #tpu.memory_space<vmem_shared>>) offsets(%arg7 : memref<128xi32, #tpu.memory_space<vmem>>) semaphore(%arg23 : memref<!tpu.dma_semaphore, #tpu.memory_space<semaphore_mem>>) {add = true}
      %add3A_293 = arith.constant 2 : i32
      %add3A_294 = arith.addi %add3A_272, %add3A_293 : i32
      %mul3A_295 = arith.constant 128 : i32
      %mul3A_296 = arith.muli %add3A_294, %mul3A_295 : i32
      %add3A_297 = arith.addi %mul3A_2, %mul3A_296 : i32
      %dma_start3A_298 = tpu.memref_slice %arg3[%add3A_297] : memref<320000xi32, #tpu.memory_space<hbm>> -> memref<128xi32, #tpu.memory_space<hbm>>
      %dma_start3A_299 = tpu.memref_slice %arg3[%add3A_297] : memref<320000xi32, #tpu.memory_space<hbm>> -> memref<128xi32, #tpu.memory_space<hbm>>
      tpu.enqueue_dma source(%dma_start3A_299 : memref<128xi32, #tpu.memory_space<hbm>>) target(%arg12 : memref<128xi32, #tpu.memory_space<vmem>>) target_semaphore(%arg20 : memref<!tpu.dma_semaphore, #tpu.memory_space<semaphore_mem>>)
      %dma_start3A_300 = tpu.memref_slice %arg4[%add3A_297] : memref<320000xi32, #tpu.memory_space<hbm>> -> memref<128xi32, #tpu.memory_space<hbm>>
      %dma_start3A_301 = tpu.memref_slice %arg4[%add3A_297] : memref<320000xi32, #tpu.memory_space<hbm>> -> memref<128xi32, #tpu.memory_space<hbm>>
      tpu.enqueue_dma source(%dma_start3A_301 : memref<128xi32, #tpu.memory_space<hbm>>) target(%arg13 : memref<128xi32, #tpu.memory_space<vmem>>) target_semaphore(%arg20 : memref<!tpu.dma_semaphore, #tpu.memory_space<semaphore_mem>>)
      %add3A_302 = arith.constant 2 : i32
      %add3A_303 = arith.addi %mul3A_270, %add3A_302 : i32
      %dma_wait3A_304 = arith.constant 0 : i32
      %dma_wait3A_305 = tpu.memref_slice %arg3[%dma_wait3A_304] : memref<320000xi32, #tpu.memory_space<hbm>> -> memref<128xi32, #tpu.memory_space<hbm>>
      %dma_wait3A_306 = arith.constant 0 : i32
      %dma_wait3A_307 = tpu.memref_slice %arg3[%dma_wait3A_306] : memref<320000xi32, #tpu.memory_space<hbm>> -> memref<128xi32, #tpu.memory_space<hbm>>
      tpu.wait_dma2 semaphore(%arg19 : memref<!tpu.dma_semaphore, #tpu.memory_space<semaphore_mem>>) src(%dma_wait3A_307 : memref<128xi32, #tpu.memory_space<hbm>>) dst(%arg10 : memref<128xi32, #tpu.memory_space<vmem>>)
      %dma_wait3A_308 = arith.constant 0 : i32
      %dma_wait3A_309 = tpu.memref_slice %arg4[%dma_wait3A_308] : memref<320000xi32, #tpu.memory_space<hbm>> -> memref<128xi32, #tpu.memory_space<hbm>>
      %dma_wait3A_310 = arith.constant 0 : i32
      %dma_wait3A_311 = tpu.memref_slice %arg4[%dma_wait3A_310] : memref<320000xi32, #tpu.memory_space<hbm>> -> memref<128xi32, #tpu.memory_space<hbm>>
      tpu.wait_dma2 semaphore(%arg19 : memref<!tpu.dma_semaphore, #tpu.memory_space<semaphore_mem>>) src(%dma_wait3A_311 : memref<128xi32, #tpu.memory_space<hbm>>) dst(%arg11 : memref<128xi32, #tpu.memory_space<vmem>>)
      %dma_wait3A_312 = arith.constant 0 : i32
      %dma_wait3A_313 = arith.constant 0 : i32
      %dma_wait3A_314 = tpu.memref_slice %arg16[%dma_wait3A_312, %dma_wait3A_313] : memref<10240x128xf32, #tpu.memory_space<vmem_shared>> -> memref<10240x128xf32, #tpu.memory_space<vmem_shared>>
      tpu.wait_indirect_dma semaphore(%arg23 : memref<!tpu.dma_semaphore, #tpu.memory_space<semaphore_mem>>) src(%arg14 : memref<128x128xf32, #tpu.memory_space<vmem>>) dst(%dma_wait3A_314 : memref<10240x128xf32, #tpu.memory_space<vmem_shared>>)
      %dma_start3A_315 = arith.constant 0 : i32
      %dma_start3A_316 = arith.constant 0 : i32
      %dma_start3A_317 = tpu.memref_slice %arg2[%dma_start3A_315, %dma_start3A_316] : memref<10000x128xf32, #tpu.memory_space<hbm>> -> memref<10000x128xf32, #tpu.memory_space<hbm>>
      tpu.enqueue_indirect_dma source(%dma_start3A_317 : memref<10000x128xf32, #tpu.memory_space<hbm>>) target(%arg14 : memref<128x128xf32, #tpu.memory_space<vmem>>) offsets(%arg10 : memref<128xi32, #tpu.memory_space<vmem>>) semaphore(%arg21 : memref<!tpu.dma_semaphore, #tpu.memory_space<semaphore_mem>>)
      %dma_wait3A_318 = arith.constant 0 : i32
      %dma_wait3A_319 = arith.constant 0 : i32
      %dma_wait3A_320 = tpu.memref_slice %arg2[%dma_wait3A_318, %dma_wait3A_319] : memref<10000x128xf32, #tpu.memory_space<hbm>> -> memref<10000x128xf32, #tpu.memory_space<hbm>>
      tpu.wait_indirect_dma semaphore(%arg22 : memref<!tpu.dma_semaphore, #tpu.memory_space<semaphore_mem>>) src(%dma_wait3A_320 : memref<10000x128xf32, #tpu.memory_space<hbm>>) dst(%arg15 : memref<128x128xf32, #tpu.memory_space<vmem>>)
      %dma_start3A_321 = arith.constant 0 : i32
      %dma_start3A_322 = arith.constant 0 : i32
      %dma_start3A_323 = tpu.memref_slice %arg16[%dma_start3A_321, %dma_start3A_322] : memref<10240x128xf32, #tpu.memory_space<vmem_shared>> -> memref<10240x128xf32, #tpu.memory_space<vmem_shared>>
      tpu.enqueue_indirect_dma source(%arg15 : memref<128x128xf32, #tpu.memory_space<vmem>>) target(%dma_start3A_323 : memref<10240x128xf32, #tpu.memory_space<vmem_shared>>) offsets(%arg9 : memref<128xi32, #tpu.memory_space<vmem>>) semaphore(%arg24 : memref<!tpu.dma_semaphore, #tpu.memory_space<semaphore_mem>>) {add = true}
      %add3A_324 = arith.constant 2 : i32
      %add3A_325 = arith.addi %add3A_303, %add3A_324 : i32
      %mul3A_326 = arith.constant 128 : i32
      %mul3A_327 = arith.muli %add3A_325, %mul3A_326 : i32
      %add3A_328 = arith.addi %mul3A_2, %mul3A_327 : i32
      %dma_start3A_329 = tpu.memref_slice %arg3[%add3A_328] : memref<320000xi32, #tpu.memory_space<hbm>> -> memref<128xi32, #tpu.memory_space<hbm>>
      %dma_start3A_330 = tpu.memref_slice %arg3[%add3A_328] : memref<320000xi32, #tpu.memory_space<hbm>> -> memref<128xi32, #tpu.memory_space<hbm>>
      tpu.enqueue_dma source(%dma_start3A_330 : memref<128xi32, #tpu.memory_space<hbm>>) target(%arg6 : memref<128xi32, #tpu.memory_space<vmem>>) target_semaphore(%arg17 : memref<!tpu.dma_semaphore, #tpu.memory_space<semaphore_mem>>)
      %dma_start3A_331 = tpu.memref_slice %arg4[%add3A_328] : memref<320000xi32, #tpu.memory_space<hbm>> -> memref<128xi32, #tpu.memory_space<hbm>>
      %dma_start3A_332 = tpu.memref_slice %arg4[%add3A_328] : memref<320000xi32, #tpu.memory_space<hbm>> -> memref<128xi32, #tpu.memory_space<hbm>>
      tpu.enqueue_dma source(%dma_start3A_332 : memref<128xi32, #tpu.memory_space<hbm>>) target(%arg7 : memref<128xi32, #tpu.memory_space<vmem>>) target_semaphore(%arg17 : memref<!tpu.dma_semaphore, #tpu.memory_space<semaphore_mem>>)
      %add3A_333 = arith.constant 3 : i32
      %add3A_334 = arith.addi %mul3A_270, %add3A_333 : i32
      %dma_wait3A_335 = arith.constant 0 : i32
      %dma_wait3A_336 = tpu.memref_slice %arg3[%dma_wait3A_335] : memref<320000xi32, #tpu.memory_space<hbm>> -> memref<128xi32, #tpu.memory_space<hbm>>
      %dma_wait3A_337 = arith.constant 0 : i32
      %dma_wait3A_338 = tpu.memref_slice %arg3[%dma_wait3A_337] : memref<320000xi32, #tpu.memory_space<hbm>> -> memref<128xi32, #tpu.memory_space<hbm>>
      tpu.wait_dma2 semaphore(%arg20 : memref<!tpu.dma_semaphore, #tpu.memory_space<semaphore_mem>>) src(%dma_wait3A_338 : memref<128xi32, #tpu.memory_space<hbm>>) dst(%arg12 : memref<128xi32, #tpu.memory_space<vmem>>)
      %dma_wait3A_339 = arith.constant 0 : i32
      %dma_wait3A_340 = tpu.memref_slice %arg4[%dma_wait3A_339] : memref<320000xi32, #tpu.memory_space<hbm>> -> memref<128xi32, #tpu.memory_space<hbm>>
      %dma_wait3A_341 = arith.constant 0 : i32
      %dma_wait3A_342 = tpu.memref_slice %arg4[%dma_wait3A_341] : memref<320000xi32, #tpu.memory_space<hbm>> -> memref<128xi32, #tpu.memory_space<hbm>>
      tpu.wait_dma2 semaphore(%arg20 : memref<!tpu.dma_semaphore, #tpu.memory_space<semaphore_mem>>) src(%dma_wait3A_342 : memref<128xi32, #tpu.memory_space<hbm>>) dst(%arg13 : memref<128xi32, #tpu.memory_space<vmem>>)
      %dma_wait3A_343 = arith.constant 0 : i32
      %dma_wait3A_344 = arith.constant 0 : i32
      %dma_wait3A_345 = tpu.memref_slice %arg16[%dma_wait3A_343, %dma_wait3A_344] : memref<10240x128xf32, #tpu.memory_space<vmem_shared>> -> memref<10240x128xf32, #tpu.memory_space<vmem_shared>>
      tpu.wait_indirect_dma semaphore(%arg24 : memref<!tpu.dma_semaphore, #tpu.memory_space<semaphore_mem>>) src(%arg15 : memref<128x128xf32, #tpu.memory_space<vmem>>) dst(%dma_wait3A_345 : memref<10240x128xf32, #tpu.memory_space<vmem_shared>>)
      %dma_start3A_346 = arith.constant 0 : i32
      %dma_start3A_347 = arith.constant 0 : i32
      %dma_start3A_348 = tpu.memref_slice %arg2[%dma_start3A_346, %dma_start3A_347] : memref<10000x128xf32, #tpu.memory_space<hbm>> -> memref<10000x128xf32, #tpu.memory_space<hbm>>
      tpu.enqueue_indirect_dma source(%dma_start3A_348 : memref<10000x128xf32, #tpu.memory_space<hbm>>) target(%arg15 : memref<128x128xf32, #tpu.memory_space<vmem>>) offsets(%arg12 : memref<128xi32, #tpu.memory_space<vmem>>) semaphore(%arg22 : memref<!tpu.dma_semaphore, #tpu.memory_space<semaphore_mem>>)
      %dma_wait3A_349 = arith.constant 0 : i32
      %dma_wait3A_350 = arith.constant 0 : i32
      %dma_wait3A_351 = tpu.memref_slice %arg2[%dma_wait3A_349, %dma_wait3A_350] : memref<10000x128xf32, #tpu.memory_space<hbm>> -> memref<10000x128xf32, #tpu.memory_space<hbm>>
      tpu.wait_indirect_dma semaphore(%arg21 : memref<!tpu.dma_semaphore, #tpu.memory_space<semaphore_mem>>) src(%dma_wait3A_351 : memref<10000x128xf32, #tpu.memory_space<hbm>>) dst(%arg14 : memref<128x128xf32, #tpu.memory_space<vmem>>)
      %dma_start3A_352 = arith.constant 0 : i32
      %dma_start3A_353 = arith.constant 0 : i32
      %dma_start3A_354 = tpu.memref_slice %arg16[%dma_start3A_352, %dma_start3A_353] : memref<10240x128xf32, #tpu.memory_space<vmem_shared>> -> memref<10240x128xf32, #tpu.memory_space<vmem_shared>>
      tpu.enqueue_indirect_dma source(%arg14 : memref<128x128xf32, #tpu.memory_space<vmem>>) target(%dma_start3A_354 : memref<10240x128xf32, #tpu.memory_space<vmem_shared>>) offsets(%arg11 : memref<128xi32, #tpu.memory_space<vmem>>) semaphore(%arg23 : memref<!tpu.dma_semaphore, #tpu.memory_space<semaphore_mem>>) {add = true}
      %add3A_355 = arith.constant 2 : i32
      %add3A_356 = arith.addi %add3A_334, %add3A_355 : i32
      %mul3A_357 = arith.constant 128 : i32
      %mul3A_358 = arith.muli %add3A_356, %mul3A_357 : i32
      %add3A_359 = arith.addi %mul3A_2, %mul3A_358 : i32
      %dma_start3A_360 = tpu.memref_slice %arg3[%add3A_359] : memref<320000xi32, #tpu.memory_space<hbm>> -> memref<128xi32, #tpu.memory_space<hbm>>
      %dma_start3A_361 = tpu.memref_slice %arg3[%add3A_359] : memref<320000xi32, #tpu.memory_space<hbm>> -> memref<128xi32, #tpu.memory_space<hbm>>
      tpu.enqueue_dma source(%dma_start3A_361 : memref<128xi32, #tpu.memory_space<hbm>>) target(%arg8 : memref<128xi32, #tpu.memory_space<vmem>>) target_semaphore(%arg18 : memref<!tpu.dma_semaphore, #tpu.memory_space<semaphore_mem>>)
      %dma_start3A_362 = tpu.memref_slice %arg4[%add3A_359] : memref<320000xi32, #tpu.memory_space<hbm>> -> memref<128xi32, #tpu.memory_space<hbm>>
      %dma_start3A_363 = tpu.memref_slice %arg4[%add3A_359] : memref<320000xi32, #tpu.memory_space<hbm>> -> memref<128xi32, #tpu.memory_space<hbm>>
      tpu.enqueue_dma source(%dma_start3A_363 : memref<128xi32, #tpu.memory_space<hbm>>) target(%arg9 : memref<128xi32, #tpu.memory_space<vmem>>) target_semaphore(%arg18 : memref<!tpu.dma_semaphore, #tpu.memory_space<semaphore_mem>>)
      %add3A_364 = arith.constant 4 : i32
      %add3A_365 = arith.addi %mul3A_270, %add3A_364 : i32
      %lt3A_366 = arith.constant 18 : i32
      %lt3A_367 = arith.cmpi slt, %add3A_268, %lt3A_366 : i32
      %dma_wait3A_368 = arith.constant 0 : i32
      %dma_wait3A_369 = tpu.memref_slice %arg3[%dma_wait3A_368] : memref<320000xi32, #tpu.memory_space<hbm>> -> memref<128xi32, #tpu.memory_space<hbm>>
      %dma_wait3A_370 = arith.constant 0 : i32
      %dma_wait3A_371 = tpu.memref_slice %arg3[%dma_wait3A_370] : memref<320000xi32, #tpu.memory_space<hbm>> -> memref<128xi32, #tpu.memory_space<hbm>>
      tpu.wait_dma2 semaphore(%arg17 : memref<!tpu.dma_semaphore, #tpu.memory_space<semaphore_mem>>) src(%dma_wait3A_371 : memref<128xi32, #tpu.memory_space<hbm>>) dst(%arg6 : memref<128xi32, #tpu.memory_space<vmem>>)
      %dma_wait3A_372 = arith.constant 0 : i32
      %dma_wait3A_373 = tpu.memref_slice %arg4[%dma_wait3A_372] : memref<320000xi32, #tpu.memory_space<hbm>> -> memref<128xi32, #tpu.memory_space<hbm>>
      %dma_wait3A_374 = arith.constant 0 : i32
      %dma_wait3A_375 = tpu.memref_slice %arg4[%dma_wait3A_374] : memref<320000xi32, #tpu.memory_space<hbm>> -> memref<128xi32, #tpu.memory_space<hbm>>
      tpu.wait_dma2 semaphore(%arg17 : memref<!tpu.dma_semaphore, #tpu.memory_space<semaphore_mem>>) src(%dma_wait3A_375 : memref<128xi32, #tpu.memory_space<hbm>>) dst(%arg7 : memref<128xi32, #tpu.memory_space<vmem>>)
      %dma_wait3A_376 = arith.constant 0 : i32
      %dma_wait3A_377 = arith.constant 0 : i32
      %dma_wait3A_378 = tpu.memref_slice %arg16[%dma_wait3A_376, %dma_wait3A_377] : memref<10240x128xf32, #tpu.memory_space<vmem_shared>> -> memref<10240x128xf32, #tpu.memory_space<vmem_shared>>
      tpu.wait_indirect_dma semaphore(%arg23 : memref<!tpu.dma_semaphore, #tpu.memory_space<semaphore_mem>>) src(%arg14 : memref<128x128xf32, #tpu.memory_space<vmem>>) dst(%dma_wait3A_378 : memref<10240x128xf32, #tpu.memory_space<vmem_shared>>)
      %dma_start3A_379 = arith.constant 0 : i32
      %dma_start3A_380 = arith.constant 0 : i32
      %dma_start3A_381 = tpu.memref_slice %arg2[%dma_start3A_379, %dma_start3A_380] : memref<10000x128xf32, #tpu.memory_space<hbm>> -> memref<10000x128xf32, #tpu.memory_space<hbm>>
      tpu.enqueue_indirect_dma source(%dma_start3A_381 : memref<10000x128xf32, #tpu.memory_space<hbm>>) target(%arg14 : memref<128x128xf32, #tpu.memory_space<vmem>>) offsets(%arg6 : memref<128xi32, #tpu.memory_space<vmem>>) semaphore(%arg21 : memref<!tpu.dma_semaphore, #tpu.memory_space<semaphore_mem>>)
      %dma_wait3A_382 = arith.constant 0 : i32
      %dma_wait3A_383 = arith.constant 0 : i32
      %dma_wait3A_384 = tpu.memref_slice %arg2[%dma_wait3A_382, %dma_wait3A_383] : memref<10000x128xf32, #tpu.memory_space<hbm>> -> memref<10000x128xf32, #tpu.memory_space<hbm>>
      tpu.wait_indirect_dma semaphore(%arg22 : memref<!tpu.dma_semaphore, #tpu.memory_space<semaphore_mem>>) src(%dma_wait3A_384 : memref<10000x128xf32, #tpu.memory_space<hbm>>) dst(%arg15 : memref<128x128xf32, #tpu.memory_space<vmem>>)
      %dma_start3A_385 = arith.constant 0 : i32
      %dma_start3A_386 = arith.constant 0 : i32
      %dma_start3A_387 = tpu.memref_slice %arg16[%dma_start3A_385, %dma_start3A_386] : memref<10240x128xf32, #tpu.memory_space<vmem_shared>> -> memref<10240x128xf32, #tpu.memory_space<vmem_shared>>
      tpu.enqueue_indirect_dma source(%arg15 : memref<128x128xf32, #tpu.memory_space<vmem>>) target(%dma_start3A_387 : memref<10240x128xf32, #tpu.memory_space<vmem_shared>>) offsets(%arg13 : memref<128xi32, #tpu.memory_space<vmem>>) semaphore(%arg24 : memref<!tpu.dma_semaphore, #tpu.memory_space<semaphore_mem>>) {add = true}
      %add3A_388 = arith.constant 2 : i32
      %add3A_389 = arith.addi %add3A_365, %add3A_388 : i32
      %mul3A_390 = arith.constant 128 : i32
      %mul3A_391 = arith.muli %add3A_389, %mul3A_390 : i32
      %add3A_392 = arith.addi %mul3A_2, %mul3A_391 : i32
      %convert_element_type3A_393 = arith.extui %lt3A_367 : i1 to i32
      %cond3A_394 = arith.constant 0 : i32
      %cond3A_395 = arith.cmpi ne, %convert_element_type3A_393, %cond3A_394 : i32
      scf.if %cond3A_395 {
        %dma_start3A_396 = tpu.memref_slice %arg3[%add3A_392] : memref<320000xi32, #tpu.memory_space<hbm>> -> memref<128xi32, #tpu.memory_space<hbm>>
        %dma_start3A_397 = tpu.memref_slice %arg3[%add3A_392] : memref<320000xi32, #tpu.memory_space<hbm>> -> memref<128xi32, #tpu.memory_space<hbm>>
        tpu.enqueue_dma source(%dma_start3A_397 : memref<128xi32, #tpu.memory_space<hbm>>) target(%arg10 : memref<128xi32, #tpu.memory_space<vmem>>) target_semaphore(%arg19 : memref<!tpu.dma_semaphore, #tpu.memory_space<semaphore_mem>>)
        %dma_start3A_398 = tpu.memref_slice %arg4[%add3A_392] : memref<320000xi32, #tpu.memory_space<hbm>> -> memref<128xi32, #tpu.memory_space<hbm>>
        %dma_start3A_399 = tpu.memref_slice %arg4[%add3A_392] : memref<320000xi32, #tpu.memory_space<hbm>> -> memref<128xi32, #tpu.memory_space<hbm>>
        tpu.enqueue_dma source(%dma_start3A_399 : memref<128xi32, #tpu.memory_space<hbm>>) target(%arg11 : memref<128xi32, #tpu.memory_space<vmem>>) target_semaphore(%arg19 : memref<!tpu.dma_semaphore, #tpu.memory_space<semaphore_mem>>)
      } else {
      }
    }
    %scan3A_210 = arith.constant 18 : i32
    %dma_wait3A_211 = arith.constant 0 : i32
    %dma_wait3A_212 = tpu.memref_slice %arg3[%dma_wait3A_211] : memref<320000xi32, #tpu.memory_space<hbm>> -> memref<128xi32, #tpu.memory_space<hbm>>
    %dma_wait3A_213 = arith.constant 0 : i32
    %dma_wait3A_214 = tpu.memref_slice %arg3[%dma_wait3A_213] : memref<320000xi32, #tpu.memory_space<hbm>> -> memref<128xi32, #tpu.memory_space<hbm>>
    tpu.wait_dma2 semaphore(%arg18 : memref<!tpu.dma_semaphore, #tpu.memory_space<semaphore_mem>>) src(%dma_wait3A_214 : memref<128xi32, #tpu.memory_space<hbm>>) dst(%arg8 : memref<128xi32, #tpu.memory_space<vmem>>)
    %dma_wait3A_215 = arith.constant 0 : i32
    %dma_wait3A_216 = tpu.memref_slice %arg4[%dma_wait3A_215] : memref<320000xi32, #tpu.memory_space<hbm>> -> memref<128xi32, #tpu.memory_space<hbm>>
    %dma_wait3A_217 = arith.constant 0 : i32
    %dma_wait3A_218 = tpu.memref_slice %arg4[%dma_wait3A_217] : memref<320000xi32, #tpu.memory_space<hbm>> -> memref<128xi32, #tpu.memory_space<hbm>>
    tpu.wait_dma2 semaphore(%arg18 : memref<!tpu.dma_semaphore, #tpu.memory_space<semaphore_mem>>) src(%dma_wait3A_218 : memref<128xi32, #tpu.memory_space<hbm>>) dst(%arg9 : memref<128xi32, #tpu.memory_space<vmem>>)
    %dma_wait3A_219 = arith.constant 0 : i32
    %dma_wait3A_220 = arith.constant 0 : i32
    %dma_wait3A_221 = tpu.memref_slice %arg16[%dma_wait3A_219, %dma_wait3A_220] : memref<10240x128xf32, #tpu.memory_space<vmem_shared>> -> memref<10240x128xf32, #tpu.memory_space<vmem_shared>>
    tpu.wait_indirect_dma semaphore(%arg24 : memref<!tpu.dma_semaphore, #tpu.memory_space<semaphore_mem>>) src(%arg15 : memref<128x128xf32, #tpu.memory_space<vmem>>) dst(%dma_wait3A_221 : memref<10240x128xf32, #tpu.memory_space<vmem_shared>>)
    %dma_start3A_222 = arith.constant 0 : i32
    %dma_start3A_223 = arith.constant 0 : i32
    %dma_start3A_224 = tpu.memref_slice %arg2[%dma_start3A_222, %dma_start3A_223] : memref<10000x128xf32, #tpu.memory_space<hbm>> -> memref<10000x128xf32, #tpu.memory_space<hbm>>
    tpu.enqueue_indirect_dma source(%dma_start3A_224 : memref<10000x128xf32, #tpu.memory_space<hbm>>) target(%arg15 : memref<128x128xf32, #tpu.memory_space<vmem>>) offsets(%arg8 : memref<128xi32, #tpu.memory_space<vmem>>) semaphore(%arg22 : memref<!tpu.dma_semaphore, #tpu.memory_space<semaphore_mem>>)
    %dma_wait3A_225 = arith.constant 0 : i32
    %dma_wait3A_226 = arith.constant 0 : i32
    %dma_wait3A_227 = tpu.memref_slice %arg2[%dma_wait3A_225, %dma_wait3A_226] : memref<10000x128xf32, #tpu.memory_space<hbm>> -> memref<10000x128xf32, #tpu.memory_space<hbm>>
    tpu.wait_indirect_dma semaphore(%arg21 : memref<!tpu.dma_semaphore, #tpu.memory_space<semaphore_mem>>) src(%dma_wait3A_227 : memref<10000x128xf32, #tpu.memory_space<hbm>>) dst(%arg14 : memref<128x128xf32, #tpu.memory_space<vmem>>)
    %dma_start3A_228 = arith.constant 0 : i32
    %dma_start3A_229 = arith.constant 0 : i32
    %dma_start3A_230 = tpu.memref_slice %arg16[%dma_start3A_228, %dma_start3A_229] : memref<10240x128xf32, #tpu.memory_space<vmem_shared>> -> memref<10240x128xf32, #tpu.memory_space<vmem_shared>>
    tpu.enqueue_indirect_dma source(%arg14 : memref<128x128xf32, #tpu.memory_space<vmem>>) target(%dma_start3A_230 : memref<10240x128xf32, #tpu.memory_space<vmem_shared>>) offsets(%arg7 : memref<128xi32, #tpu.memory_space<vmem>>) semaphore(%arg23 : memref<!tpu.dma_semaphore, #tpu.memory_space<semaphore_mem>>) {add = true}
    %dma_wait3A_231 = arith.constant 0 : i32
    %dma_wait3A_232 = arith.constant 0 : i32
    %dma_wait3A_233 = tpu.memref_slice %arg2[%dma_wait3A_231, %dma_wait3A_232] : memref<10000x128xf32, #tpu.memory_space<hbm>> -> memref<10000x128xf32, #tpu.memory_space<hbm>>
    tpu.wait_indirect_dma semaphore(%arg22 : memref<!tpu.dma_semaphore, #tpu.memory_space<semaphore_mem>>) src(%dma_wait3A_233 : memref<10000x128xf32, #tpu.memory_space<hbm>>) dst(%arg15 : memref<128x128xf32, #tpu.memory_space<vmem>>)
    %dma_start3A_234 = arith.constant 0 : i32
    %dma_start3A_235 = arith.constant 0 : i32
    %dma_start3A_236 = tpu.memref_slice %arg16[%dma_start3A_234, %dma_start3A_235] : memref<10240x128xf32, #tpu.memory_space<vmem_shared>> -> memref<10240x128xf32, #tpu.memory_space<vmem_shared>>
    tpu.enqueue_indirect_dma source(%arg15 : memref<128x128xf32, #tpu.memory_space<vmem>>) target(%dma_start3A_236 : memref<10240x128xf32, #tpu.memory_space<vmem_shared>>) offsets(%arg9 : memref<128xi32, #tpu.memory_space<vmem>>) semaphore(%arg24 : memref<!tpu.dma_semaphore, #tpu.memory_space<semaphore_mem>>) {add = true}
    %dma_wait3A_237 = arith.constant 0 : i32
    %dma_wait3A_238 = arith.constant 0 : i32
    %dma_wait3A_239 = tpu.memref_slice %arg16[%dma_wait3A_237, %dma_wait3A_238] : memref<10240x128xf32, #tpu.memory_space<vmem_shared>> -> memref<10240x128xf32, #tpu.memory_space<vmem_shared>>
    tpu.wait_indirect_dma semaphore(%arg23 : memref<!tpu.dma_semaphore, #tpu.memory_space<semaphore_mem>>) src(%arg14 : memref<128x128xf32, #tpu.memory_space<vmem>>) dst(%dma_wait3A_239 : memref<10240x128xf32, #tpu.memory_space<vmem_shared>>)
    %dma_wait3A_240 = arith.constant 0 : i32
    %dma_wait3A_241 = arith.constant 0 : i32
    %dma_wait3A_242 = tpu.memref_slice %arg16[%dma_wait3A_240, %dma_wait3A_241] : memref<10240x128xf32, #tpu.memory_space<vmem_shared>> -> memref<10240x128xf32, #tpu.memory_space<vmem_shared>>
    tpu.wait_indirect_dma semaphore(%arg24 : memref<!tpu.dma_semaphore, #tpu.memory_space<semaphore_mem>>) src(%arg15 : memref<128x128xf32, #tpu.memory_space<vmem>>) dst(%dma_wait3A_242 : memref<10240x128xf32, #tpu.memory_space<vmem_shared>>)
    %lt3A = arith.constant 4 : i32
    %lt3A_243 = arith.cmpi slt, %add3A, %lt3A : i32
    %convert_element_type3A = arith.extui %lt3A_243 : i1 to i32
    %cond3A = arith.constant 0 : i32
    %cond3A_244 = arith.cmpi ne, %convert_element_type3A, %cond3A : i32
    scf.if %cond3A_244 {
      %mul3A_266 = arith.constant 128 : i32
      %mul3A_267 = arith.muli %add3A, %mul3A_266 : i32
      %add3A_268 = arith.constant 319488 : i32
      %add3A_269 = arith.addi %add3A_268, %mul3A_267 : i32
      %dma_start3A_270 = tpu.memref_slice %arg3[%add3A_269] : memref<320000xi32, #tpu.memory_space<hbm>> -> memref<128xi32, #tpu.memory_space<hbm>>
      %dma_start3A_271 = tpu.memref_slice %arg3[%add3A_269] : memref<320000xi32, #tpu.memory_space<hbm>> -> memref<128xi32, #tpu.memory_space<hbm>>
      tpu.enqueue_dma source(%dma_start3A_271 : memref<128xi32, #tpu.memory_space<hbm>>) target(%arg10 : memref<128xi32, #tpu.memory_space<vmem>>) target_semaphore(%arg19 : memref<!tpu.dma_semaphore, #tpu.memory_space<semaphore_mem>>)
      %dma_start3A_272 = tpu.memref_slice %arg4[%add3A_269] : memref<320000xi32, #tpu.memory_space<hbm>> -> memref<128xi32, #tpu.memory_space<hbm>>
      %dma_start3A_273 = tpu.memref_slice %arg4[%add3A_269] : memref<320000xi32, #tpu.memory_space<hbm>> -> memref<128xi32, #tpu.memory_space<hbm>>
      tpu.enqueue_dma source(%dma_start3A_273 : memref<128xi32, #tpu.memory_space<hbm>>) target(%arg11 : memref<128xi32, #tpu.memory_space<vmem>>) target_semaphore(%arg19 : memref<!tpu.dma_semaphore, #tpu.memory_space<semaphore_mem>>)
      %dma_wait3A_274 = arith.constant 0 : i32
      %dma_wait3A_275 = tpu.memref_slice %arg3[%dma_wait3A_274] : memref<320000xi32, #tpu.memory_space<hbm>> -> memref<128xi32, #tpu.memory_space<hbm>>
      %dma_wait3A_276 = arith.constant 0 : i32
      %dma_wait3A_277 = tpu.memref_slice %arg3[%dma_wait3A_276] : memref<320000xi32, #tpu.memory_space<hbm>> -> memref<128xi32, #tpu.memory_space<hbm>>
      tpu.wait_dma2 semaphore(%arg19 : memref<!tpu.dma_semaphore, #tpu.memory_space<semaphore_mem>>) src(%dma_wait3A_277 : memref<128xi32, #tpu.memory_space<hbm>>) dst(%arg10 : memref<128xi32, #tpu.memory_space<vmem>>)
      %dma_wait3A_278 = arith.constant 0 : i32
      %dma_wait3A_279 = tpu.memref_slice %arg4[%dma_wait3A_278] : memref<320000xi32, #tpu.memory_space<hbm>> -> memref<128xi32, #tpu.memory_space<hbm>>
      %dma_wait3A_280 = arith.constant 0 : i32
      %dma_wait3A_281 = tpu.memref_slice %arg4[%dma_wait3A_280] : memref<320000xi32, #tpu.memory_space<hbm>> -> memref<128xi32, #tpu.memory_space<hbm>>
      tpu.wait_dma2 semaphore(%arg19 : memref<!tpu.dma_semaphore, #tpu.memory_space<semaphore_mem>>) src(%dma_wait3A_281 : memref<128xi32, #tpu.memory_space<hbm>>) dst(%arg11 : memref<128xi32, #tpu.memory_space<vmem>>)
      %dma_start3A_282 = arith.constant 0 : i32
      %dma_start3A_283 = arith.constant 0 : i32
      %dma_start3A_284 = tpu.memref_slice %arg2[%dma_start3A_282, %dma_start3A_283] : memref<10000x128xf32, #tpu.memory_space<hbm>> -> memref<10000x128xf32, #tpu.memory_space<hbm>>
      tpu.enqueue_indirect_dma source(%dma_start3A_284 : memref<10000x128xf32, #tpu.memory_space<hbm>>) target(%arg14 : memref<128x128xf32, #tpu.memory_space<vmem>>) offsets(%arg10 : memref<128xi32, #tpu.memory_space<vmem>>) semaphore(%arg21 : memref<!tpu.dma_semaphore, #tpu.memory_space<semaphore_mem>>)
      %dma_wait3A_285 = arith.constant 0 : i32
      %dma_wait3A_286 = arith.constant 0 : i32
      %dma_wait3A_287 = tpu.memref_slice %arg2[%dma_wait3A_285, %dma_wait3A_286] : memref<10000x128xf32, #tpu.memory_space<hbm>> -> memref<10000x128xf32, #tpu.memory_space<hbm>>
      tpu.wait_indirect_dma semaphore(%arg21 : memref<!tpu.dma_semaphore, #tpu.memory_space<semaphore_mem>>) src(%dma_wait3A_287 : memref<10000x128xf32, #tpu.memory_space<hbm>>) dst(%arg14 : memref<128x128xf32, #tpu.memory_space<vmem>>)
      "tpu.region"() ({
        %run_scoped3A = tpu.sem_alloc : memref<!tpu.dma_semaphore, #tpu.memory_space<semaphore_mem>>
        %dma_start3A_288 = arith.constant 0 : i32
        %dma_start3A_289 = arith.constant 0 : i32
        %dma_start3A_290 = tpu.memref_slice %arg16[%dma_start3A_288, %dma_start3A_289] : memref<10240x128xf32, #tpu.memory_space<vmem_shared>> -> memref<10240x128xf32, #tpu.memory_space<vmem_shared>>
        tpu.enqueue_indirect_dma source(%arg14 : memref<128x128xf32, #tpu.memory_space<vmem>>) target(%dma_start3A_290 : memref<10240x128xf32, #tpu.memory_space<vmem_shared>>) offsets(%arg11 : memref<128xi32, #tpu.memory_space<vmem>>) semaphore(%run_scoped3A : memref<!tpu.dma_semaphore, #tpu.memory_space<semaphore_mem>>) {add = true}
        %dma_wait3A_291 = arith.constant 0 : i32
        %dma_wait3A_292 = arith.constant 0 : i32
        %dma_wait3A_293 = tpu.memref_slice %arg16[%dma_wait3A_291, %dma_wait3A_292] : memref<10240x128xf32, #tpu.memory_space<vmem_shared>> -> memref<10240x128xf32, #tpu.memory_space<vmem_shared>>
        tpu.wait_indirect_dma semaphore(%run_scoped3A : memref<!tpu.dma_semaphore, #tpu.memory_space<semaphore_mem>>) src(%arg14 : memref<128x128xf32, #tpu.memory_space<vmem>>) dst(%dma_wait3A_293 : memref<10240x128xf32, #tpu.memory_space<vmem_shared>>)
        tpu.yield
      }) : () -> ()
    } else {
    }
    %barrier3A_245 = arith.constant 0 : index
    tpu.barrier barrier_id(%barrier3A_245)
    %mul3A_246 = arith.constant 640 : i32
    %mul3A_247 = arith.muli %arg1, %mul3A_246 : i32
    %add3A_248 = arith.constant 0 : i32
    %add3A_249 = arith.addi %mul3A_247, %add3A_248 : i32
    "tpu.region"() ({
      %run_scoped3A = tpu.sem_alloc : memref<!tpu.dma_semaphore, #tpu.memory_space<semaphore_mem>>
      %dma_start3A_266 = arith.constant 0 : i32
      %dma_start3A_267 = tpu.memref_slice %arg5[%arg0, %add3A_249, %dma_start3A_266] : memref<2x10240x128xf32, #tpu.memory_space<hbm>> -> memref<1x128x128xf32, #tpu.memory_space<hbm>>
      %dma_start3A_268 = tpu.memref_squeeze %dma_start3A_267 : memref<1x128x128xf32, #tpu.memory_space<hbm>> -> memref<128x128xf32, #tpu.memory_space<hbm>>
      %dma_start3A_269 = arith.constant 0 : i32
      %dma_start3A_270 = tpu.memref_slice %arg16[%add3A_249, %dma_start3A_269] : memref<10240x128xf32, #tpu.memory_space<vmem_shared>> -> memref<128x128xf32, #tpu.memory_space<vmem_shared>>
      tpu.enqueue_dma source(%dma_start3A_270 : memref<128x128xf32, #tpu.memory_space<vmem_shared>>) target(%dma_start3A_268 : memref<128x128xf32, #tpu.memory_space<hbm>>) target_semaphore(%run_scoped3A : memref<!tpu.dma_semaphore, #tpu.memory_space<semaphore_mem>>)
      %dma_wait3A_271 = arith.constant 0 : i32
      %dma_wait3A_272 = tpu.memref_slice %arg5[%arg0, %add3A_249, %dma_wait3A_271] : memref<2x10240x128xf32, #tpu.memory_space<hbm>> -> memref<1x128x128xf32, #tpu.memory_space<hbm>>
      %dma_wait3A_273 = tpu.memref_squeeze %dma_wait3A_272 : memref<1x128x128xf32, #tpu.memory_space<hbm>> -> memref<128x128xf32, #tpu.memory_space<hbm>>
      %dma_wait3A_274 = arith.constant 0 : i32
      %dma_wait3A_275 = tpu.memref_slice %arg16[%add3A_249, %dma_wait3A_274] : memref<10240x128xf32, #tpu.memory_space<vmem_shared>> -> memref<128x128xf32, #tpu.memory_space<vmem_shared>>
      tpu.wait_dma2 semaphore(%run_scoped3A : memref<!tpu.dma_semaphore, #tpu.memory_space<semaphore_mem>>) src(%dma_wait3A_275 : memref<128x128xf32, #tpu.memory_space<vmem_shared>>) dst(%dma_wait3A_273 : memref<128x128xf32, #tpu.memory_space<hbm>>)
      tpu.yield
    }) : () -> ()
    %mul3A_250 = arith.constant 640 : i32
    %mul3A_251 = arith.muli %arg1, %mul3A_250 : i32
    %add3A_252 = arith.constant 128 : i32
    %add3A_253 = arith.addi %mul3A_251, %add3A_252 : i32
    "tpu.region"() ({
      %run_scoped3A = tpu.sem_alloc : memref<!tpu.dma_semaphore, #tpu.memory_space<semaphore_mem>>
      %dma_start3A_266 = arith.constant 0 : i32
      %dma_start3A_267 = tpu.memref_slice %arg5[%arg0, %add3A_253, %dma_start3A_266] : memref<2x10240x128xf32, #tpu.memory_space<hbm>> -> memref<1x128x128xf32, #tpu.memory_space<hbm>>
      %dma_start3A_268 = tpu.memref_squeeze %dma_start3A_267 : memref<1x128x128xf32, #tpu.memory_space<hbm>> -> memref<128x128xf32, #tpu.memory_space<hbm>>
      %dma_start3A_269 = arith.constant 0 : i32
      %dma_start3A_270 = tpu.memref_slice %arg16[%add3A_253, %dma_start3A_269] : memref<10240x128xf32, #tpu.memory_space<vmem_shared>> -> memref<128x128xf32, #tpu.memory_space<vmem_shared>>
      tpu.enqueue_dma source(%dma_start3A_270 : memref<128x128xf32, #tpu.memory_space<vmem_shared>>) target(%dma_start3A_268 : memref<128x128xf32, #tpu.memory_space<hbm>>) target_semaphore(%run_scoped3A : memref<!tpu.dma_semaphore, #tpu.memory_space<semaphore_mem>>)
      %dma_wait3A_271 = arith.constant 0 : i32
      %dma_wait3A_272 = tpu.memref_slice %arg5[%arg0, %add3A_253, %dma_wait3A_271] : memref<2x10240x128xf32, #tpu.memory_space<hbm>> -> memref<1x128x128xf32, #tpu.memory_space<hbm>>
      %dma_wait3A_273 = tpu.memref_squeeze %dma_wait3A_272 : memref<1x128x128xf32, #tpu.memory_space<hbm>> -> memref<128x128xf32, #tpu.memory_space<hbm>>
      %dma_wait3A_274 = arith.constant 0 : i32
      %dma_wait3A_275 = tpu.memref_slice %arg16[%add3A_253, %dma_wait3A_274] : memref<10240x128xf32, #tpu.memory_space<vmem_shared>> -> memref<128x128xf32, #tpu.memory_space<vmem_shared>>
      tpu.wait_dma2 semaphore(%run_scoped3A : memref<!tpu.dma_semaphore, #tpu.memory_space<semaphore_mem>>) src(%dma_wait3A_275 : memref<128x128xf32, #tpu.memory_space<vmem_shared>>) dst(%dma_wait3A_273 : memref<128x128xf32, #tpu.memory_space<hbm>>)
      tpu.yield
    }) : () -> ()
    %mul3A_254 = arith.constant 640 : i32
    %mul3A_255 = arith.muli %arg1, %mul3A_254 : i32
    %add3A_256 = arith.constant 256 : i32
    %add3A_257 = arith.addi %mul3A_255, %add3A_256 : i32
    "tpu.region"() ({
      %run_scoped3A = tpu.sem_alloc : memref<!tpu.dma_semaphore, #tpu.memory_space<semaphore_mem>>
      %dma_start3A_266 = arith.constant 0 : i32
      %dma_start3A_267 = tpu.memref_slice %arg5[%arg0, %add3A_257, %dma_start3A_266] : memref<2x10240x128xf32, #tpu.memory_space<hbm>> -> memref<1x128x128xf32, #tpu.memory_space<hbm>>
      %dma_start3A_268 = tpu.memref_squeeze %dma_start3A_267 : memref<1x128x128xf32, #tpu.memory_space<hbm>> -> memref<128x128xf32, #tpu.memory_space<hbm>>
      %dma_start3A_269 = arith.constant 0 : i32
      %dma_start3A_270 = tpu.memref_slice %arg16[%add3A_257, %dma_start3A_269] : memref<10240x128xf32, #tpu.memory_space<vmem_shared>> -> memref<128x128xf32, #tpu.memory_space<vmem_shared>>
      tpu.enqueue_dma source(%dma_start3A_270 : memref<128x128xf32, #tpu.memory_space<vmem_shared>>) target(%dma_start3A_268 : memref<128x128xf32, #tpu.memory_space<hbm>>) target_semaphore(%run_scoped3A : memref<!tpu.dma_semaphore, #tpu.memory_space<semaphore_mem>>)
      %dma_wait3A_271 = arith.constant 0 : i32
      %dma_wait3A_272 = tpu.memref_slice %arg5[%arg0, %add3A_257, %dma_wait3A_271] : memref<2x10240x128xf32, #tpu.memory_space<hbm>> -> memref<1x128x128xf32, #tpu.memory_space<hbm>>
      %dma_wait3A_273 = tpu.memref_squeeze %dma_wait3A_272 : memref<1x128x128xf32, #tpu.memory_space<hbm>> -> memref<128x128xf32, #tpu.memory_space<hbm>>
      %dma_wait3A_274 = arith.constant 0 : i32
      %dma_wait3A_275 = tpu.memref_slice %arg16[%add3A_257, %dma_wait3A_274] : memref<10240x128xf32, #tpu.memory_space<vmem_shared>> -> memref<128x128xf32, #tpu.memory_space<vmem_shared>>
      tpu.wait_dma2 semaphore(%run_scoped3A : memref<!tpu.dma_semaphore, #tpu.memory_space<semaphore_mem>>) src(%dma_wait3A_275 : memref<128x128xf32, #tpu.memory_space<vmem_shared>>) dst(%dma_wait3A_273 : memref<128x128xf32, #tpu.memory_space<hbm>>)
      tpu.yield
    }) : () -> ()
    %mul3A_258 = arith.constant 640 : i32
    %mul3A_259 = arith.muli %arg1, %mul3A_258 : i32
    %add3A_260 = arith.constant 384 : i32
    %add3A_261 = arith.addi %mul3A_259, %add3A_260 : i32
    "tpu.region"() ({
      %run_scoped3A = tpu.sem_alloc : memref<!tpu.dma_semaphore, #tpu.memory_space<semaphore_mem>>
      %dma_start3A_266 = arith.constant 0 : i32
      %dma_start3A_267 = tpu.memref_slice %arg5[%arg0, %add3A_261, %dma_start3A_266] : memref<2x10240x128xf32, #tpu.memory_space<hbm>> -> memref<1x128x128xf32, #tpu.memory_space<hbm>>
      %dma_start3A_268 = tpu.memref_squeeze %dma_start3A_267 : memref<1x128x128xf32, #tpu.memory_space<hbm>> -> memref<128x128xf32, #tpu.memory_space<hbm>>
      %dma_start3A_269 = arith.constant 0 : i32
      %dma_start3A_270 = tpu.memref_slice %arg16[%add3A_261, %dma_start3A_269] : memref<10240x128xf32, #tpu.memory_space<vmem_shared>> -> memref<128x128xf32, #tpu.memory_space<vmem_shared>>
      tpu.enqueue_dma source(%dma_start3A_270 : memref<128x128xf32, #tpu.memory_space<vmem_shared>>) target(%dma_start3A_268 : memref<128x128xf32, #tpu.memory_space<hbm>>) target_semaphore(%run_scoped3A : memref<!tpu.dma_semaphore, #tpu.memory_space<semaphore_mem>>)
      %dma_wait3A_271 = arith.constant 0 : i32
      %dma_wait3A_272 = tpu.memref_slice %arg5[%arg0, %add3A_261, %dma_wait3A_271] : memref<2x10240x128xf32, #tpu.memory_space<hbm>> -> memref<1x128x128xf32, #tpu.memory_space<hbm>>
      %dma_wait3A_273 = tpu.memref_squeeze %dma_wait3A_272 : memref<1x128x128xf32, #tpu.memory_space<hbm>> -> memref<128x128xf32, #tpu.memory_space<hbm>>
      %dma_wait3A_274 = arith.constant 0 : i32
      %dma_wait3A_275 = tpu.memref_slice %arg16[%add3A_261, %dma_wait3A_274] : memref<10240x128xf32, #tpu.memory_space<vmem_shared>> -> memref<128x128xf32, #tpu.memory_space<vmem_shared>>
      tpu.wait_dma2 semaphore(%run_scoped3A : memref<!tpu.dma_semaphore, #tpu.memory_space<semaphore_mem>>) src(%dma_wait3A_275 : memref<128x128xf32, #tpu.memory_space<vmem_shared>>) dst(%dma_wait3A_273 : memref<128x128xf32, #tpu.memory_space<hbm>>)
      tpu.yield
    }) : () -> ()
    %mul3A_262 = arith.constant 640 : i32
    %mul3A_263 = arith.muli %arg1, %mul3A_262 : i32
    %add3A_264 = arith.constant 512 : i32
    %add3A_265 = arith.addi %mul3A_263, %add3A_264 : i32
    "tpu.region"() ({
      %run_scoped3A = tpu.sem_alloc : memref<!tpu.dma_semaphore, #tpu.memory_space<semaphore_mem>>
      %dma_start3A_266 = arith.constant 0 : i32
      %dma_start3A_267 = tpu.memref_slice %arg5[%arg0, %add3A_265, %dma_start3A_266] : memref<2x10240x128xf32, #tpu.memory_space<hbm>> -> memref<1x128x128xf32, #tpu.memory_space<hbm>>
      %dma_start3A_268 = tpu.memref_squeeze %dma_start3A_267 : memref<1x128x128xf32, #tpu.memory_space<hbm>> -> memref<128x128xf32, #tpu.memory_space<hbm>>
      %dma_start3A_269 = arith.constant 0 : i32
      %dma_start3A_270 = tpu.memref_slice %arg16[%add3A_265, %dma_start3A_269] : memref<10240x128xf32, #tpu.memory_space<vmem_shared>> -> memref<128x128xf32, #tpu.memory_space<vmem_shared>>
      tpu.enqueue_dma source(%dma_start3A_270 : memref<128x128xf32, #tpu.memory_space<vmem_shared>>) target(%dma_start3A_268 : memref<128x128xf32, #tpu.memory_space<hbm>>) target_semaphore(%run_scoped3A : memref<!tpu.dma_semaphore, #tpu.memory_space<semaphore_mem>>)
      %dma_wait3A_271 = arith.constant 0 : i32
      %dma_wait3A_272 = tpu.memref_slice %arg5[%arg0, %add3A_265, %dma_wait3A_271] : memref<2x10240x128xf32, #tpu.memory_space<hbm>> -> memref<1x128x128xf32, #tpu.memory_space<hbm>>
      %dma_wait3A_273 = tpu.memref_squeeze %dma_wait3A_272 : memref<1x128x128xf32, #tpu.memory_space<hbm>> -> memref<128x128xf32, #tpu.memory_space<hbm>>
      %dma_wait3A_274 = arith.constant 0 : i32
      %dma_wait3A_275 = tpu.memref_slice %arg16[%add3A_265, %dma_wait3A_274] : memref<10240x128xf32, #tpu.memory_space<vmem_shared>> -> memref<128x128xf32, #tpu.memory_space<vmem_shared>>
      tpu.wait_dma2 semaphore(%run_scoped3A : memref<!tpu.dma_semaphore, #tpu.memory_space<semaphore_mem>>) src(%dma_wait3A_275 : memref<128x128xf32, #tpu.memory_space<vmem_shared>>) dst(%dma_wait3A_273 : memref<128x128xf32, #tpu.memory_space<hbm>>)
      tpu.yield
    }) : () -> ()
    return
  }
}

module attributes {stable_mosaic.version = 14 : i64} {
  func.func @_prep_body(%arg0: i32, %arg1: memref<1000x128xf32, #tpu.memory_space<vmem>>, %arg2: memref<128x128xf32, #tpu.memory_space<vmem>>, %arg3: memref<2x1000x1xf32, #tpu.memory_space<vmem>>, %arg4: memref<1000x128xf32, #tpu.memory_space<vmem>>) attributes {dimension_semantics = [#tpu.dimension_semantics<arbitrary>], iteration_bounds = array<i64: 10>, scalar_prefetch = 0 : i64, scratch_operands = 0 : i64, tpu.core_type = #tpu.core_type<tc>, window_params = [{transform_indices = @transform_0, window_bounds = array<i64: 1000, 128>}, {pipeline_mode = #tpu.pipeline_mode<synchronous>, transform_indices = @transform_1, window_bounds = array<i64: 128, 128>}, {transform_indices = @transform_2, window_bounds = array<i64: 2, 1000, 1>}, {transform_indices = @transform_3, window_bounds = array<i64: 1000, 128>}]} {
    %get3A = arith.constant 0 : index
    %get3A_0 = arith.constant 0 : index
    %get3A_1 = vector.load %arg1[%get3A, %get3A_0] : memref<1000x128xf32, #tpu.memory_space<vmem>>, vector<1000x128xf32>
    %get3A_2 = arith.constant 0 : index
    %get3A_3 = arith.constant 0 : index
    %get3A_4 = vector.load %arg2[%get3A_2, %get3A_3] : memref<128x128xf32, #tpu.memory_space<vmem>>, vector<128x128xf32>
    %dot_general3A = arith.constant dense<0.000000e+00> : vector<1000x128xf32>
    %dot_general3A_5 = tpu.matmul %get3A_1, %get3A_4, %dot_general3A {dimension_numbers = #tpu.dot_dimension_numbers<[1], [0], [0], [1], [0, 0, 1, 1], [], []>, transpose_lhs_hint = false} : vector<1000x128xf32>, vector<128x128xf32>, vector<1000x128xf32> -> vector<1000x128xf32>
    %get3A_6 = arith.constant 0 : index
    %get3A_7 = arith.constant 0 : index
    %get3A_8 = arith.constant 0 : index
    %get3A_9 = vector.load %arg3[%get3A_6, %get3A_7, %get3A_8] : memref<2x1000x1xf32, #tpu.memory_space<vmem>>, vector<1x1000x1xf32>
    %get3A_10 = vector.shape_cast %get3A_9 : vector<1x1000x1xf32> to vector<1000x1xf32>
    %get3A_11 = arith.constant 1 : index
    %get3A_12 = arith.constant 0 : index
    %get3A_13 = arith.constant 0 : index
    %get3A_14 = vector.load %arg3[%get3A_11, %get3A_12, %get3A_13] : memref<2x1000x1xf32, #tpu.memory_space<vmem>>, vector<1x1000x1xf32>
    %get3A_15 = vector.shape_cast %get3A_14 : vector<1x1000x1xf32> to vector<1000x1xf32>
    %add3A = arith.addf %get3A_10, %get3A_15 : vector<1000x1xf32>
    %max3A = arith.constant 1.000000e+00 : f32
    %max3A_16 = vector.broadcast %max3A : f32 to vector<1000x1xf32>
    %max3A_17 = arith.maximumf %add3A, %max3A_16 : vector<1000x1xf32>
    %rsqrt3A = math.rsqrt %max3A_17 : vector<1000x1xf32>
    %mul3A = vector.broadcast %rsqrt3A : vector<1000x1xf32> to vector<1000x128xf32>
    %mul3A_18 = arith.mulf %dot_general3A_5, %mul3A : vector<1000x128xf32>
    %swap3A = arith.constant 0 : index
    %swap3A_19 = arith.constant 0 : index
    %swap3A_20 = vector.load %arg4[%swap3A, %swap3A_19] : memref<1000x128xf32, #tpu.memory_space<vmem>>, vector<1000x128xf32>
    tpu.vector_store %arg4[%swap3A, %swap3A_19], %mul3A_18 {strides = array<i32>} : memref<1000x128xf32, #tpu.memory_space<vmem>>, vector<1000x128xf32>,
    return
  }
  func.func @transform_0(%arg0: i32) -> (i32, i32) {
    %c0_i32 = arith.constant 0 : i32
    %c0_i32_0 = arith.constant 0 : i32
    return %arg0, %c0_i32 : i32, i32
  }
  func.func @transform_1(%arg0: i32) -> (i32, i32) {
    %c0_i32 = arith.constant 0 : i32
    %c0_i32_0 = arith.constant 0 : i32
    %c0_i32_1 = arith.constant 0 : i32
    return %c0_i32, %c0_i32_0 : i32, i32
  }
  func.func @transform_2(%arg0: i32) -> (i32, i32, i32) {
    %c0_i32 = arith.constant 0 : i32
    %c0_i32_0 = arith.constant 0 : i32
    %c0_i32_1 = arith.constant 0 : i32
    return %c0_i32, %arg0, %c0_i32_0 : i32, i32, i32
  }
  func.func @transform_3(%arg0: i32) -> (i32, i32) {
    %c0_i32 = arith.constant 0 : i32
    %c0_i32_0 = arith.constant 0 : i32
    return %arg0, %c0_i32 : i32, i32
  }
}

module attributes {stable_mosaic.version = 14 : i64} {
  func.func @_mid_body(%arg0: i32, %arg1: memref<2x1000x128xf32, #tpu.memory_space<vmem>>, %arg2: memref<2x1000x1xf32, #tpu.memory_space<vmem>>, %arg3: memref<1x128xf32, #tpu.memory_space<vmem>>, %arg4: memref<128x128xf32, #tpu.memory_space<vmem>>, %arg5: memref<1000x128xf32, #tpu.memory_space<vmem>>) attributes {dimension_semantics = [#tpu.dimension_semantics<arbitrary>], iteration_bounds = array<i64: 10>, scalar_prefetch = 0 : i64, scratch_operands = 0 : i64, tpu.core_type = #tpu.core_type<tc>, window_params = [{transform_indices = @transform_0, window_bounds = array<i64: 2, 1000, 128>}, {transform_indices = @transform_1, window_bounds = array<i64: 2, 1000, 1>}, {pipeline_mode = #tpu.pipeline_mode<synchronous>, transform_indices = @transform_2, window_bounds = array<i64: 1, 128>}, {pipeline_mode = #tpu.pipeline_mode<synchronous>, transform_indices = @transform_3, window_bounds = array<i64: 128, 128>}, {transform_indices = @transform_4, window_bounds = array<i64: 1000, 128>}]} {
    %get3A = arith.constant 0 : index
    %get3A_0 = arith.constant 0 : index
    %get3A_1 = arith.constant 0 : index
    %get3A_2 = vector.load %arg2[%get3A, %get3A_0, %get3A_1] : memref<2x1000x1xf32, #tpu.memory_space<vmem>>, vector<1x1000x1xf32>
    %get3A_3 = vector.shape_cast %get3A_2 : vector<1x1000x1xf32> to vector<1000x1xf32>
    %get3A_4 = arith.constant 1 : index
    %get3A_5 = arith.constant 0 : index
    %get3A_6 = arith.constant 0 : index
    %get3A_7 = vector.load %arg2[%get3A_4, %get3A_5, %get3A_6] : memref<2x1000x1xf32, #tpu.memory_space<vmem>>, vector<1x1000x1xf32>
    %get3A_8 = vector.shape_cast %get3A_7 : vector<1x1000x1xf32> to vector<1000x1xf32>
    %add3A = arith.addf %get3A_3, %get3A_8 : vector<1000x1xf32>
    %max3A = arith.constant 1.000000e+00 : f32
    %max3A_9 = vector.broadcast %max3A : f32 to vector<1000x1xf32>
    %max3A_10 = arith.maximumf %add3A, %max3A_9 : vector<1000x1xf32>
    %rsqrt3A = math.rsqrt %max3A_10 : vector<1000x1xf32>
    %get3A_11 = arith.constant 0 : index
    %get3A_12 = arith.constant 0 : index
    %get3A_13 = arith.constant 0 : index
    %get3A_14 = vector.load %arg1[%get3A_11, %get3A_12, %get3A_13] : memref<2x1000x128xf32, #tpu.memory_space<vmem>>, vector<1x1000x128xf32>
    %get3A_15 = vector.shape_cast %get3A_14 : vector<1x1000x128xf32> to vector<1000x128xf32>
    %get3A_16 = arith.constant 1 : index
    %get3A_17 = arith.constant 0 : index
    %get3A_18 = arith.constant 0 : index
    %get3A_19 = vector.load %arg1[%get3A_16, %get3A_17, %get3A_18] : memref<2x1000x128xf32, #tpu.memory_space<vmem>>, vector<1x1000x128xf32>
    %get3A_20 = vector.shape_cast %get3A_19 : vector<1x1000x128xf32> to vector<1000x128xf32>
    %add3A_21 = arith.addf %get3A_15, %get3A_20 : vector<1000x128xf32>
    %mul3A = vector.broadcast %rsqrt3A : vector<1000x1xf32> to vector<1000x128xf32>
    %mul3A_22 = arith.mulf %add3A_21, %mul3A : vector<1000x128xf32>
    %get3A_23 = arith.constant 0 : index
    %get3A_24 = arith.constant 0 : index
    %get3A_25 = vector.load %arg3[%get3A_23, %get3A_24] : memref<1x128xf32, #tpu.memory_space<vmem>>, vector<1x128xf32>
    %add3A_26 = vector.broadcast %get3A_25 : vector<1x128xf32> to vector<1000x128xf32>
    %add3A_27 = arith.addf %mul3A_22, %add3A_26 : vector<1000x128xf32>
    %max3A_28 = arith.constant 0.000000e+00 : f32
    %max3A_29 = vector.broadcast %max3A_28 : f32 to vector<1000x128xf32>
    %max3A_30 = arith.maximumf %add3A_27, %max3A_29 : vector<1000x128xf32>
    %get3A_31 = arith.constant 0 : index
    %get3A_32 = arith.constant 0 : index
    %get3A_33 = vector.load %arg4[%get3A_31, %get3A_32] : memref<128x128xf32, #tpu.memory_space<vmem>>, vector<128x128xf32>
    %dot_general3A = arith.constant dense<0.000000e+00> : vector<1000x128xf32>
    %dot_general3A_34 = tpu.matmul %max3A_30, %get3A_33, %dot_general3A {dimension_numbers = #tpu.dot_dimension_numbers<[1], [0], [0], [1], [0, 0, 1, 1], [], []>, transpose_lhs_hint = false} : vector<1000x128xf32>, vector<128x128xf32>, vector<1000x128xf32> -> vector<1000x128xf32>
    %mul3A_35 = vector.broadcast %rsqrt3A : vector<1000x1xf32> to vector<1000x128xf32>
    %mul3A_36 = arith.mulf %dot_general3A_34, %mul3A_35 : vector<1000x128xf32>
    %swap3A = arith.constant 0 : index
    %swap3A_37 = arith.constant 0 : index
    %swap3A_38 = vector.load %arg5[%swap3A, %swap3A_37] : memref<1000x128xf32, #tpu.memory_space<vmem>>, vector<1000x128xf32>
    tpu.vector_store %arg5[%swap3A, %swap3A_37], %mul3A_36 {strides = array<i32>} : memref<1000x128xf32, #tpu.memory_space<vmem>>, vector<1000x128xf32>,
    return
  }
  func.func @transform_0(%arg0: i32) -> (i32, i32, i32) {
    %c0_i32 = arith.constant 0 : i32
    %c0_i32_0 = arith.constant 0 : i32
    %c0_i32_1 = arith.constant 0 : i32
    return %c0_i32, %arg0, %c0_i32_0 : i32, i32, i32
  }
  func.func @transform_1(%arg0: i32) -> (i32, i32, i32) {
    %c0_i32 = arith.constant 0 : i32
    %c0_i32_0 = arith.constant 0 : i32
    %c0_i32_1 = arith.constant 0 : i32
    return %c0_i32, %arg0, %c0_i32_0 : i32, i32, i32
  }
  func.func @transform_2(%arg0: i32) -> (i32, i32) {
    %c0_i32 = arith.constant 0 : i32
    %c0_i32_0 = arith.constant 0 : i32
    %c0_i32_1 = arith.constant 0 : i32
    return %c0_i32, %c0_i32_0 : i32, i32
  }
  func.func @transform_3(%arg0: i32) -> (i32, i32) {
    %c0_i32 = arith.constant 0 : i32
    %c0_i32_0 = arith.constant 0 : i32
    %c0_i32_1 = arith.constant 0 : i32
    return %c0_i32, %c0_i32_0 : i32, i32
  }
  func.func @transform_4(%arg0: i32) -> (i32, i32) {
    %c0_i32 = arith.constant 0 : i32
    %c0_i32_0 = arith.constant 0 : i32
    return %arg0, %c0_i32 : i32, i32
  }
}

module attributes {stable_mosaic.version = 14 : i64} {
  func.func @_fin_body(%arg0: i32, %arg1: memref<2x1000x128xf32, #tpu.memory_space<vmem>>, %arg2: memref<2x1000x1xf32, #tpu.memory_space<vmem>>, %arg3: memref<1x128xf32, #tpu.memory_space<vmem>>, %arg4: memref<1000x128xf32, #tpu.memory_space<vmem>>) attributes {dimension_semantics = [#tpu.dimension_semantics<arbitrary>], iteration_bounds = array<i64: 10>, scalar_prefetch = 0 : i64, scratch_operands = 0 : i64, tpu.core_type = #tpu.core_type<tc>, window_params = [{transform_indices = @transform_0, window_bounds = array<i64: 2, 1000, 128>}, {transform_indices = @transform_1, window_bounds = array<i64: 2, 1000, 1>}, {pipeline_mode = #tpu.pipeline_mode<synchronous>, transform_indices = @transform_2, window_bounds = array<i64: 1, 128>}, {transform_indices = @transform_3, window_bounds = array<i64: 1000, 128>}]} {
    %get3A = arith.constant 0 : index
    %get3A_0 = arith.constant 0 : index
    %get3A_1 = arith.constant 0 : index
    %get3A_2 = vector.load %arg1[%get3A, %get3A_0, %get3A_1] : memref<2x1000x128xf32, #tpu.memory_space<vmem>>, vector<1x1000x128xf32>
    %get3A_3 = vector.shape_cast %get3A_2 : vector<1x1000x128xf32> to vector<1000x128xf32>
    %get3A_4 = arith.constant 1 : index
    %get3A_5 = arith.constant 0 : index
    %get3A_6 = arith.constant 0 : index
    %get3A_7 = vector.load %arg1[%get3A_4, %get3A_5, %get3A_6] : memref<2x1000x128xf32, #tpu.memory_space<vmem>>, vector<1x1000x128xf32>
    %get3A_8 = vector.shape_cast %get3A_7 : vector<1x1000x128xf32> to vector<1000x128xf32>
    %add3A = arith.addf %get3A_3, %get3A_8 : vector<1000x128xf32>
    %get3A_9 = arith.constant 0 : index
    %get3A_10 = arith.constant 0 : index
    %get3A_11 = arith.constant 0 : index
    %get3A_12 = vector.load %arg2[%get3A_9, %get3A_10, %get3A_11] : memref<2x1000x1xf32, #tpu.memory_space<vmem>>, vector<1x1000x1xf32>
    %get3A_13 = vector.shape_cast %get3A_12 : vector<1x1000x1xf32> to vector<1000x1xf32>
    %get3A_14 = arith.constant 1 : index
    %get3A_15 = arith.constant 0 : index
    %get3A_16 = arith.constant 0 : index
    %get3A_17 = vector.load %arg2[%get3A_14, %get3A_15, %get3A_16] : memref<2x1000x1xf32, #tpu.memory_space<vmem>>, vector<1x1000x1xf32>
    %get3A_18 = vector.shape_cast %get3A_17 : vector<1x1000x1xf32> to vector<1000x1xf32>
    %add3A_19 = arith.addf %get3A_13, %get3A_18 : vector<1000x1xf32>
    %max3A = arith.constant 1.000000e+00 : f32
    %max3A_20 = vector.broadcast %max3A : f32 to vector<1000x1xf32>
    %max3A_21 = arith.maximumf %add3A_19, %max3A_20 : vector<1000x1xf32>
    %rsqrt3A = math.rsqrt %max3A_21 : vector<1000x1xf32>
    %mul3A = vector.broadcast %rsqrt3A : vector<1000x1xf32> to vector<1000x128xf32>
    %mul3A_22 = arith.mulf %add3A, %mul3A : vector<1000x128xf32>
    %get3A_23 = arith.constant 0 : index
    %get3A_24 = arith.constant 0 : index
    %get3A_25 = vector.load %arg3[%get3A_23, %get3A_24] : memref<1x128xf32, #tpu.memory_space<vmem>>, vector<1x128xf32>
    %add3A_26 = vector.broadcast %get3A_25 : vector<1x128xf32> to vector<1000x128xf32>
    %add3A_27 = arith.addf %mul3A_22, %add3A_26 : vector<1000x128xf32>
    %swap3A = arith.constant 0 : index
    %swap3A_28 = arith.constant 0 : index
    %swap3A_29 = vector.load %arg4[%swap3A, %swap3A_28] : memref<1000x128xf32, #tpu.memory_space<vmem>>, vector<1000x128xf32>
    tpu.vector_store %arg4[%swap3A, %swap3A_28], %add3A_27 {strides = array<i32>} : memref<1000x128xf32, #tpu.memory_space<vmem>>, vector<1000x128xf32>,
    return
  }
  func.func @transform_0(%arg0: i32) -> (i32, i32, i32) {
    %c0_i32 = arith.constant 0 : i32
    %c0_i32_0 = arith.constant 0 : i32
    %c0_i32_1 = arith.constant 0 : i32
    return %c0_i32, %arg0, %c0_i32_0 : i32, i32, i32
  }
  func.func @transform_1(%arg0: i32) -> (i32, i32, i32) {
    %c0_i32 = arith.constant 0 : i32
    %c0_i32_0 = arith.constant 0 : i32
    %c0_i32_1 = arith.constant 0 : i32
    return %c0_i32, %arg0, %c0_i32_0 : i32, i32, i32
  }
  func.func @transform_2(%arg0: i32) -> (i32, i32) {
    %c0_i32 = arith.constant 0 : i32
    %c0_i32_0 = arith.constant 0 : i32
    %c0_i32_1 = arith.constant 0 : i32
    return %c0_i32, %c0_i32_0 : i32, i32
  }
  func.func @transform_3(%arg0: i32) -> (i32, i32) {
    %c0_i32 = arith.constant 0 : i32
    %c0_i32_0 = arith.constant 0 : i32
    return %arg0, %c0_i32 : i32, i32
  }
}

</mosaic_0001>

<sc_bundles>
// kernel: kernel.11.cloned.1.call-start
scs
__scs_entry_jumppad:
0x0: {  	(pc) =	sbr.rel $0x88, $3  }
0x1: {  	(tag) =	ssettag $0x0;
	lr =	simm.s32 $0x1  }
0x2: {  	[smem:$0x3F9B] =	sst lr;
	_ =	strace $0xD0000000  }
0x3: {  	_ = 	snop  }
0x4: {  	_ = 	snop  }
0x5: {  	_ = 	snop  }
0x6: {  	_ = 	snop  }
0x7: {  	_ = 	snop  }
__scs_overlays_trampoline_lowered:
0x8: {  	[smem:$0x3FAA] =	sst s0  }
0x9: {  	[smem:$0x3FAB] =	sst s1  }
0xa: {  	[smem:$0x3FAC] =	sst s2  }
0xb: {  	[smem:$0x3FAD] =	sst s3  }
0xc: {  	[smem:$0x3FAE] =	sst s4  }
0xd: {  	[smem:$0x3FAF] =	sst s5  }
0xe: {  	[smem:$0x3FB0] =	sst s6  }
0xf: {  	[smem:$0x3FB1] =	sst s7  }
0x10: {  	[smem:$0x3FB2] =	sst s8  }
0x11: {  	[smem:$0x3FB3] =	sst s9;
	s0 =	simm.s32 @!p0 $0x0  }
0x12: {  	s1 =	sld [smem:$0x3F99];
	s0 =	simm.s32 @p0 $0x1  }
0x13: {  	[smem:$0x3FB4] =	sst s0;
	s0 =	simm.s32 @!p1 $0x0  }
0x14: {  	s2 =	sld [smem:$0x3F98];
	s0 =	simm.s32 @p1 $0x1  }
0x15: {  	[smem:$0x3FB5] =	sst s0;
	s0 =	simm.s32 @!p2 $0x0  }
0x16: {  	s3 =	sld [smem:$0x3FDB];
	s0 =	simm.s32 @p2 $0x1  }
0x17: {  	s4 =	simm.s32 $0x1BF5;
	[smem:$0x3FB7] =	sst s0  }
0x18: {  	s0 =	sld [smem:$0x3F9A];
	_ =	swait.ge [sflag:s4], $0x0  }
0x19: {  	s7 =	sld [smem:$0x3F9B]  }
0x1a: {  	s8 =	sadd.s32 $0xFFFFE003, lr  }
0x1b: {  	s9 =	sadd.s32 $0xFFFFFEF7, lr;
	s5 =	simm.s32 $0xFFFFFFFF;
	p2 =	slt.u32 s8, $0xFFFFF086  }
0x1c: {  	p1 =	slt.u32 s9, $0xF7A;
	s5 =	simm.s32 @!p2 $0x0  }
0x1d: {  	s5 =	simm.s32 @p1 $0x1;
	p0 =	seq.s32 s7, s2  }
0x1e: {  	s7 =	smul.u32 @!p0 $0xF7A, s2;
	p2 =	seq.s32 @!p0 s5, $0x0  }
0x1f: {  	s9 =	smul.u32 $0xF7A, s1;
	s8 =	simm.s32 @!p0 $0x1BF5;
	p2 =	por !p2, p0  }
0x20: {  	[sflag:s8] =	ssyncset.s32 @!p0 $0xFFFFF086;
	s6 =	sadd.s32 @!p0 s3, s7;
	s7 =	simm.s32 @!p0 $0x108  }
0x21: {  	s3 =	sadd.s32 s3, s9;
	s6 =	sadd.s32 @!p0 $0x88, s6;
	s7 =	simm.s32 @p2 $0x1082  }
0x22: {  	[simem:s7], [sflag:s8] =	dma.local @!p0 [hbm:s6], $0xF7A  }
0x23: {  	s9 =	sor.u32 $0xD0000000, s2;
	s6 =	simm.s32 $0x108;
	_ =	swait.ge @!p0 [sflag:s8], $0x0  }
0x24: {  	s3 =	sadd.s32 $0x88, s3;
	s6 =	simm.s32 @!p1 $0x1082;
	[sflag:s4] =	ssyncset.s32 $0xFFFFF086  }
0x25: {  	[simem:s6], [sflag:s4] =	dma.local [hbm:s3], $0xF7A  }
0x26: {  	[smem:$0x3F9B] =	sst s1;
	(tag) =	ssettag s2;
	_ =	strace s9  }
0x27: {  	s1 =	sld [smem:$0x3FAB]  }
0x28: {  	s2 =	sld [smem:$0x3FAC]  }
0x29: {  	s4 =	sld [smem:$0x3FAE]  }
0x2a: {  	p0 =	seq.s32 s5, $0x0;
	s5 =	sld [smem:$0x3FAF]  }
0x2b: {  	s6 =	sld [smem:$0x3FB0]  }
0x2c: {  	s7 =	sld [smem:$0x3FB1]  }
0x2d: {  	s3 =	simm.s32 $0x108;
	s8 =	sld [smem:$0x3FB2]  }
0x2e: {  	s3 =	simm.s32 @!p0 $0x1082;
	s9 =	sld [smem:$0x3FB3]  }
0x2f: {  	lr =	sadd.s32 s0, s3;
	s0 =	sld [smem:$0x3FAA]  }
0x30: {  	s3 =	sld [smem:$0x3FAD]  }
0x31: {  	[smem:$0x3FB6] =	sst s10  }
0x32: {  	s10 =	sld [smem:$0x3FB4];
	_ =	sdelay $0x3  }
0x33: {  	p0 =	seq.s32 s10, $0x1;
	s10 =	sld [smem:$0x3FB6];
	_ =	sdelay $0x3  }
0x34: {  	[smem:$0x3FB6] =	sst s10  }
0x35: {  	s10 =	sld [smem:$0x3FB5];
	_ =	sdelay $0x3  }
0x36: {  	p1 =	seq.s32 s10, $0x1;
	s10 =	sld [smem:$0x3FB6];
	_ =	sdelay $0x3  }
0x37: {  	[smem:$0x3FB6] =	sst s10  }
0x38: {  	s10 =	sld [smem:$0x3FB7]  }
0x39: {  	_ = 	snop;
	(pc) =	sbr.ind lr, $3  }
0x3a: {  	_ = 	snop  }
0x3b: {  	_ = 	snop  }
0x3c: {  	p2 =	seq.s32 s10, $0x1;
	s10 =	sld [smem:$0x3FB6]  }
0x3d: {  	_ =	shalt  }
0x3e: {  	_ =	shalt  }
0x3f: {  	_ =	shalt  }
0x40: {  	_ =	shalt  }
0x41: {  	_ =	shalt  }
0x42: {  	_ =	shalt  }
0x43: {  	_ =	shalt  }
0x44: {  	_ =	shalt  }
0x45: {  	_ =	shalt  }
0x46: {  	_ =	shalt  }
0x47: {  	_ =	shalt  }
0x48: {  	_ =	shalt  }
0x49: {  	_ =	shalt  }
0x4a: {  	_ =	shalt  }
0x4b: {  	_ =	shalt  }
0x4c: {  	_ =	shalt  }
0x4d: {  	_ =	shalt  }
0x4e: {  	_ =	shalt  }
0x4f: {  	_ =	shalt  }
0x50: {  	_ =	shalt  }
0x51: {  	_ =	shalt  }
0x52: {  	_ =	shalt  }
0x53: {  	_ =	shalt  }
0x54: {  	_ =	shalt  }
0x55: {  	_ =	shalt  }
0x56: {  	_ =	shalt  }
0x57: {  	_ =	shalt  }
0x58: {  	_ =	shalt  }
0x59: {  	_ =	shalt  }
0x5a: {  	_ =	shalt  }
0x5b: {  	_ =	shalt  }
0x5c: {  	_ =	shalt  }
0x5d: {  	_ =	shalt  }
0x5e: {  	_ =	shalt  }
0x5f: {  	_ =	shalt  }
0x60: {  	_ =	shalt  }
0x61: {  	_ =	shalt  }
0x62: {  	_ =	shalt  }
0x63: {  	_ =	shalt  }
0x64: {  	_ =	shalt  }
0x65: {  	_ =	shalt  }
0x66: {  	_ =	shalt  }
0x67: {  	_ =	shalt  }
0x68: {  	_ =	shalt  }
0x69: {  	_ =	shalt  }
0x6a: {  	_ =	shalt  }
0x6b: {  	_ =	shalt  }
0x6c: {  	_ =	shalt  }
0x6d: {  	_ =	shalt  }
0x6e: {  	_ =	shalt  }
0x6f: {  	_ =	shalt  }
0x70: {  	_ =	shalt  }
0x71: {  	_ =	shalt  }
0x72: {  	_ =	shalt  }
0x73: {  	_ =	shalt  }
0x74: {  	_ =	shalt  }
0x75: {  	_ =	shalt  }
0x76: {  	_ =	shalt  }
0x77: {  	_ =	shalt  }
0x78: {  	_ =	shalt  }
0x79: {  	_ =	shalt  }
0x7a: {  	_ =	shalt  }
0x7b: {  	_ =	shalt  }
0x7c: {  	_ =	shalt  }
0x7d: {  	_ =	shalt  }
0x7e: {  	_ =	shalt  }
0x7f: {  	_ =	shalt  }
0x80: {  	_ =	shalt  }
0x81: {  	_ =	shalt  }
0x82: {  	_ =	shalt  }
0x83: {  	_ =	shalt  }
0x84: {  	_ =	shalt  }
0x85: {  	_ =	shalt  }
0x86: {  	_ =	shalt  }
0x87: {  	_ =	shalt  }
.Lfunc_end0:
.L_simem_size_0:
called_computation.1_lowered:
.L_overlay_start_0:
0x88: {  	s2 =	sld [smem:$0x3FD9]  }
0x89: {  	s3 =	sld [smem:$0x3FFE];
	_ =	sdelay $0x1  }
0x8a: {  	s1 =	srdreg.scid  }
0x8b: {  	s0 =	sand.u32 $0x1, s1  }
0x8c: {  	s17 =	sshll.u32 s0, $0xA;
	s2 =	sadd.s32 s3, s2  }
0x8d: {  	s2 =	sadd.s32 s2, s17  }
0x8e: {  	[smem:$0x3FC2] =	sst s2  }
0x8f: {  	_ = 	snop  }
0x90: {  	s2 =	sld [smem:$0x3FD0];
	(tm) =	ssettm $0x1  }
0x91: {  	s18 =	sld [smem:$0x3FFB];
	_ =	sdelay $0x3  }
0x92: {  	_ =	strace s18  }
0x93: {  	s3 =	sld [smem:$0x3FFC];
	_ =	sdelay $0x3  }
0x94: {  	_ =	strace s3  }
0x95: {  	s3 =	sld [smem:$0x3FFD];
	_ =	sdelay $0x3  }
0x96: {  	_ =	strace s3  }
0x97: {  	_ =	strace $0x8FFFFFFF  }
0x98: {  	s19 =	sld [smem:$0x3FDB];
	_ =	sdelay $0x1  }
0x99: {  	s4 =	simm.s32 $_scs_section_size  }
0x9a: {  	s5 =	simm.s32 $_size__tile_overlayer_lowered;
	s6 =	simm.s32 $_tile_overlayer_lowered  }
0x9b: {  	s22 =	simm.s32 $0x1BFF;
	s21 =	sshll.u32 s6, $0x1;
	s3 =	sadd.s32 s4, s19  }
0x9c: {  	s7 =	simm.s32 $0x0;
	s20 =	sshll.u32 s5, $0x1;
	s5 =	sadd.s32 s21, s3  }
0x9d: {  	[timem:s7], [sflag:s22] =	dma.local [hbm:s5], s20  }
0x9e: {  	_ =	swait.ge [sflag:s22], s20  }
0x9f: {  	s4 =	ssub.s32 $0x0, s20;
	[sflag:s22] =	ssyncset.done $0x0  }
0xa0: {  	[sflag:s22] =	ssyncadd.s32 s4;
	_ =	sdelay $0x1  }
0xa1: {  	s23 =	simm.s32 $0x1B8B  }
0xa2: {  	_ =	swait.ge [sflag:s23], $0x1  }
0xa3: {  	[sflag:s23] =	ssyncset.done $0x0  }
0xa4: {  	s25 =	simm.s32 $0x1B8E;
	s24 =	sld [smem:$0x3FFE];
	[sflag:s23] =	ssyncadd.s32 $0xFFFFFFFF  }
0xa5: {  	s26 =	simm.s32 $execute0_lowered;
	[smem:$0x3FD2] =	sst s25  }
0xa6: {  	s5 =	sshll.u32 s26, $0x1;
	_ =	strace $0x80000049;
	[dreg:$0x1] =	wrdreg $0xFFFFFFFF  }
0xa7: {  	s28 =	simm.s32 $_size_execute0_lowered;
	s3 =	sadd.s32 s3, s5;
	[dreg:$0x0] =	wrdreg $0x0  }
0xa8: {  	s5 =	sshll.u32 s28, $0x1;
	[dreg:$0x2] =	wrdreg s3  }
0xa9: {  	[dreg:$0x3] =	wrdreg s5  }
0xaa: {  	[dreg:$0x4] =	wrdreg $0xC0  }
0xab: {  	_ =	task [dreg:s7], $0x5FFFF  }
0xac: {  	[dreg:$0x1] =	wrdreg $0xFFFFFFFF  }
0xad: {  	[dreg:$0x0] =	wrdreg $0x60  }
0xae: {  	[dreg:$0x2] =	wrdreg s2  }
0xaf: {  	[dreg:$0x3] =	wrdreg s24  }
0xb0: {  	[dreg:$0x4] =	wrdreg $0x84000  }
0xb1: {  	[dreg:$0x5] =	wrdreg $0x9  }
0xb2: {  	_ =	task.clear_ibuf [dreg:s7], $0x6FFFF;
	_ =	strace $0x90000049  }
0xb3: {  	s29 =	simm.s32 $0x9;
	_ =	strace $0x8000004B  }
0xb4: {  	_ =	swait.ge [sflag:s29], $0x1  }
0xb5: {  	[sflag:s29] =	ssyncadd.s32 $0xFFFFFFFF  }
0xb6: {  	_ =	strace $0x9000004B  }
0xb7: {  	_ =	sfence  }
0xb8: {  	s30 =	sld [smem:$0x0];
	_ =	sdelay $0x2  }
0xb9: {  	s31 =	sshll.u32 s1, $0xD;
	s1 =	sshrl.u32 s1, $0x2  }
0xba: {  	s3 =	sand.u32 $0x4000, s31;
	s1 =	sadd.s32 s1, s30  }
0xbb: {  	s0 =	sor.u32 s3, s0;
	s1 =	sshll.u32 s1, $0x11  }
0xbc: {  	s0 =	sor.u32 s1, s0  }
0xbd: {  	s0 =	sadd.s32 $0x8F2B, s0  }
0xbe: {  	[sflag:s0] =	ssyncadd.remote.s32 $0x1  }
0xbf: {  	_ =	sfence.sel $0xFFFF  }
0xc0: {  	[dreg:$0x0] =	wrdreg $0xFFFFFFFF;
	(pc) =	sbr.abs _section_cstart, $3  }
0xc1: {  	[dreg:$0x1] =	wrdreg $0xFFFFFFFF  }
0xc2: {  	_ =	task.clear_ibuf [dreg:s7], $0x2FFFF;
	_ =	strace $0x9FFFFFFF  }
0xc3: {  	(tm) =	ssettm $0x7FFFFFFF  }
tec
execute0_lowered:
.L_overlay_start_1:
0x0: {  	(tag) =	ssettag $0x1  }
0x1: {  	s0 =	srdreg.scid  }
0x2: {  	s17 =	stileid.u32;
	s3 =	rddreg [dreg:$0x1]  }
0x3: {  	s1 =	simm.s32 $0x0;
	s28 =	rddreg [dreg:$0x0];
	s6 =	sand.u32 $0x1, s0  }
0x4: {  	s30 =	sshll.u32 s17, $0x1;
	[smem:$0x7FF] =	sst s1;
	s10 =	smul.u32 $0x14000, s17  }
0x5: {  	s2 =	sadd.s32 $0x2C00, s3;
	s0 =	sadd.s32 $0xCA00, s3;
	s23 =	smul.u32 $0x4E00, s17  }
0x6: {  	s9 =	sadd.s32 $0x66800, s3;
	p0 =	sgt.u32 s17, $0x1;
	s12 =	smul.u32 $0x140000, s6  }
0x7: {  	s7 =	sor.u32 s6, s30;
	s4 =	ssub.s32 $0x2, s6;
	s6 =	smul.u32 $0x2700, s6  }
0x8: {  	s5 =	smul.u32 $0x2700, s7;
	s8 =	sshrl.u32 s4, $0x1;
	s7 =	sshll.u32 s7, $0x4  }
0x9: {  	s3 =	ssub.s32 s4, s8;
	s6 =	sadd.s32 s6, s23;
	s7 =	sor.u32 $0x9C00, s7  }
0xa: {  	s31 =	sshrl.u32 s5, $0x3;
	s5 =	sadd.s32 $0x8000, s10;
	s3 =	smax.u32 s3, $0x1  }
0xb: {  	s13 =	sadd.s32 s2, s31;
	s14 =	sor.u32 $0x10, s31;
	s16 =	sadd.s32 $0x20, s31  }
0xc: {  	s11 =	sadd.s32 $0x30, s31;
	s29 =	sadd.s32 s0, s31;
	[dreg:$0x4] =	wrdreg s13  }
0xd: {  	s24 =	sadd.s32 $0x40, s31;
	s15 =	sadd.s32 s2, s14;
	[dreg:$0x12] =	wrdreg s29  }
0xe: {  	s30 =	sadd.s32 $0x50, s31;
	s4 =	sadd.s32 s0, s14;
	[dreg:$0x5] =	wrdreg s15  }
0xf: {  	s8 =	sadd.s32 $0x60, s31;
	s18 =	sadd.s32 s2, s16;
	[dreg:$0x6] =	wrdreg s4  }
0x10: {  	s13 =	sadd.s32 $0xC000, s10;
	s25 =	sadd.s32 s0, s11;
	[dreg:$0x7] =	wrdreg s18  }
0x11: {  	s14 =	sadd.s32 $0x10000, s10;
	s26 =	sadd.s32 s2, s24;
	[dreg:$0xf] =	wrdreg s25  }
0x12: {  	s31 =	sadd.s32 s2, s30;
	s4 =	sadd.s32 s0, s16;
	[dreg:$0x10] =	wrdreg s26  }
0x13: {  	s15 =	sadd.s32 s2, s11;
	s16 =	sadd.s32 s12, s5;
	[dreg:$0x13] =	wrdreg s31  }
0x14: {  	s22 =	sadd.s32 s12, s13;
	s11 =	sadd.s32 s2, s8;
	[dreg:$0x8] =	wrdreg s4  }
0x15: {  	s8 =	sadd.s32 s0, s8;
	s18 =	sadd.s32 $0x480, s6;
	[dreg:$0x9] =	wrdreg s15  }
0x16: {  	s4 =	sadd.s32 $0x4000, s10;
	s10 =	sadd.s32 s10, s12;
	[dreg:$0x15] =	wrdreg s11  }
0x17: {  	s16 =	sshrl.u32 s16, $0x3;
	[dreg:$0x16] =	wrdreg s8;
	s11 =	simm.s32 $0x180  }
0x18: {  	s8 =	simm.s32 $0x7;
	s19 =	sadd.s32 s12, s4;
	s10 =	sshrl.u32 s10, $0x3  }
0x19: {  	s21 =	sadd.s32 s9, s16;
	s12 =	sadd.s32 s12, s14;
	s15 =	sshrl.u32 s19, $0x3  }
0x1a: {  	s10 =	sadd.s32 s9, s10;
	[dreg:$0xc] =	wrdreg s21;
	s12 =	sshrl.u32 s12, $0x3  }
0x1b: {  	s21 =	sadd.s32 $0x400, s6;
	[dreg:$0xa] =	wrdreg s10;
	s20 =	sadd.s32 s9, s15  }
0x1c: {  	s10 =	sshrl.u32 s22, $0x3;
	s15 =	sadd.s32 $0x500, s6;
	s6 =	sadd.s32 $0x380, s6  }
0x1d: {  	s23 =	sshrl.u32 s21, $0x3;
	[dreg:$0xb] =	wrdreg s20;
	s10 =	sadd.s32 s9, s10  }
0x1e: {  	s21 =	simm.s32 $0x180;
	s9 =	sadd.s32 s9, s12;
	[dreg:$0xd] =	wrdreg s10  }
0x1f: {  	s12 =	sadd.s32 s2, s7;
	s7 =	sadd.s32 s0, s7;
	[dreg:$0xe] =	wrdreg s9  }
0x20: {  	s16 =	sshrl.u32 s15, $0x3;
	s20 =	sshrl.u32 s18, $0x3;
	[dreg:$0x17] =	wrdreg s12  }
0x21: {  	s6 =	sshrl.u32 s6, $0x3;
	s25 =	sadd.s32 s23, s0;
	[dreg:$0x18] =	wrdreg s7  }
0x22: {  	s15 =	simm.s32 $0x6;
	s9 =	sadd.s32 s0, s24;
	[smem:$0x7FA] =	sst s25  }
0x23: {  	s18 =	simm.s32 $0x4400;
	s19 =	sadd.s32 s16, s0;
	[dreg:$0x11] =	wrdreg s9  }
0x24: {  	s7 =	sadd.s32 s16, s2;
	s22 =	sadd.s32 s20, s0;
	[dreg:$0x1f] =	wrdreg s19  }
0x25: {  	s24 =	smul.u32 $0x50000, s17;
	s16 =	simm.s32 $0x1;
	[smem:$0x7F7] =	sst s7  }
0x26: {  	s17 =	simm.s32 $0x2;
	s9 =	sadd.s32 s0, s30;
	[smem:$0x7F8] =	sst s22  }
0x27: {  	s10 =	simm.s32 $0x300;
	s7 =	sadd.s32 s20, s2;
	[dreg:$0x14] =	wrdreg s9  }
0x28: {  	s0 =	sadd.s32 s6, s0;
	s19 =	simm.s32 $0x5;
	[smem:$0x7F9] =	sst s7  }
0x29: {  	s20 =	simm.s32 $0x380;
	s22 =	simm.s32 $0x3;
	[smem:$0x7FC] =	sst s0  }
0x2a: {  	s7 =	sadd.s32 s23, s2;
	s0 =	rddreg [dreg:$0x2];
	s2 =	sadd.s32 s6, s2  }
0x2b: {  	s26 =	sshrl.u32 s24, $0x2;
	s9 =	simm.s32 $0x80;
	[smem:$0x7FB] =	sst s7  }
0x2c: {  	s6 =	simm.s32 $0x200;
	[smem:$0x7FD] =	sst s2;
	s4 =	sadd.s32 s4, s0  }
0x2d: {  	s29 =	sadd.s32 s5, s0;
	_ =	strace $0x8000004A;
	[dreg:$0x1a] =	wrdreg s4  }
0x2e: {  	s23 =	simm.s32 $0x280;
	s30 =	sadd.s32 s13, s0;
	[dreg:$0x1b] =	wrdreg s29  }
0x2f: {  	s12 =	sadd.s32 s26, s0;
	s31 =	sadd.s32 s14, s0;
	[dreg:$0x1c] =	wrdreg s30  }
0x30: {  	s2 =	simm.s32 $0x100;
	s7 =	simm.s32 $0x280;
	[dreg:$0x1d] =	wrdreg s31  }
0x31: {  	s14 =	simm.s32 $0x400;
	s13 =	simm.s32 $0x0;
	[dreg:$0x1e] =	wrdreg s3  }
0x32: {  	v0 =	vimm.f32 $0.0e+00;
	s3 =	simm.s32 $0x4;
	s4 =	simm.s32 $0x8;
	[dreg:$0x19] =	wrdreg s12  }
.LBB2_1:
0x33: {  	s5 =	rddreg [dreg:$0x4]  }
0x34: {  	[tilespmem:s1], [sflag:$0x1] =	stream.linear.gather [hbm4b:s5+s1], $0x80, $0x38;
	[tilespmem:$0x1C400] =	vst v63  }
0x35: {  	s25 =	rddreg [dreg:$0x12]  }
0x36: {  	[tilespmem:s9], [sflag:$0x1] =	stream.linear.gather [hbm4b:s25+s1], $0x80, $0x38;
	[tilespmem:$0x1C400] =	vst v63  }
0x37: {  	s26 =	rddreg [dreg:$0x5]  }
0x38: {  	[tilespmem:s2], [sflag:$0x2] =	stream.linear.gather [hbm4b:s26+s1], $0x80, $0x38;
	[tilespmem:$0x1C400] =	vst v63  }
0x39: {  	s29 =	rddreg [dreg:$0x6]  }
0x3a: {  	[tilespmem:s11], [sflag:$0x2] =	stream.linear.gather [hbm4b:s29+s1], $0x80, $0x38;
	[tilespmem:$0x1C400] =	vst v63  }
0x3b: {  	s30 =	rddreg [dreg:$0x7]  }
0x3c: {  	[tilespmem:s6], [sflag:$0x3] =	stream.linear.gather [hbm4b:s30+s1], $0x80, $0x38;
	[tilespmem:$0x1C400] =	vst v63  }
0x3d: {  	s31 =	rddreg [dreg:$0x8]  }
0x3e: {  	[tilespmem:s7], [sflag:$0x3] =	stream.linear.gather [hbm4b:s31+s1], $0x80, $0x38;
	[tilespmem:$0x1C400] =	vst v63  }
0x3f: {  	[smem:$0x7F6] =	sst s13;
	s6 =	simm.s32 $0x200;
	s7 =	simm.s32 $0x0  }
.LBB2_2:
0x40: {  	p1 =	sne.s32 s6, $0xFE00;
	[tilespmem:s7+$0x470] =	vst v0  }
0x41: {  	[tilespmem:s7+$0x400] =	vst v0  }
0x42: {  	[tilespmem:s7+$0x410] =	vst v0  }
.Ltmp0:
0x43: {  	[tilespmem:s7+$0x420] =	vst v0;
	(pc) =	sbr.rel @p1 .LBB2_2-.Ltmp0, $4  }
0x44: {  	[tilespmem:s7+$0x430] =	vst v0  }
0x45: {  	[tilespmem:s7+$0x440] =	vst v0  }
0x46: {  	[tilespmem:s7+$0x450] =	vst v0  }
0x47: {  	[tilespmem:s7+$0x460] =	vst v0;
	s7 =	sshra.s32 s6, $0x2;
	s6 =	sadd.s32 $0x200, s6  }
0x48: {  	[tilespmem:s7+$0x470] =	vst v0  }
0x49: {  	[tilespmem:s7+$0x400] =	vst v0  }
0x4a: {  	[tilespmem:s7+$0x410] =	vst v0  }
0x4b: {  	[tilespmem:s7+$0x420] =	vst v0  }
0x4c: {  	[tilespmem:s7+$0x430] =	vst v0  }
0x4d: {  	[tilespmem:s7+$0x440] =	vst v0  }
0x4e: {  	[tilespmem:s7+$0x450] =	vst v0  }
0x4f: {  	[tilespmem:s7+$0x460] =	vst v0  }
0x50: {  	[spmem:s12] =	stream.linear.scatter [tilespmem:s14], [sflag:$0x6], $0x4000, $0x38;
	[tilespmem:$0x1C400] =	vst v63  }
0x51: {  	s5 =	rddreg [dreg:$0x1a]  }
0x52: {  	[spmem:s5] =	stream.linear.scatter [tilespmem:s14], [sflag:$0x6], $0x4000, $0x38;
	[tilespmem:$0x1C400] =	vst v63  }
0x53: {  	s6 =	rddreg [dreg:$0x1b]  }
0x54: {  	[spmem:s6] =	stream.linear.scatter [tilespmem:s14], [sflag:$0x6], $0x4000, $0x38;
	[tilespmem:$0x1C400] =	vst v63  }
0x55: {  	s7 =	rddreg [dreg:$0x1c]  }
0x56: {  	[spmem:s7] =	stream.linear.scatter [tilespmem:s14], [sflag:$0x6], $0x4000, $0x38;
	[tilespmem:$0x1C400] =	vst v63  }
0x57: {  	s12 =	rddreg [dreg:$0x1d]  }
0x58: {  	[spmem:s12] =	stream.linear.scatter [tilespmem:s14], [sflag:$0x6], $0x4000, $0x38;
	[tilespmem:$0x1C400] =	vst v63  }
0x59: {  	_ =	swait.ge [sflag:s15], $0x4000  }
0x5a: {  	[sflag:s15] =	ssyncset.done $0x0  }
0x5b: {  	[sflag:s15] =	ssyncadd.s32 $0xFFFFC000  }
0x5c: {  	_ =	swait.ge [sflag:s15], $0x4000  }
0x5d: {  	[sflag:s15] =	ssyncset.done $0x0  }
0x5e: {  	[sflag:s15] =	ssyncadd.s32 $0xFFFFC000  }
0x5f: {  	_ =	swait.ge [sflag:s15], $0x4000  }
0x60: {  	[sflag:s15] =	ssyncset.done $0x0  }
0x61: {  	[sflag:s15] =	ssyncadd.s32 $0xFFFFC000  }
0x62: {  	_ =	swait.ge [sflag:s15], $0x4000  }
0x63: {  	[sflag:s15] =	ssyncset.done $0x0  }
0x64: {  	[sflag:s15] =	ssyncadd.s32 $0xFFFFC000  }
0x65: {  	_ =	swait.ge [sflag:s15], $0x4000  }
0x66: {  	[sflag:s15] =	ssyncset.done $0x0  }
0x67: {  	[sflag:s15] =	ssyncadd.s32 $0xFFFFC000  }
0x68: {  	[bflag:$0x0] =	sbarrier.arrive $0xFFFF  }
0x69: {  	_ =	swait.ge [sflag:s16], $0x80  }
0x6a: {  	[sflag:s16] =	ssyncset.done $0x0  }
0x6b: {  	[sflag:s16] =	ssyncadd.s32 $0xFFFFFF80  }
0x6c: {  	_ =	swait.ge [sflag:s16], $0x80  }
0x6d: {  	[sflag:s16] =	ssyncset.done $0x0  }
0x6e: {  	s7 =	simm.s32 $0x0;
	[sflag:s16] =	ssyncadd.s32 $0xFFFFFF80  }
0x6f: {  	[tilespmem:s14], [sflag:$0x5] =	stream.indirect.gather [hbm4b:s28+s9], $0x80, s7, s9, $0xb8;
	[tilespmem:$0x1C400] =	vst v63  }
0x70: {  	_ =	swait.ge [sflag:s17], $0x80  }
0x71: {  	[sflag:s17] =	ssyncset.done $0x0  }
0x72: {  	[sflag:s17] =	ssyncadd.s32 $0xFFFFFF80  }
0x73: {  	_ =	swait.ge [sflag:s17], $0x80  }
0x74: {  	[sflag:s17] =	ssyncset.done $0x0  }
0x75: {  	[sflag:s17] =	ssyncadd.s32 $0xFFFFFF80  }
0x76: {  	[tilespmem:s18], [sflag:$0x6] =	stream.indirect.gather [hbm4b:s28+s9], $0x80, s2, s9, $0xb8;
	[tilespmem:$0x1C400] =	vst v63  }
0x77: {  	_ =	swait.ge [sflag:s19], $0x4000  }
0x78: {  	[sflag:s19] =	ssyncset.done $0x0  }
0x79: {  	[sflag:s19] =	ssyncadd.s32 $0xFFFFC000  }
0x7a: {  	[spmem:s0] =	stream.indirect.scatter.add.f32 [tilespmem:s14], [sflag:$0x7], $0x80, s9, s9, $0xb8;
	[tilespmem:$0x1C400] =	vst v63  }
0x7b: {  	s13 =	rddreg [dreg:$0x9]  }
0x7c: {  	[tilespmem:s10], [sflag:$0x4] =	stream.linear.gather [hbm4b:s13+s7], $0x80, $0x38;
	[tilespmem:$0x1C400] =	vst v63  }
0x7d: {  	s24 =	rddreg [dreg:$0xf]  }
0x7e: {  	[tilespmem:s20], [sflag:$0x4] =	stream.linear.gather [hbm4b:s24+s7], $0x80, $0x38;
	[tilespmem:$0x1C400] =	vst v63  }
0x7f: {  	_ =	swait.ge [sflag:s22], $0x80  }
0x80: {  	[sflag:s22] =	ssyncset.done $0x0  }
0x81: {  	[sflag:s22] =	ssyncadd.s32 $0xFFFFFF80  }
0x82: {  	_ =	swait.ge [sflag:s22], $0x80  }
0x83: {  	[sflag:s22] =	ssyncset.done $0x0  }
0x84: {  	[sflag:s22] =	ssyncadd.s32 $0xFFFFFF80  }
0x85: {  	_ =	swait.ge [sflag:s8], $0x4000  }
0x86: {  	[sflag:s8] =	ssyncset.done $0x0  }
0x87: {  	s6 =	simm.s32 $0x200;
	[sflag:s8] =	ssyncadd.s32 $0xFFFFC000  }
0x88: {  	[tilespmem:s14], [sflag:$0x5] =	stream.indirect.gather [hbm4b:s28+s9], $0x80, s6, s9, $0xb8;
	[tilespmem:$0x1C400] =	vst v63  }
0x89: {  	_ =	swait.ge [sflag:s15], $0x4000  }
0x8a: {  	[sflag:s15] =	ssyncset.done $0x0  }
0x8b: {  	[sflag:s15] =	ssyncadd.s32 $0xFFFFC000  }
0x8c: {  	[spmem:s0] =	stream.indirect.scatter.add.f32 [tilespmem:s18], [sflag:$0x8], $0x80, s11, s9, $0xb8;
	[tilespmem:$0x1C400] =	vst v63  }
0x8d: {  	s25 =	rddreg [dreg:$0x10]  }
0x8e: {  	[tilespmem:s7], [sflag:$0x1] =	stream.linear.gather [hbm4b:s25+s7], $0x80, $0x38;
	[tilespmem:$0x1C400] =	vst v63  }
0x8f: {  	s26 =	rddreg [dreg:$0x11]  }
0x90: {  	[tilespmem:s9], [sflag:$0x1] =	stream.linear.gather [hbm4b:s26+s7], $0x80, $0x38;
	[tilespmem:$0x1C400] =	vst v63  }
0x91: {  	_ =	swait.ge [sflag:s3], $0x80  }
0x92: {  	[sflag:s3] =	ssyncset.done $0x0  }
0x93: {  	[sflag:s3] =	ssyncadd.s32 $0xFFFFFF80  }
0x94: {  	_ =	swait.ge [sflag:s3], $0x80  }
0x95: {  	[sflag:s3] =	ssyncset.done $0x0  }
0x96: {  	[sflag:s3] =	ssyncadd.s32 $0xFFFFFF80  }
0x97: {  	_ =	swait.ge [sflag:s4], $0x4000  }
0x98: {  	[sflag:s4] =	ssyncset.done $0x0  }
0x99: {  	[sflag:s4] =	ssyncadd.s32 $0xFFFFC000  }
0x9a: {  	[tilespmem:s18], [sflag:$0x6] =	stream.indirect.gather [hbm4b:s28+s9], $0x80, s10, s9, $0xb8;
	[tilespmem:$0x1C400] =	vst v63  }
0x9b: {  	_ =	swait.ge [sflag:s19], $0x4000  }
0x9c: {  	[sflag:s19] =	ssyncset.done $0x0  }
0x9d: {  	s12 =	simm.s32 $0x280;
	[sflag:s19] =	ssyncadd.s32 $0xFFFFC000  }
0x9e: {  	[spmem:s0] =	stream.indirect.scatter.add.f32 [tilespmem:s14], [sflag:$0x7], $0x80, s12, s9, $0xb8;
	[tilespmem:$0x1C400] =	vst v63  }
0x9f: {  	s13 =	rddreg [dreg:$0x13]  }
0xa0: {  	[tilespmem:s2], [sflag:$0x2] =	stream.linear.gather [hbm4b:s13+s7], $0x80, $0x38;
	[tilespmem:$0x1C400] =	vst v63  }
0xa1: {  	s24 =	rddreg [dreg:$0x14]  }
0xa2: {  	[tilespmem:s11], [sflag:$0x2] =	stream.linear.gather [hbm4b:s24+s7], $0x80, $0x38;
	[tilespmem:$0x1C400] =	vst v63  }
0xa3: {  	_ =	swait.ge [sflag:s16], $0x80  }
0xa4: {  	[sflag:s16] =	ssyncset.done $0x0  }
0xa5: {  	[sflag:s16] =	ssyncadd.s32 $0xFFFFFF80  }
0xa6: {  	_ =	swait.ge [sflag:s16], $0x80  }
0xa7: {  	[sflag:s16] =	ssyncset.done $0x0  }
0xa8: {  	[sflag:s16] =	ssyncadd.s32 $0xFFFFFF80  }
0xa9: {  	_ =	swait.ge [sflag:s8], $0x4000  }
0xaa: {  	[sflag:s8] =	ssyncset.done $0x0  }
0xab: {  	[sflag:s8] =	ssyncadd.s32 $0xFFFFC000  }
0xac: {  	[tilespmem:s14], [sflag:$0x5] =	stream.indirect.gather [hbm4b:s28+s9], $0x80, s7, s9, $0xb8;
	[tilespmem:$0x1C400] =	vst v63  }
0xad: {  	_ =	swait.ge [sflag:s15], $0x4000  }
0xae: {  	s25 =	rddreg [dreg:$0x15]  }
0xaf: {  	s26 =	rddreg [dreg:$0x16]  }
0xb0: {  	s24 =	rddreg [dreg:$0x1f]  }
0xb1: {  	s30 =	sld [smem:$0x7F9]  }
0xb2: {  	s31 =	sld [smem:$0x7FA]  }
0xb3: {  	[sflag:s15] =	ssyncset.done $0x0;
	s29 =	sld [smem:$0x7FB]  }
0xb4: {  	s2 =	sld [smem:$0x7FC];
	[sflag:s15] =	ssyncadd.s32 $0xFFFFC000  }
0xb5: {  	[spmem:s0] =	stream.indirect.scatter.add.f32 [tilespmem:s18], [sflag:$0x8], $0x80, s20, s9, $0xb8;
	[tilespmem:$0x1C400] =	vst v63  }
0xb6: {  	s10 =	sld [smem:$0x7FD]  }
0xb7: {  	[tilespmem:s6], [sflag:$0x3] =	stream.linear.gather [hbm4b:s25+s7], $0x80, $0x38;
	[tilespmem:$0x1C400] =	vst v63  }
0xb8: {  	s13 =	simm.s32 $0x380;
	s25 =	sld [smem:$0x7F7]  }
0xb9: {  	[tilespmem:s12], [sflag:$0x3] =	stream.linear.gather [hbm4b:s26+s7], $0x80, $0x38;
	[tilespmem:$0x1C400] =	vst v63  }
0xba: {  	s11 =	simm.s32 $0x300;
	s20 =	simm.s32 $0x100;
	s26 =	sld [smem:$0x7F8]  }
.LBB2_4:
0xbb: {  	_ =	swait.ge [sflag:s17], $0x80  }
0xbc: {  	[sflag:s17] =	ssyncset.done $0x0  }
0xbd: {  	[sflag:s17] =	ssyncadd.s32 $0xFFFFFF80  }
0xbe: {  	_ =	swait.ge [sflag:s17], $0x80  }
0xbf: {  	[sflag:s17] =	ssyncset.done $0x0  }
0xc0: {  	[sflag:s17] =	ssyncadd.s32 $0xFFFFFF80  }
0xc1: {  	_ =	swait.ge [sflag:s4], $0x4000  }
0xc2: {  	[sflag:s4] =	ssyncset.done $0x0  }
0xc3: {  	[sflag:s4] =	ssyncadd.s32 $0xFFFFC000  }
0xc4: {  	[tilespmem:s18], [sflag:$0x6] =	stream.indirect.gather [hbm4b:s28+s9], $0x80, s20, s9, $0xb8;
	[tilespmem:$0x1C400] =	vst v63  }
0xc5: {  	_ =	swait.ge [sflag:s19], $0x4000  }
0xc6: {  	[sflag:s19] =	ssyncset.done $0x0  }
0xc7: {  	[sflag:s19] =	ssyncadd.s32 $0xFFFFC000  }
0xc8: {  	[spmem:s0] =	stream.indirect.scatter.add.f32 [tilespmem:s14], [sflag:$0x7], $0x80, s9, s9, $0xb8;
	[tilespmem:$0x1C400] =	vst v63  }
0xc9: {  	s6 =	sadd.s32 s7, s10  }
0xca: {  	[tilespmem:s11], [sflag:$0x4] =	stream.linear.gather [hbm4b:s6+s1], $0x80, $0x38;
	[tilespmem:$0x1C400] =	vst v63  }
0xcb: {  	s12 =	sadd.s32 s7, s2  }
0xcc: {  	[tilespmem:s13], [sflag:$0x4] =	stream.linear.gather [hbm4b:s12+s1], $0x80, $0x38;
	[tilespmem:$0x1C400] =	vst v63  }
0xcd: {  	_ =	swait.ge [sflag:s22], $0x80  }
0xce: {  	[sflag:s22] =	ssyncset.done $0x0  }
0xcf: {  	[sflag:s22] =	ssyncadd.s32 $0xFFFFFF80  }
0xd0: {  	_ =	swait.ge [sflag:s22], $0x80  }
0xd1: {  	[sflag:s22] =	ssyncset.done $0x0  }
0xd2: {  	[sflag:s22] =	ssyncadd.s32 $0xFFFFFF80  }
0xd3: {  	_ =	swait.ge [sflag:s8], $0x4000  }
0xd4: {  	[sflag:s8] =	ssyncset.done $0x0  }
0xd5: {  	s5 =	simm.s32 $0x200;
	[sflag:s8] =	ssyncadd.s32 $0xFFFFC000  }
0xd6: {  	[tilespmem:s14], [sflag:$0x5] =	stream.indirect.gather [hbm4b:s28+s9], $0x80, s5, s9, $0xb8;
	[tilespmem:$0x1C400] =	vst v63  }
0xd7: {  	_ =	swait.ge [sflag:s15], $0x4000  }
0xd8: {  	[sflag:s15] =	ssyncset.done $0x0  }
0xd9: {  	[sflag:s15] =	ssyncadd.s32 $0xFFFFC000  }
0xda: {  	[spmem:s0] =	stream.indirect.scatter.add.f32 [tilespmem:s18], [sflag:$0x8], $0x80, s21, s9, $0xb8;
	[tilespmem:$0x1C400] =	vst v63  }
0xdb: {  	s5 =	sadd.s32 s7, s29  }
0xdc: {  	[tilespmem:s1], [sflag:$0x1] =	stream.linear.gather [hbm4b:s5+s1], $0x80, $0x38;
	[tilespmem:$0x1C400] =	vst v63  }
0xdd: {  	s12 =	sadd.s32 s7, s31  }
0xde: {  	[tilespmem:s9], [sflag:$0x1] =	stream.linear.gather [hbm4b:s12+s1], $0x80, $0x38;
	[tilespmem:$0x1C400] =	vst v63  }
0xdf: {  	_ =	swait.ge [sflag:s3], $0x80  }
0xe0: {  	[sflag:s3] =	ssyncset.done $0x0  }
0xe1: {  	[sflag:s3] =	ssyncadd.s32 $0xFFFFFF80  }
0xe2: {  	_ =	swait.ge [sflag:s3], $0x80  }
0xe3: {  	[sflag:s3] =	ssyncset.done $0x0  }
0xe4: {  	[sflag:s3] =	ssyncadd.s32 $0xFFFFFF80  }
0xe5: {  	_ =	swait.ge [sflag:s4], $0x4000  }
0xe6: {  	[sflag:s4] =	ssyncset.done $0x0  }
0xe7: {  	[sflag:s4] =	ssyncadd.s32 $0xFFFFC000  }
0xe8: {  	[tilespmem:s18], [sflag:$0x6] =	stream.indirect.gather [hbm4b:s28+s9], $0x80, s11, s9, $0xb8;
	[tilespmem:$0x1C400] =	vst v63  }
0xe9: {  	_ =	swait.ge [sflag:s19], $0x4000  }
0xea: {  	[sflag:s19] =	ssyncset.done $0x0  }
0xeb: {  	[sflag:s19] =	ssyncadd.s32 $0xFFFFC000  }
0xec: {  	[spmem:s0] =	stream.indirect.scatter.add.f32 [tilespmem:s14], [sflag:$0x7], $0x80, s23, s9, $0xb8;
	[tilespmem:$0x1C400] =	vst v63  }
0xed: {  	s5 =	sadd.s32 s7, s30  }
0xee: {  	[tilespmem:s20], [sflag:$0x2] =	stream.linear.gather [hbm4b:s5+s1], $0x80, $0x38;
	[tilespmem:$0x1C400] =	vst v63  }
0xef: {  	s12 =	sadd.s32 s7, s26  }
0xf0: {  	[tilespmem:s21], [sflag:$0x2] =	stream.linear.gather [hbm4b:s12+s1], $0x80, $0x38;
	[tilespmem:$0x1C400] =	vst v63  }
0xf1: {  	_ =	swait.ge [sflag:s16], $0x80  }
0xf2: {  	[sflag:s16] =	ssyncset.done $0x0  }
0xf3: {  	[sflag:s16] =	ssyncadd.s32 $0xFFFFFF80  }
0xf4: {  	_ =	swait.ge [sflag:s16], $0x80  }
0xf5: {  	[sflag:s16] =	ssyncset.done $0x0  }
0xf6: {  	[sflag:s16] =	ssyncadd.s32 $0xFFFFFF80  }
0xf7: {  	_ =	swait.ge [sflag:s8], $0x4000  }
0xf8: {  	[sflag:s8] =	ssyncset.done $0x0  }
0xf9: {  	[sflag:s8] =	ssyncadd.s32 $0xFFFFC000  }
0xfa: {  	[tilespmem:s14], [sflag:$0x5] =	stream.indirect.gather [hbm4b:s28+s9], $0x80, s1, s9, $0xb8;
	[tilespmem:$0x1C400] =	vst v63  }
0xfb: {  	_ =	swait.ge [sflag:s15], $0x4000  }
0xfc: {  	[sflag:s15] =	ssyncset.done $0x0  }
0xfd: {  	p1 =	seq.s32 s7, $0x440;
	[sflag:s15] =	ssyncadd.s32 $0xFFFFC000  }
0xfe: {  	[spmem:s0] =	stream.indirect.scatter.add.f32 [tilespmem:s18], [sflag:$0x8], $0x80, s13, s9, $0xb8;
	[tilespmem:$0x1C400] =	vst v63  }
0xff: {  	s6 =	sadd.s32 @!p1 s7, s25;
	s5 =	simm.s32 @!p1 $0x0;
	s12 =	simm.s32 @!p1 $0x200  }
0x100: {  	[tilespmem:s12], [sflag:$0x3] =	stream.linear.gather @!p1 [hbm4b:s6+s5], $0x80, $0x38;
	[tilespmem:$0x1C400] =	vst v63  }
0x101: {  	s6 =	sadd.s32 @!p1 s7, s24;
	s7 =	sadd.s32 @!p1 $0x40, s7  }
0x102: {  	s12 =	simm.s32 @!p1 $0x280;
	p2 =	sne.s32 @!p1 s7, $0x480  }
0x103: {  	[tilespmem:s12], [sflag:$0x3] =	stream.linear.gather @!p1 [hbm4b:s6+s5], $0x80, $0x38;
	[tilespmem:$0x1C400] =	vst v63  }
0x104: {  	p1 =	por p1, !p2  }
.Ltmp1:
0x105: {  	_ = 	snop;
	(pc) =	sbr.rel @!p1 .LBB2_4-.Ltmp1, $1  }
0x106: {  	_ =	sdelay $0x3  }
0x107: {  	_ =	swait.ge [sflag:s17], $0x80  }
0x108: {  	[sflag:s17] =	ssyncset.done $0x0  }
0x109: {  	[sflag:s17] =	ssyncadd.s32 $0xFFFFFF80  }
0x10a: {  	_ =	swait.ge [sflag:s17], $0x80  }
0x10b: {  	[sflag:s17] =	ssyncset.done $0x0  }
0x10c: {  	[sflag:s17] =	ssyncadd.s32 $0xFFFFFF80  }
0x10d: {  	_ =	swait.ge [sflag:s4], $0x4000  }
0x10e: {  	[sflag:s4] =	ssyncset.done $0x0  }
0x10f: {  	[sflag:s4] =	ssyncadd.s32 $0xFFFFC000  }
0x110: {  	[tilespmem:s18], [sflag:$0x6] =	stream.indirect.gather [hbm4b:s28+s9], $0x80, s20, s9, $0xb8;
	[tilespmem:$0x1C400] =	vst v63  }
0x111: {  	_ =	swait.ge [sflag:s19], $0x4000  }
0x112: {  	[sflag:s19] =	ssyncset.done $0x0  }
0x113: {  	[sflag:s19] =	ssyncadd.s32 $0xFFFFC000  }
0x114: {  	[spmem:s0] =	stream.indirect.scatter.add.f32 [tilespmem:s14], [sflag:$0x7], $0x80, s9, s9, $0xb8;
	[tilespmem:$0x1C400] =	vst v63  }
0x115: {  	_ =	swait.ge [sflag:s15], $0x4000  }
0x116: {  	[sflag:s15] =	ssyncset.done $0x0  }
0x117: {  	[sflag:s15] =	ssyncadd.s32 $0xFFFFC000  }
0x118: {  	[spmem:s0] =	stream.indirect.scatter.add.f32 [tilespmem:s18], [sflag:$0x8], $0x80, s21, s9, $0xb8;
	[tilespmem:$0x1C400] =	vst v63  }
0x119: {  	_ =	swait.ge [sflag:s8], $0x4000  }
0x11a: {  	[sflag:s8] =	ssyncset.done $0x0  }
0x11b: {  	[sflag:s8] =	ssyncadd.s32 $0xFFFFC000  }
0x11c: {  	_ =	swait.ge [sflag:s4], $0x4000  }
0x11d: {  	s5 =	simm.s32 @!p0 $0x0;
	[sflag:s4] =	ssyncset.done $0x0  }
0x11e: {  	s6 =	simm.s32 @!p0 $0x200;
	s7 =	rddreg [dreg:$0x17];
	[sflag:s4] =	ssyncadd.s32 $0xFFFFC000  }
0x11f: {  	[tilespmem:s6], [sflag:$0x3] =	stream.linear.gather @!p0 [hbm4b:s7+s5], $0x80, $0x38;
	[tilespmem:$0x1C400] =	vst v63  }
0x120: {  	s12 =	rddreg [dreg:$0x18];
	s7 =	simm.s32 @!p0 $0x280  }
0x121: {  	[tilespmem:s7], [sflag:$0x3] =	stream.linear.gather @!p0 [hbm4b:s12+s5], $0x80, $0x38;
	[tilespmem:$0x1C400] =	vst v63  }
0x122: {  	s5 =	simm.s32 @!p0 $0x3  }
0x123: {  	_ =	swait.ge @!p0 [sflag:s5], $0x80  }
0x124: {  	[sflag:s5] =	ssyncset.done @!p0 $0x0  }
0x125: {  	[sflag:s5] =	ssyncadd.s32 @!p0 $0xFFFFFF80  }
0x126: {  	_ =	swait.ge @!p0 [sflag:s5], $0x80  }
0x127: {  	[sflag:s5] =	ssyncset.done @!p0 $0x0  }
0x128: {  	s12 =	simm.s32 @!p0 $0x400;
	[sflag:s5] =	ssyncadd.s32 @!p0 $0xFFFFFF80;
	s5 =	simm.s32 @!p0 $0x80  }
0x129: {  	[tilespmem:s12], [sflag:$0x5] =	stream.indirect.gather @!p0 [hbm4b:s28+s5], $0x80, s6, s5, $0xb8;
	[tilespmem:$0x1C400] =	vst v63  }
0x12a: {  	s6 =	simm.s32 @!p0 $0x5  }
0x12b: {  	_ =	swait.ge @!p0 [sflag:s6], $0x4000  }
0x12c: {  	[sflag:s6] =	ssyncset.done @!p0 $0x0  }
0x12d: {  	[sflag:s6] =	ssyncadd.s32 @!p0 $0xFFFFC000  }
0x12e: {  	[spmem:s0] =	stream.indirect.scatter.add.f32 @!p0 [tilespmem:s12], [sflag:$0x9], $0x80, s7, s5, $0xb8;
	[tilespmem:$0x1C400] =	vst v63  }
0x12f: {  	s5 =	simm.s32 @!p0 $0x9  }
0x130: {  	_ =	swait.ge @!p0 [sflag:s5], $0x4000  }
0x131: {  	[sflag:s5] =	ssyncset.done @!p0 $0x0  }
0x132: {  	[sflag:s5] =	ssyncadd.s32 @!p0 $0xFFFFC000  }
0x133: {  	s6 =	stileid.u32;
	[bflag:$0x0] =	sbarrier.arrive $0xFFFF  }
0x134: {  	s2 =	simm.s32 $0x9;
	s5 =	sshll.u32 s6, $0x6;
	s12 =	rddreg [dreg:$0x19]  }
0x135: {  	s5 =	sor.u32 $0x1C09, s5;
	s10 =	rddreg [dreg:$0xa];
	s7 =	sshrl.u32 s12, $0x3  }
0x136: {  	[hbm:s10], [sflag:s5] =	dma.local [spmem:s7], $0x800  }
0x137: {  	_ =	swait.ge [sflag:s2], $0x800  }
0x138: {  	[sflag:s2] =	ssyncset.done $0x0;
	s11 =	rddreg [dreg:$0x1a]  }
0x139: {  	s13 =	rddreg [dreg:$0xb];
	[sflag:s2] =	ssyncadd.s32 $0xFFFFF800;
	s6 =	sshrl.u32 s11, $0x3  }
0x13a: {  	[hbm:s13], [sflag:s5] =	dma.local [spmem:s6], $0x800  }
0x13b: {  	_ =	swait.ge [sflag:s2], $0x800  }
0x13c: {  	[sflag:s2] =	ssyncset.done $0x0;
	s20 =	rddreg [dreg:$0x1b]  }
0x13d: {  	s24 =	rddreg [dreg:$0xc];
	[sflag:s2] =	ssyncadd.s32 $0xFFFFF800;
	s6 =	sshrl.u32 s20, $0x3  }
0x13e: {  	[hbm:s24], [sflag:s5] =	dma.local [spmem:s6], $0x800  }
0x13f: {  	_ =	swait.ge [sflag:s2], $0x800  }
0x140: {  	[sflag:s2] =	ssyncset.done $0x0;
	s25 =	rddreg [dreg:$0x1c]  }
0x141: {  	s26 =	rddreg [dreg:$0xd];
	[sflag:s2] =	ssyncadd.s32 $0xFFFFF800;
	s6 =	sshrl.u32 s25, $0x3  }
0x142: {  	[hbm:s26], [sflag:s5] =	dma.local [spmem:s6], $0x800  }
0x143: {  	_ =	swait.ge [sflag:s2], $0x800  }
0x144: {  	[sflag:s2] =	ssyncset.done $0x0;
	s29 =	rddreg [dreg:$0x1d]  }
0x145: {  	s30 =	rddreg [dreg:$0xe];
	[sflag:s2] =	ssyncadd.s32 $0xFFFFF800;
	s6 =	sshrl.u32 s29, $0x3  }
0x146: {  	[hbm:s30], [sflag:s5] =	dma.local [spmem:s6], $0x800  }
0x147: {  	_ =	swait.ge [sflag:s2], $0x800  }
0x148: {  	s13 =	sld [smem:$0x7F6];
	_ =	sdelay $0x2  }
0x149: {  	s31 =	rddreg [dreg:$0x1e];
	s13 =	sadd.s32 $0x1, s13  }
0x14a: {  	p1 =	sne.s32 s13, s31  }
.Ltmp2:
0x14b: {  	_ = 	snop;
	(pc) =	sbr.rel @p1 .LBB2_1-.Ltmp2, $4  }
0x14c: {  	_ = 	snop  }
0x14d: {  	s7 =	simm.s32 $0x280;
	s10 =	simm.s32 $0x300  }
0x14e: {  	s11 =	simm.s32 $0x180;
	s20 =	simm.s32 $0x380;
	[sflag:s2] =	ssyncset.done $0x0  }
0x14f: {  	s6 =	simm.s32 $0x200;
	[sflag:s2] =	ssyncadd.s32 $0xFFFFF800;
	s2 =	simm.s32 $0x100  }
0x150: {  	_ =	sfence.sel $0x180000  }
0x151: {  	[bflag:$0x0] =	sbarrier.arrive $0xFFFF  }
0x152: {  	_ =	strace $0x9000004A  }
0x153: {  	s0 =	stileid.u32;
	[bflag:$0x2] =	sbarrier.arrive $0xFFFF  }
0x154: {  	p0 =	sne.s32 s0, $0x0;
	s0 =	rddreg [dreg:$0x3]  }
0x155: {  	s0 =	sadd.s32 @!p0 $0x100000, s0  }
0x156: {  	[sflag:s0] =	ssyncadd.tile.s32 @!p0 $0x1;
	_ =	shalt  }
.Lfunc_end2:
_tile_overlayer_lowered:
.L_overlay_start_2:
0x157: {  	(tag) =	ssettag $0x2  }
0x158: {  	s0 =	rddreg [dreg:$0x0];
	s2 =	stileid.u32  }
0x159: {  	s1 =	rddreg [dreg:$0x1];
	p0 =	sne.s32 s2, $0x0  }
0x15a: {  	s3 =	rddreg [dreg:$0x2];
	[bflag:$0x3] =	sbarrier.arrive $0xFFFF;
	s2 =	simm.s32 @!p0 $0x1C09  }
0x15b: {  	[timem:s3], [sflag:s2] =	dma.local @!p0 [hbm:s0], s1  }
0x15c: {  	s0 =	simm.s32 @!p0 $0x9  }
0x15d: {  	_ =	swait.ge @!p0 [sflag:s0], s1  }
0x15e: {  	s1 =	ssub.s32 @!p0 $0x0, s1;
	[sflag:s0] =	ssyncset.done @!p0 $0x0  }
0x15f: {  	[sflag:s0] =	ssyncadd.s32 @!p0 s1  }
0x160: {  	[bflag:$0x3] =	sbarrier.arrive $0xFFFF  }
0x161: {  	_ =	shalt  }

// kernel: kernel.14.cloned.1.call-start
scs
__scs_entry_jumppad:
0x0: {  	(pc) =	sbr.rel $0x88, $3  }
0x1: {  	(tag) =	ssettag $0x0;
	lr =	simm.s32 $0x1  }
0x2: {  	[smem:$0x3F9B] =	sst lr;
	_ =	strace $0xD0000000  }
0x3: {  	_ = 	snop  }
0x4: {  	_ = 	snop  }
0x5: {  	_ = 	snop  }
0x6: {  	_ = 	snop  }
0x7: {  	_ = 	snop  }
__scs_overlays_trampoline_lowered:
0x8: {  	[smem:$0x3FAA] =	sst s0  }
0x9: {  	[smem:$0x3FAB] =	sst s1  }
0xa: {  	[smem:$0x3FAC] =	sst s2  }
0xb: {  	[smem:$0x3FAD] =	sst s3  }
0xc: {  	[smem:$0x3FAE] =	sst s4  }
0xd: {  	[smem:$0x3FAF] =	sst s5  }
0xe: {  	[smem:$0x3FB0] =	sst s6  }
0xf: {  	[smem:$0x3FB1] =	sst s7  }
0x10: {  	[smem:$0x3FB2] =	sst s8  }
0x11: {  	[smem:$0x3FB3] =	sst s9;
	s0 =	simm.s32 @!p0 $0x0  }
0x12: {  	s1 =	sld [smem:$0x3F99];
	s0 =	simm.s32 @p0 $0x1  }
0x13: {  	[smem:$0x3FB4] =	sst s0;
	s0 =	simm.s32 @!p1 $0x0  }
0x14: {  	s2 =	sld [smem:$0x3F98];
	s0 =	simm.s32 @p1 $0x1  }
0x15: {  	[smem:$0x3FB5] =	sst s0;
	s0 =	simm.s32 @!p2 $0x0  }
0x16: {  	s3 =	sld [smem:$0x3FDB];
	s0 =	simm.s32 @p2 $0x1  }
0x17: {  	s4 =	simm.s32 $0x1BF5;
	[smem:$0x3FB7] =	sst s0  }
0x18: {  	s0 =	sld [smem:$0x3F9A];
	_ =	swait.ge [sflag:s4], $0x0  }
0x19: {  	s7 =	sld [smem:$0x3F9B]  }
0x1a: {  	s8 =	sadd.s32 $0xFFFFE003, lr  }
0x1b: {  	s9 =	sadd.s32 $0xFFFFFEF7, lr;
	s5 =	simm.s32 $0xFFFFFFFF;
	p2 =	slt.u32 s8, $0xFFFFF086  }
0x1c: {  	p1 =	slt.u32 s9, $0xF7A;
	s5 =	simm.s32 @!p2 $0x0  }
0x1d: {  	s5 =	simm.s32 @p1 $0x1;
	p0 =	seq.s32 s7, s2  }
0x1e: {  	s7 =	smul.u32 @!p0 $0xF7A, s2;
	p2 =	seq.s32 @!p0 s5, $0x0  }
0x1f: {  	s9 =	smul.u32 $0xF7A, s1;
	s8 =	simm.s32 @!p0 $0x1BF5;
	p2 =	por !p2, p0  }
0x20: {  	[sflag:s8] =	ssyncset.s32 @!p0 $0xFFFFF086;
	s6 =	sadd.s32 @!p0 s3, s7;
	s7 =	simm.s32 @!p0 $0x108  }
0x21: {  	s3 =	sadd.s32 s3, s9;
	s6 =	sadd.s32 @!p0 $0x88, s6;
	s7 =	simm.s32 @p2 $0x1082  }
0x22: {  	[simem:s7], [sflag:s8] =	dma.local @!p0 [hbm:s6], $0xF7A  }
0x23: {  	s9 =	sor.u32 $0xD0000000, s2;
	s6 =	simm.s32 $0x108;
	_ =	swait.ge @!p0 [sflag:s8], $0x0  }
0x24: {  	s3 =	sadd.s32 $0x88, s3;
	s6 =	simm.s32 @!p1 $0x1082;
	[sflag:s4] =	ssyncset.s32 $0xFFFFF086  }
0x25: {  	[simem:s6], [sflag:s4] =	dma.local [hbm:s3], $0xF7A  }
0x26: {  	[smem:$0x3F9B] =	sst s1;
	(tag) =	ssettag s2;
	_ =	strace s9  }
0x27: {  	s1 =	sld [smem:$0x3FAB]  }
0x28: {  	s2 =	sld [smem:$0x3FAC]  }
0x29: {  	s4 =	sld [smem:$0x3FAE]  }
0x2a: {  	p0 =	seq.s32 s5, $0x0;
	s5 =	sld [smem:$0x3FAF]  }
0x2b: {  	s6 =	sld [smem:$0x3FB0]  }
0x2c: {  	s7 =	sld [smem:$0x3FB1]  }
0x2d: {  	s3 =	simm.s32 $0x108;
	s8 =	sld [smem:$0x3FB2]  }
0x2e: {  	s3 =	simm.s32 @!p0 $0x1082;
	s9 =	sld [smem:$0x3FB3]  }
0x2f: {  	lr =	sadd.s32 s0, s3;
	s0 =	sld [smem:$0x3FAA]  }
0x30: {  	s3 =	sld [smem:$0x3FAD]  }
0x31: {  	[smem:$0x3FB6] =	sst s10  }
0x32: {  	s10 =	sld [smem:$0x3FB4];
	_ =	sdelay $0x3  }
0x33: {  	p0 =	seq.s32 s10, $0x1;
	s10 =	sld [smem:$0x3FB6];
	_ =	sdelay $0x3  }
0x34: {  	[smem:$0x3FB6] =	sst s10  }
0x35: {  	s10 =	sld [smem:$0x3FB5];
	_ =	sdelay $0x3  }
0x36: {  	p1 =	seq.s32 s10, $0x1;
	s10 =	sld [smem:$0x3FB6];
	_ =	sdelay $0x3  }
0x37: {  	[smem:$0x3FB6] =	sst s10  }
0x38: {  	s10 =	sld [smem:$0x3FB7]  }
0x39: {  	_ = 	snop;
	(pc) =	sbr.ind lr, $3  }
0x3a: {  	_ = 	snop  }
0x3b: {  	_ = 	snop  }
0x3c: {  	p2 =	seq.s32 s10, $0x1;
	s10 =	sld [smem:$0x3FB6]  }
0x3d: {  	_ =	shalt  }
0x3e: {  	_ =	shalt  }
0x3f: {  	_ =	shalt  }
0x40: {  	_ =	shalt  }
0x41: {  	_ =	shalt  }
0x42: {  	_ =	shalt  }
0x43: {  	_ =	shalt  }
0x44: {  	_ =	shalt  }
0x45: {  	_ =	shalt  }
0x46: {  	_ =	shalt  }
0x47: {  	_ =	shalt  }
0x48: {  	_ =	shalt  }
0x49: {  	_ =	shalt  }
0x4a: {  	_ =	shalt  }
0x4b: {  	_ =	shalt  }
0x4c: {  	_ =	shalt  }
0x4d: {  	_ =	shalt  }
0x4e: {  	_ =	shalt  }
0x4f: {  	_ =	shalt  }
0x50: {  	_ =	shalt  }
0x51: {  	_ =	shalt  }
0x52: {  	_ =	shalt  }
0x53: {  	_ =	shalt  }
0x54: {  	_ =	shalt  }
0x55: {  	_ =	shalt  }
0x56: {  	_ =	shalt  }
0x57: {  	_ =	shalt  }
0x58: {  	_ =	shalt  }
0x59: {  	_ =	shalt  }
0x5a: {  	_ =	shalt  }
0x5b: {  	_ =	shalt  }
0x5c: {  	_ =	shalt  }
0x5d: {  	_ =	shalt  }
0x5e: {  	_ =	shalt  }
0x5f: {  	_ =	shalt  }
0x60: {  	_ =	shalt  }
0x61: {  	_ =	shalt  }
0x62: {  	_ =	shalt  }
0x63: {  	_ =	shalt  }
0x64: {  	_ =	shalt  }
0x65: {  	_ =	shalt  }
0x66: {  	_ =	shalt  }
0x67: {  	_ =	shalt  }
0x68: {  	_ =	shalt  }
0x69: {  	_ =	shalt  }
0x6a: {  	_ =	shalt  }
0x6b: {  	_ =	shalt  }
0x6c: {  	_ =	shalt  }
0x6d: {  	_ =	shalt  }
0x6e: {  	_ =	shalt  }
0x6f: {  	_ =	shalt  }
0x70: {  	_ =	shalt  }
0x71: {  	_ =	shalt  }
0x72: {  	_ =	shalt  }
0x73: {  	_ =	shalt  }
0x74: {  	_ =	shalt  }
0x75: {  	_ =	shalt  }
0x76: {  	_ =	shalt  }
0x77: {  	_ =	shalt  }
0x78: {  	_ =	shalt  }
0x79: {  	_ =	shalt  }
0x7a: {  	_ =	shalt  }
0x7b: {  	_ =	shalt  }
0x7c: {  	_ =	shalt  }
0x7d: {  	_ =	shalt  }
0x7e: {  	_ =	shalt  }
0x7f: {  	_ =	shalt  }
0x80: {  	_ =	shalt  }
0x81: {  	_ =	shalt  }
0x82: {  	_ =	shalt  }
0x83: {  	_ =	shalt  }
0x84: {  	_ =	shalt  }
0x85: {  	_ =	shalt  }
0x86: {  	_ =	shalt  }
0x87: {  	_ =	shalt  }
.Lfunc_end0:
.L_simem_size_0:
called_computation.2_lowered:
.L_overlay_start_0:
0x88: {  	s2 =	sld [smem:$0x3FD9]  }
0x89: {  	s3 =	sld [smem:$0x3FFE];
	_ =	sdelay $0x1  }
0x8a: {  	s1 =	srdreg.scid  }
0x8b: {  	s0 =	sand.u32 $0x1, s1  }
0x8c: {  	s17 =	sshll.u32 s0, $0xA;
	s2 =	sadd.s32 s3, s2  }
0x8d: {  	s2 =	sadd.s32 s2, s17  }
0x8e: {  	[smem:$0x3FC2] =	sst s2  }
0x8f: {  	_ = 	snop  }
0x90: {  	s2 =	sld [smem:$0x3FD0];
	(tm) =	ssettm $0x1  }
0x91: {  	s18 =	sld [smem:$0x3FFB];
	_ =	sdelay $0x3  }
0x92: {  	_ =	strace s18  }
0x93: {  	s3 =	sld [smem:$0x3FFC];
	_ =	sdelay $0x3  }
0x94: {  	_ =	strace s3  }
0x95: {  	s3 =	sld [smem:$0x3FFD];
	_ =	sdelay $0x3  }
0x96: {  	_ =	strace s3  }
0x97: {  	_ =	strace $0x8FFFFFFF  }
0x98: {  	s19 =	sld [smem:$0x3FDB];
	_ =	sdelay $0x1  }
0x99: {  	s4 =	simm.s32 $_scs_section_size  }
0x9a: {  	s5 =	simm.s32 $_size__tile_overlayer_lowered;
	s6 =	simm.s32 $_tile_overlayer_lowered  }
0x9b: {  	s22 =	simm.s32 $0x1BFF;
	s21 =	sshll.u32 s6, $0x1;
	s3 =	sadd.s32 s4, s19  }
0x9c: {  	s7 =	simm.s32 $0x0;
	s20 =	sshll.u32 s5, $0x1;
	s5 =	sadd.s32 s21, s3  }
0x9d: {  	[timem:s7], [sflag:s22] =	dma.local [hbm:s5], s20  }
0x9e: {  	_ =	swait.ge [sflag:s22], s20  }
0x9f: {  	s4 =	ssub.s32 $0x0, s20;
	[sflag:s22] =	ssyncset.done $0x0  }
0xa0: {  	[sflag:s22] =	ssyncadd.s32 s4;
	_ =	sdelay $0x1  }
0xa1: {  	s23 =	simm.s32 $0x1B8B  }
0xa2: {  	_ =	swait.ge [sflag:s23], $0x1  }
0xa3: {  	[sflag:s23] =	ssyncset.done $0x0  }
0xa4: {  	s25 =	simm.s32 $0x1B8E;
	s24 =	sld [smem:$0x3FFE];
	[sflag:s23] =	ssyncadd.s32 $0xFFFFFFFF  }
0xa5: {  	s26 =	simm.s32 $execute0_lowered;
	[smem:$0x3FD2] =	sst s25  }
0xa6: {  	s5 =	sshll.u32 s26, $0x1;
	_ =	strace $0x8000004C;
	[dreg:$0x1] =	wrdreg $0xFFFFFFFF  }
0xa7: {  	s28 =	simm.s32 $_size_execute0_lowered;
	s3 =	sadd.s32 s3, s5;
	[dreg:$0x0] =	wrdreg $0x0  }
0xa8: {  	s5 =	sshll.u32 s28, $0x1;
	[dreg:$0x2] =	wrdreg s3  }
0xa9: {  	[dreg:$0x3] =	wrdreg s5  }
0xaa: {  	[dreg:$0x4] =	wrdreg $0xC0  }
0xab: {  	_ =	task [dreg:s7], $0x5FFFF  }
0xac: {  	[dreg:$0x1] =	wrdreg $0xFFFFFFFF  }
0xad: {  	[dreg:$0x0] =	wrdreg $0x60  }
0xae: {  	[dreg:$0x2] =	wrdreg s2  }
0xaf: {  	[dreg:$0x3] =	wrdreg s24  }
0xb0: {  	[dreg:$0x4] =	wrdreg $0x84000  }
0xb1: {  	[dreg:$0x5] =	wrdreg $0x9  }
0xb2: {  	_ =	task.clear_ibuf [dreg:s7], $0x6FFFF;
	_ =	strace $0x9000004C  }
0xb3: {  	s29 =	simm.s32 $0x9;
	_ =	strace $0x8000004E  }
0xb4: {  	_ =	swait.ge [sflag:s29], $0x1  }
0xb5: {  	[sflag:s29] =	ssyncadd.s32 $0xFFFFFFFF  }
0xb6: {  	_ =	strace $0x9000004E  }
0xb7: {  	_ =	sfence  }
0xb8: {  	s30 =	sld [smem:$0x0];
	_ =	sdelay $0x2  }
0xb9: {  	s31 =	sshll.u32 s1, $0xD;
	s1 =	sshrl.u32 s1, $0x2  }
0xba: {  	s3 =	sand.u32 $0x4000, s31;
	s1 =	sadd.s32 s1, s30  }
0xbb: {  	s0 =	sor.u32 s3, s0;
	s1 =	sshll.u32 s1, $0x11  }
0xbc: {  	s0 =	sor.u32 s1, s0  }
0xbd: {  	s0 =	sadd.s32 $0x8F2B, s0  }
0xbe: {  	[sflag:s0] =	ssyncadd.remote.s32 $0x1  }
0xbf: {  	_ =	sfence.sel $0xFFFF  }
0xc0: {  	[dreg:$0x0] =	wrdreg $0xFFFFFFFF;
	(pc) =	sbr.abs _section_cstart, $3  }
0xc1: {  	[dreg:$0x1] =	wrdreg $0xFFFFFFFF  }
0xc2: {  	_ =	task.clear_ibuf [dreg:s7], $0x2FFFF;
	_ =	strace $0x9FFFFFFF  }
0xc3: {  	(tm) =	ssettm $0x7FFFFFFF  }
tec
execute0_lowered:
.L_overlay_start_1:
0x0: {  	(tag) =	ssettag $0x1  }
0x1: {  	s0 =	srdreg.scid  }
0x2: {  	s17 =	stileid.u32;
	s3 =	rddreg [dreg:$0x1]  }
0x3: {  	s1 =	simm.s32 $0x0;
	s28 =	rddreg [dreg:$0x0];
	s6 =	sand.u32 $0x1, s0  }
0x4: {  	s30 =	sshll.u32 s17, $0x1;
	[smem:$0x7FF] =	sst s1;
	s10 =	smul.u32 $0x14000, s17  }
0x5: {  	s2 =	sadd.s32 $0x2C00, s3;
	s0 =	sadd.s32 $0xCA00, s3;
	s23 =	smul.u32 $0x4E00, s17  }
0x6: {  	s9 =	sadd.s32 $0x66800, s3;
	p0 =	sgt.u32 s17, $0x1;
	s12 =	smul.u32 $0x140000, s6  }
0x7: {  	s7 =	sor.u32 s6, s30;
	s4 =	ssub.s32 $0x2, s6;
	s6 =	smul.u32 $0x2700, s6  }
0x8: {  	s5 =	smul.u32 $0x2700, s7;
	s8 =	sshrl.u32 s4, $0x1;
	s7 =	sshll.u32 s7, $0x4  }
0x9: {  	s3 =	ssub.s32 s4, s8;
	s6 =	sadd.s32 s6, s23;
	s7 =	sor.u32 $0x9C00, s7  }
0xa: {  	s31 =	sshrl.u32 s5, $0x3;
	s5 =	sadd.s32 $0x8000, s10;
	s3 =	smax.u32 s3, $0x1  }
0xb: {  	s13 =	sadd.s32 s2, s31;
	s14 =	sor.u32 $0x10, s31;
	s16 =	sadd.s32 $0x20, s31  }
0xc: {  	s11 =	sadd.s32 $0x30, s31;
	s29 =	sadd.s32 s0, s31;
	[dreg:$0x4] =	wrdreg s13  }
0xd: {  	s24 =	sadd.s32 $0x40, s31;
	s15 =	sadd.s32 s2, s14;
	[dreg:$0x12] =	wrdreg s29  }
0xe: {  	s30 =	sadd.s32 $0x50, s31;
	s4 =	sadd.s32 s0, s14;
	[dreg:$0x5] =	wrdreg s15  }
0xf: {  	s8 =	sadd.s32 $0x60, s31;
	s18 =	sadd.s32 s2, s16;
	[dreg:$0x6] =	wrdreg s4  }
0x10: {  	s13 =	sadd.s32 $0xC000, s10;
	s25 =	sadd.s32 s0, s11;
	[dreg:$0x7] =	wrdreg s18  }
0x11: {  	s14 =	sadd.s32 $0x10000, s10;
	s26 =	sadd.s32 s2, s24;
	[dreg:$0xf] =	wrdreg s25  }
0x12: {  	s31 =	sadd.s32 s2, s30;
	s4 =	sadd.s32 s0, s16;
	[dreg:$0x10] =	wrdreg s26  }
0x13: {  	s15 =	sadd.s32 s2, s11;
	s16 =	sadd.s32 s12, s5;
	[dreg:$0x13] =	wrdreg s31  }
0x14: {  	s22 =	sadd.s32 s12, s13;
	s11 =	sadd.s32 s2, s8;
	[dreg:$0x8] =	wrdreg s4  }
0x15: {  	s8 =	sadd.s32 s0, s8;
	s18 =	sadd.s32 $0x480, s6;
	[dreg:$0x9] =	wrdreg s15  }
0x16: {  	s4 =	sadd.s32 $0x4000, s10;
	s10 =	sadd.s32 s10, s12;
	[dreg:$0x15] =	wrdreg s11  }
0x17: {  	s16 =	sshrl.u32 s16, $0x3;
	[dreg:$0x16] =	wrdreg s8;
	s11 =	simm.s32 $0x180  }
0x18: {  	s8 =	simm.s32 $0x7;
	s19 =	sadd.s32 s12, s4;
	s10 =	sshrl.u32 s10, $0x3  }
0x19: {  	s21 =	sadd.s32 s9, s16;
	s12 =	sadd.s32 s12, s14;
	s15 =	sshrl.u32 s19, $0x3  }
0x1a: {  	s10 =	sadd.s32 s9, s10;
	[dreg:$0xc] =	wrdreg s21;
	s12 =	sshrl.u32 s12, $0x3  }
0x1b: {  	s21 =	sadd.s32 $0x400, s6;
	[dreg:$0xa] =	wrdreg s10;
	s20 =	sadd.s32 s9, s15  }
0x1c: {  	s10 =	sshrl.u32 s22, $0x3;
	s15 =	sadd.s32 $0x500, s6;
	s6 =	sadd.s32 $0x380, s6  }
0x1d: {  	s23 =	sshrl.u32 s21, $0x3;
	[dreg:$0xb] =	wrdreg s20;
	s10 =	sadd.s32 s9, s10  }
0x1e: {  	s21 =	simm.s32 $0x180;
	s9 =	sadd.s32 s9, s12;
	[dreg:$0xd] =	wrdreg s10  }
0x1f: {  	s12 =	sadd.s32 s2, s7;
	s7 =	sadd.s32 s0, s7;
	[dreg:$0xe] =	wrdreg s9  }
0x20: {  	s16 =	sshrl.u32 s15, $0x3;
	s20 =	sshrl.u32 s18, $0x3;
	[dreg:$0x17] =	wrdreg s12  }
0x21: {  	s6 =	sshrl.u32 s6, $0x3;
	s25 =	sadd.s32 s23, s0;
	[dreg:$0x18] =	wrdreg s7  }
0x22: {  	s15 =	simm.s32 $0x6;
	s9 =	sadd.s32 s0, s24;
	[smem:$0x7FA] =	sst s25  }
0x23: {  	s18 =	simm.s32 $0x4400;
	s19 =	sadd.s32 s16, s0;
	[dreg:$0x11] =	wrdreg s9  }
0x24: {  	s7 =	sadd.s32 s16, s2;
	s22 =	sadd.s32 s20, s0;
	[dreg:$0x1f] =	wrdreg s19  }
0x25: {  	s24 =	smul.u32 $0x50000, s17;
	s16 =	simm.s32 $0x1;
	[smem:$0x7F7] =	sst s7  }
0x26: {  	s17 =	simm.s32 $0x2;
	s9 =	sadd.s32 s0, s30;
	[smem:$0x7F8] =	sst s22  }
0x27: {  	s10 =	simm.s32 $0x300;
	s7 =	sadd.s32 s20, s2;
	[dreg:$0x14] =	wrdreg s9  }
0x28: {  	s0 =	sadd.s32 s6, s0;
	s19 =	simm.s32 $0x5;
	[smem:$0x7F9] =	sst s7  }
0x29: {  	s20 =	simm.s32 $0x380;
	s22 =	simm.s32 $0x3;
	[smem:$0x7FC] =	sst s0  }
0x2a: {  	s7 =	sadd.s32 s23, s2;
	s0 =	rddreg [dreg:$0x2];
	s2 =	sadd.s32 s6, s2  }
0x2b: {  	s26 =	sshrl.u32 s24, $0x2;
	s9 =	simm.s32 $0x80;
	[smem:$0x7FB] =	sst s7  }
0x2c: {  	s6 =	simm.s32 $0x200;
	[smem:$0x7FD] =	sst s2;
	s4 =	sadd.s32 s4, s0  }
0x2d: {  	s29 =	sadd.s32 s5, s0;
	_ =	strace $0x8000004D;
	[dreg:$0x1a] =	wrdreg s4  }
0x2e: {  	s23 =	simm.s32 $0x280;
	s30 =	sadd.s32 s13, s0;
	[dreg:$0x1b] =	wrdreg s29  }
0x2f: {  	s12 =	sadd.s32 s26, s0;
	s31 =	sadd.s32 s14, s0;
	[dreg:$0x1c] =	wrdreg s30  }
0x30: {  	s2 =	simm.s32 $0x100;
	s7 =	simm.s32 $0x280;
	[dreg:$0x1d] =	wrdreg s31  }
0x31: {  	s14 =	simm.s32 $0x400;
	s13 =	simm.s32 $0x0;
	[dreg:$0x1e] =	wrdreg s3  }
0x32: {  	v0 =	vimm.f32 $0.0e+00;
	s3 =	simm.s32 $0x4;
	s4 =	simm.s32 $0x8;
	[dreg:$0x19] =	wrdreg s12  }
.LBB2_1:
0x33: {  	s5 =	rddreg [dreg:$0x4]  }
0x34: {  	[tilespmem:s1], [sflag:$0x1] =	stream.linear.gather [hbm4b:s5+s1], $0x80, $0x38;
	[tilespmem:$0x1C400] =	vst v63  }
0x35: {  	s25 =	rddreg [dreg:$0x12]  }
0x36: {  	[tilespmem:s9], [sflag:$0x1] =	stream.linear.gather [hbm4b:s25+s1], $0x80, $0x38;
	[tilespmem:$0x1C400] =	vst v63  }
0x37: {  	s26 =	rddreg [dreg:$0x5]  }
0x38: {  	[tilespmem:s2], [sflag:$0x2] =	stream.linear.gather [hbm4b:s26+s1], $0x80, $0x38;
	[tilespmem:$0x1C400] =	vst v63  }
0x39: {  	s29 =	rddreg [dreg:$0x6]  }
0x3a: {  	[tilespmem:s11], [sflag:$0x2] =	stream.linear.gather [hbm4b:s29+s1], $0x80, $0x38;
	[tilespmem:$0x1C400] =	vst v63  }
0x3b: {  	s30 =	rddreg [dreg:$0x7]  }
0x3c: {  	[tilespmem:s6], [sflag:$0x3] =	stream.linear.gather [hbm4b:s30+s1], $0x80, $0x38;
	[tilespmem:$0x1C400] =	vst v63  }
0x3d: {  	s31 =	rddreg [dreg:$0x8]  }
0x3e: {  	[tilespmem:s7], [sflag:$0x3] =	stream.linear.gather [hbm4b:s31+s1], $0x80, $0x38;
	[tilespmem:$0x1C400] =	vst v63  }
0x3f: {  	[smem:$0x7F6] =	sst s13;
	s6 =	simm.s32 $0x200;
	s7 =	simm.s32 $0x0  }
.LBB2_2:
0x40: {  	p1 =	sne.s32 s6, $0xFE00;
	[tilespmem:s7+$0x470] =	vst v0  }
0x41: {  	[tilespmem:s7+$0x400] =	vst v0  }
0x42: {  	[tilespmem:s7+$0x410] =	vst v0  }
.Ltmp0:
0x43: {  	[tilespmem:s7+$0x420] =	vst v0;
	(pc) =	sbr.rel @p1 .LBB2_2-.Ltmp0, $4  }
0x44: {  	[tilespmem:s7+$0x430] =	vst v0  }
0x45: {  	[tilespmem:s7+$0x440] =	vst v0  }
0x46: {  	[tilespmem:s7+$0x450] =	vst v0  }
0x47: {  	[tilespmem:s7+$0x460] =	vst v0;
	s7 =	sshra.s32 s6, $0x2;
	s6 =	sadd.s32 $0x200, s6  }
0x48: {  	[tilespmem:s7+$0x470] =	vst v0  }
0x49: {  	[tilespmem:s7+$0x400] =	vst v0  }
0x4a: {  	[tilespmem:s7+$0x410] =	vst v0  }
0x4b: {  	[tilespmem:s7+$0x420] =	vst v0  }
0x4c: {  	[tilespmem:s7+$0x430] =	vst v0  }
0x4d: {  	[tilespmem:s7+$0x440] =	vst v0  }
0x4e: {  	[tilespmem:s7+$0x450] =	vst v0  }
0x4f: {  	[tilespmem:s7+$0x460] =	vst v0  }
0x50: {  	[spmem:s12] =	stream.linear.scatter [tilespmem:s14], [sflag:$0x6], $0x4000, $0x38;
	[tilespmem:$0x1C400] =	vst v63  }
0x51: {  	s5 =	rddreg [dreg:$0x1a]  }
0x52: {  	[spmem:s5] =	stream.linear.scatter [tilespmem:s14], [sflag:$0x6], $0x4000, $0x38;
	[tilespmem:$0x1C400] =	vst v63  }
0x53: {  	s6 =	rddreg [dreg:$0x1b]  }
0x54: {  	[spmem:s6] =	stream.linear.scatter [tilespmem:s14], [sflag:$0x6], $0x4000, $0x38;
	[tilespmem:$0x1C400] =	vst v63  }
0x55: {  	s7 =	rddreg [dreg:$0x1c]  }
0x56: {  	[spmem:s7] =	stream.linear.scatter [tilespmem:s14], [sflag:$0x6], $0x4000, $0x38;
	[tilespmem:$0x1C400] =	vst v63  }
0x57: {  	s12 =	rddreg [dreg:$0x1d]  }
0x58: {  	[spmem:s12] =	stream.linear.scatter [tilespmem:s14], [sflag:$0x6], $0x4000, $0x38;
	[tilespmem:$0x1C400] =	vst v63  }
0x59: {  	_ =	swait.ge [sflag:s15], $0x4000  }
0x5a: {  	[sflag:s15] =	ssyncset.done $0x0  }
0x5b: {  	[sflag:s15] =	ssyncadd.s32 $0xFFFFC000  }
0x5c: {  	_ =	swait.ge [sflag:s15], $0x4000  }
0x5d: {  	[sflag:s15] =	ssyncset.done $0x0  }
0x5e: {  	[sflag:s15] =	ssyncadd.s32 $0xFFFFC000  }
0x5f: {  	_ =	swait.ge [sflag:s15], $0x4000  }
0x60: {  	[sflag:s15] =	ssyncset.done $0x0  }
0x61: {  	[sflag:s15] =	ssyncadd.s32 $0xFFFFC000  }
0x62: {  	_ =	swait.ge [sflag:s15], $0x4000  }
0x63: {  	[sflag:s15] =	ssyncset.done $0x0  }
0x64: {  	[sflag:s15] =	ssyncadd.s32 $0xFFFFC000  }
0x65: {  	_ =	swait.ge [sflag:s15], $0x4000  }
0x66: {  	[sflag:s15] =	ssyncset.done $0x0  }
0x67: {  	[sflag:s15] =	ssyncadd.s32 $0xFFFFC000  }
0x68: {  	[bflag:$0x0] =	sbarrier.arrive $0xFFFF  }
0x69: {  	_ =	swait.ge [sflag:s16], $0x80  }
0x6a: {  	[sflag:s16] =	ssyncset.done $0x0  }
0x6b: {  	[sflag:s16] =	ssyncadd.s32 $0xFFFFFF80  }
0x6c: {  	_ =	swait.ge [sflag:s16], $0x80  }
0x6d: {  	[sflag:s16] =	ssyncset.done $0x0  }
0x6e: {  	s7 =	simm.s32 $0x0;
	[sflag:s16] =	ssyncadd.s32 $0xFFFFFF80  }
0x6f: {  	[tilespmem:s14], [sflag:$0x5] =	stream.indirect.gather [hbm4b:s28+s9], $0x80, s7, s9, $0xb8;
	[tilespmem:$0x1C400] =	vst v63  }
0x70: {  	_ =	swait.ge [sflag:s17], $0x80  }
0x71: {  	[sflag:s17] =	ssyncset.done $0x0  }
0x72: {  	[sflag:s17] =	ssyncadd.s32 $0xFFFFFF80  }
0x73: {  	_ =	swait.ge [sflag:s17], $0x80  }
0x74: {  	[sflag:s17] =	ssyncset.done $0x0  }
0x75: {  	[sflag:s17] =	ssyncadd.s32 $0xFFFFFF80  }
0x76: {  	[tilespmem:s18], [sflag:$0x6] =	stream.indirect.gather [hbm4b:s28+s9], $0x80, s2, s9, $0xb8;
	[tilespmem:$0x1C400] =	vst v63  }
0x77: {  	_ =	swait.ge [sflag:s19], $0x4000  }
0x78: {  	[sflag:s19] =	ssyncset.done $0x0  }
0x79: {  	[sflag:s19] =	ssyncadd.s32 $0xFFFFC000  }
0x7a: {  	[spmem:s0] =	stream.indirect.scatter.add.f32 [tilespmem:s14], [sflag:$0x7], $0x80, s9, s9, $0xb8;
	[tilespmem:$0x1C400] =	vst v63  }
0x7b: {  	s13 =	rddreg [dreg:$0x9]  }
0x7c: {  	[tilespmem:s10], [sflag:$0x4] =	stream.linear.gather [hbm4b:s13+s7], $0x80, $0x38;
	[tilespmem:$0x1C400] =	vst v63  }
0x7d: {  	s24 =	rddreg [dreg:$0xf]  }
0x7e: {  	[tilespmem:s20], [sflag:$0x4] =	stream.linear.gather [hbm4b:s24+s7], $0x80, $0x38;
	[tilespmem:$0x1C400] =	vst v63  }
0x7f: {  	_ =	swait.ge [sflag:s22], $0x80  }
0x80: {  	[sflag:s22] =	ssyncset.done $0x0  }
0x81: {  	[sflag:s22] =	ssyncadd.s32 $0xFFFFFF80  }
0x82: {  	_ =	swait.ge [sflag:s22], $0x80  }
0x83: {  	[sflag:s22] =	ssyncset.done $0x0  }
0x84: {  	[sflag:s22] =	ssyncadd.s32 $0xFFFFFF80  }
0x85: {  	_ =	swait.ge [sflag:s8], $0x4000  }
0x86: {  	[sflag:s8] =	ssyncset.done $0x0  }
0x87: {  	s6 =	simm.s32 $0x200;
	[sflag:s8] =	ssyncadd.s32 $0xFFFFC000  }
0x88: {  	[tilespmem:s14], [sflag:$0x5] =	stream.indirect.gather [hbm4b:s28+s9], $0x80, s6, s9, $0xb8;
	[tilespmem:$0x1C400] =	vst v63  }
0x89: {  	_ =	swait.ge [sflag:s15], $0x4000  }
0x8a: {  	[sflag:s15] =	ssyncset.done $0x0  }
0x8b: {  	[sflag:s15] =	ssyncadd.s32 $0xFFFFC000  }
0x8c: {  	[spmem:s0] =	stream.indirect.scatter.add.f32 [tilespmem:s18], [sflag:$0x8], $0x80, s11, s9, $0xb8;
	[tilespmem:$0x1C400] =	vst v63  }
0x8d: {  	s25 =	rddreg [dreg:$0x10]  }
0x8e: {  	[tilespmem:s7], [sflag:$0x1] =	stream.linear.gather [hbm4b:s25+s7], $0x80, $0x38;
	[tilespmem:$0x1C400] =	vst v63  }
0x8f: {  	s26 =	rddreg [dreg:$0x11]  }
0x90: {  	[tilespmem:s9], [sflag:$0x1] =	stream.linear.gather [hbm4b:s26+s7], $0x80, $0x38;
	[tilespmem:$0x1C400] =	vst v63  }
0x91: {  	_ =	swait.ge [sflag:s3], $0x80  }
0x92: {  	[sflag:s3] =	ssyncset.done $0x0  }
0x93: {  	[sflag:s3] =	ssyncadd.s32 $0xFFFFFF80  }
0x94: {  	_ =	swait.ge [sflag:s3], $0x80  }
0x95: {  	[sflag:s3] =	ssyncset.done $0x0  }
0x96: {  	[sflag:s3] =	ssyncadd.s32 $0xFFFFFF80  }
0x97: {  	_ =	swait.ge [sflag:s4], $0x4000  }
0x98: {  	[sflag:s4] =	ssyncset.done $0x0  }
0x99: {  	[sflag:s4] =	ssyncadd.s32 $0xFFFFC000  }
0x9a: {  	[tilespmem:s18], [sflag:$0x6] =	stream.indirect.gather [hbm4b:s28+s9], $0x80, s10, s9, $0xb8;
	[tilespmem:$0x1C400] =	vst v63  }
0x9b: {  	_ =	swait.ge [sflag:s19], $0x4000  }
0x9c: {  	[sflag:s19] =	ssyncset.done $0x0  }
0x9d: {  	s12 =	simm.s32 $0x280;
	[sflag:s19] =	ssyncadd.s32 $0xFFFFC000  }
0x9e: {  	[spmem:s0] =	stream.indirect.scatter.add.f32 [tilespmem:s14], [sflag:$0x7], $0x80, s12, s9, $0xb8;
	[tilespmem:$0x1C400] =	vst v63  }
0x9f: {  	s13 =	rddreg [dreg:$0x13]  }
0xa0: {  	[tilespmem:s2], [sflag:$0x2] =	stream.linear.gather [hbm4b:s13+s7], $0x80, $0x38;
	[tilespmem:$0x1C400] =	vst v63  }
0xa1: {  	s24 =	rddreg [dreg:$0x14]  }
0xa2: {  	[tilespmem:s11], [sflag:$0x2] =	stream.linear.gather [hbm4b:s24+s7], $0x80, $0x38;
	[tilespmem:$0x1C400] =	vst v63  }
0xa3: {  	_ =	swait.ge [sflag:s16], $0x80  }
0xa4: {  	[sflag:s16] =	ssyncset.done $0x0  }
0xa5: {  	[sflag:s16] =	ssyncadd.s32 $0xFFFFFF80  }
0xa6: {  	_ =	swait.ge [sflag:s16], $0x80  }
0xa7: {  	[sflag:s16] =	ssyncset.done $0x0  }
0xa8: {  	[sflag:s16] =	ssyncadd.s32 $0xFFFFFF80  }
0xa9: {  	_ =	swait.ge [sflag:s8], $0x4000  }
0xaa: {  	[sflag:s8] =	ssyncset.done $0x0  }
0xab: {  	[sflag:s8] =	ssyncadd.s32 $0xFFFFC000  }
0xac: {  	[tilespmem:s14], [sflag:$0x5] =	stream.indirect.gather [hbm4b:s28+s9], $0x80, s7, s9, $0xb8;
	[tilespmem:$0x1C400] =	vst v63  }
0xad: {  	_ =	swait.ge [sflag:s15], $0x4000  }
0xae: {  	s25 =	rddreg [dreg:$0x15]  }
0xaf: {  	s26 =	rddreg [dreg:$0x16]  }
0xb0: {  	s24 =	rddreg [dreg:$0x1f]  }
0xb1: {  	s30 =	sld [smem:$0x7F9]  }
0xb2: {  	s31 =	sld [smem:$0x7FA]  }
0xb3: {  	[sflag:s15] =	ssyncset.done $0x0;
	s29 =	sld [smem:$0x7FB]  }
0xb4: {  	s2 =	sld [smem:$0x7FC];
	[sflag:s15] =	ssyncadd.s32 $0xFFFFC000  }
0xb5: {  	[spmem:s0] =	stream.indirect.scatter.add.f32 [tilespmem:s18], [sflag:$0x8], $0x80, s20, s9, $0xb8;
	[tilespmem:$0x1C400] =	vst v63  }
0xb6: {  	s10 =	sld [smem:$0x7FD]  }
0xb7: {  	[tilespmem:s6], [sflag:$0x3] =	stream.linear.gather [hbm4b:s25+s7], $0x80, $0x38;
	[tilespmem:$0x1C400] =	vst v63  }
0xb8: {  	s13 =	simm.s32 $0x380;
	s25 =	sld [smem:$0x7F7]  }
0xb9: {  	[tilespmem:s12], [sflag:$0x3] =	stream.linear.gather [hbm4b:s26+s7], $0x80, $0x38;
	[tilespmem:$0x1C400] =	vst v63  }
0xba: {  	s11 =	simm.s32 $0x300;
	s20 =	simm.s32 $0x100;
	s26 =	sld [smem:$0x7F8]  }
.LBB2_4:
0xbb: {  	_ =	swait.ge [sflag:s17], $0x80  }
0xbc: {  	[sflag:s17] =	ssyncset.done $0x0  }
0xbd: {  	[sflag:s17] =	ssyncadd.s32 $0xFFFFFF80  }
0xbe: {  	_ =	swait.ge [sflag:s17], $0x80  }
0xbf: {  	[sflag:s17] =	ssyncset.done $0x0  }
0xc0: {  	[sflag:s17] =	ssyncadd.s32 $0xFFFFFF80  }
0xc1: {  	_ =	swait.ge [sflag:s4], $0x4000  }
0xc2: {  	[sflag:s4] =	ssyncset.done $0x0  }
0xc3: {  	[sflag:s4] =	ssyncadd.s32 $0xFFFFC000  }
0xc4: {  	[tilespmem:s18], [sflag:$0x6] =	stream.indirect.gather [hbm4b:s28+s9], $0x80, s20, s9, $0xb8;
	[tilespmem:$0x1C400] =	vst v63  }
0xc5: {  	_ =	swait.ge [sflag:s19], $0x4000  }
0xc6: {  	[sflag:s19] =	ssyncset.done $0x0  }
0xc7: {  	[sflag:s19] =	ssyncadd.s32 $0xFFFFC000  }
0xc8: {  	[spmem:s0] =	stream.indirect.scatter.add.f32 [tilespmem:s14], [sflag:$0x7], $0x80, s9, s9, $0xb8;
	[tilespmem:$0x1C400] =	vst v63  }
0xc9: {  	s6 =	sadd.s32 s7, s10  }
0xca: {  	[tilespmem:s11], [sflag:$0x4] =	stream.linear.gather [hbm4b:s6+s1], $0x80, $0x38;
	[tilespmem:$0x1C400] =	vst v63  }
0xcb: {  	s12 =	sadd.s32 s7, s2  }
0xcc: {  	[tilespmem:s13], [sflag:$0x4] =	stream.linear.gather [hbm4b:s12+s1], $0x80, $0x38;
	[tilespmem:$0x1C400] =	vst v63  }
0xcd: {  	_ =	swait.ge [sflag:s22], $0x80  }
0xce: {  	[sflag:s22] =	ssyncset.done $0x0  }
0xcf: {  	[sflag:s22] =	ssyncadd.s32 $0xFFFFFF80  }
0xd0: {  	_ =	swait.ge [sflag:s22], $0x80  }
0xd1: {  	[sflag:s22] =	ssyncset.done $0x0  }
0xd2: {  	[sflag:s22] =	ssyncadd.s32 $0xFFFFFF80  }
0xd3: {  	_ =	swait.ge [sflag:s8], $0x4000  }
0xd4: {  	[sflag:s8] =	ssyncset.done $0x0  }
0xd5: {  	s5 =	simm.s32 $0x200;
	[sflag:s8] =	ssyncadd.s32 $0xFFFFC000  }
0xd6: {  	[tilespmem:s14], [sflag:$0x5] =	stream.indirect.gather [hbm4b:s28+s9], $0x80, s5, s9, $0xb8;
	[tilespmem:$0x1C400] =	vst v63  }
0xd7: {  	_ =	swait.ge [sflag:s15], $0x4000  }
0xd8: {  	[sflag:s15] =	ssyncset.done $0x0  }
0xd9: {  	[sflag:s15] =	ssyncadd.s32 $0xFFFFC000  }
0xda: {  	[spmem:s0] =	stream.indirect.scatter.add.f32 [tilespmem:s18], [sflag:$0x8], $0x80, s21, s9, $0xb8;
	[tilespmem:$0x1C400] =	vst v63  }
0xdb: {  	s5 =	sadd.s32 s7, s29  }
0xdc: {  	[tilespmem:s1], [sflag:$0x1] =	stream.linear.gather [hbm4b:s5+s1], $0x80, $0x38;
	[tilespmem:$0x1C400] =	vst v63  }
0xdd: {  	s12 =	sadd.s32 s7, s31  }
0xde: {  	[tilespmem:s9], [sflag:$0x1] =	stream.linear.gather [hbm4b:s12+s1], $0x80, $0x38;
	[tilespmem:$0x1C400] =	vst v63  }
0xdf: {  	_ =	swait.ge [sflag:s3], $0x80  }
0xe0: {  	[sflag:s3] =	ssyncset.done $0x0  }
0xe1: {  	[sflag:s3] =	ssyncadd.s32 $0xFFFFFF80  }
0xe2: {  	_ =	swait.ge [sflag:s3], $0x80  }
0xe3: {  	[sflag:s3] =	ssyncset.done $0x0  }
0xe4: {  	[sflag:s3] =	ssyncadd.s32 $0xFFFFFF80  }
0xe5: {  	_ =	swait.ge [sflag:s4], $0x4000  }
0xe6: {  	[sflag:s4] =	ssyncset.done $0x0  }
0xe7: {  	[sflag:s4] =	ssyncadd.s32 $0xFFFFC000  }
0xe8: {  	[tilespmem:s18], [sflag:$0x6] =	stream.indirect.gather [hbm4b:s28+s9], $0x80, s11, s9, $0xb8;
	[tilespmem:$0x1C400] =	vst v63  }
0xe9: {  	_ =	swait.ge [sflag:s19], $0x4000  }
0xea: {  	[sflag:s19] =	ssyncset.done $0x0  }
0xeb: {  	[sflag:s19] =	ssyncadd.s32 $0xFFFFC000  }
0xec: {  	[spmem:s0] =	stream.indirect.scatter.add.f32 [tilespmem:s14], [sflag:$0x7], $0x80, s23, s9, $0xb8;
	[tilespmem:$0x1C400] =	vst v63  }
0xed: {  	s5 =	sadd.s32 s7, s30  }
0xee: {  	[tilespmem:s20], [sflag:$0x2] =	stream.linear.gather [hbm4b:s5+s1], $0x80, $0x38;
	[tilespmem:$0x1C400] =	vst v63  }
0xef: {  	s12 =	sadd.s32 s7, s26  }
0xf0: {  	[tilespmem:s21], [sflag:$0x2] =	stream.linear.gather [hbm4b:s12+s1], $0x80, $0x38;
	[tilespmem:$0x1C400] =	vst v63  }
0xf1: {  	_ =	swait.ge [sflag:s16], $0x80  }
0xf2: {  	[sflag:s16] =	ssyncset.done $0x0  }
0xf3: {  	[sflag:s16] =	ssyncadd.s32 $0xFFFFFF80  }
0xf4: {  	_ =	swait.ge [sflag:s16], $0x80  }
0xf5: {  	[sflag:s16] =	ssyncset.done $0x0  }
0xf6: {  	[sflag:s16] =	ssyncadd.s32 $0xFFFFFF80  }
0xf7: {  	_ =	swait.ge [sflag:s8], $0x4000  }
0xf8: {  	[sflag:s8] =	ssyncset.done $0x0  }
0xf9: {  	[sflag:s8] =	ssyncadd.s32 $0xFFFFC000  }
0xfa: {  	[tilespmem:s14], [sflag:$0x5] =	stream.indirect.gather [hbm4b:s28+s9], $0x80, s1, s9, $0xb8;
	[tilespmem:$0x1C400] =	vst v63  }
0xfb: {  	_ =	swait.ge [sflag:s15], $0x4000  }
0xfc: {  	[sflag:s15] =	ssyncset.done $0x0  }
0xfd: {  	p1 =	seq.s32 s7, $0x440;
	[sflag:s15] =	ssyncadd.s32 $0xFFFFC000  }
0xfe: {  	[spmem:s0] =	stream.indirect.scatter.add.f32 [tilespmem:s18], [sflag:$0x8], $0x80, s13, s9, $0xb8;
	[tilespmem:$0x1C400] =	vst v63  }
0xff: {  	s6 =	sadd.s32 @!p1 s7, s25;
	s5 =	simm.s32 @!p1 $0x0;
	s12 =	simm.s32 @!p1 $0x200  }
0x100: {  	[tilespmem:s12], [sflag:$0x3] =	stream.linear.gather @!p1 [hbm4b:s6+s5], $0x80, $0x38;
	[tilespmem:$0x1C400] =	vst v63  }
0x101: {  	s6 =	sadd.s32 @!p1 s7, s24;
	s7 =	sadd.s32 @!p1 $0x40, s7  }
0x102: {  	s12 =	simm.s32 @!p1 $0x280;
	p2 =	sne.s32 @!p1 s7, $0x480  }
0x103: {  	[tilespmem:s12], [sflag:$0x3] =	stream.linear.gather @!p1 [hbm4b:s6+s5], $0x80, $0x38;
	[tilespmem:$0x1C400] =	vst v63  }
0x104: {  	p1 =	por p1, !p2  }
.Ltmp1:
0x105: {  	_ = 	snop;
	(pc) =	sbr.rel @!p1 .LBB2_4-.Ltmp1, $1  }
0x106: {  	_ =	sdelay $0x3  }
0x107: {  	_ =	swait.ge [sflag:s17], $0x80  }
0x108: {  	[sflag:s17] =	ssyncset.done $0x0  }
0x109: {  	[sflag:s17] =	ssyncadd.s32 $0xFFFFFF80  }
0x10a: {  	_ =	swait.ge [sflag:s17], $0x80  }
0x10b: {  	[sflag:s17] =	ssyncset.done $0x0  }
0x10c: {  	[sflag:s17] =	ssyncadd.s32 $0xFFFFFF80  }
0x10d: {  	_ =	swait.ge [sflag:s4], $0x4000  }
0x10e: {  	[sflag:s4] =	ssyncset.done $0x0  }
0x10f: {  	[sflag:s4] =	ssyncadd.s32 $0xFFFFC000  }
0x110: {  	[tilespmem:s18], [sflag:$0x6] =	stream.indirect.gather [hbm4b:s28+s9], $0x80, s20, s9, $0xb8;
	[tilespmem:$0x1C400] =	vst v63  }
0x111: {  	_ =	swait.ge [sflag:s19], $0x4000  }
0x112: {  	[sflag:s19] =	ssyncset.done $0x0  }
0x113: {  	[sflag:s19] =	ssyncadd.s32 $0xFFFFC000  }
0x114: {  	[spmem:s0] =	stream.indirect.scatter.add.f32 [tilespmem:s14], [sflag:$0x7], $0x80, s9, s9, $0xb8;
	[tilespmem:$0x1C400] =	vst v63  }
0x115: {  	_ =	swait.ge [sflag:s15], $0x4000  }
0x116: {  	[sflag:s15] =	ssyncset.done $0x0  }
0x117: {  	[sflag:s15] =	ssyncadd.s32 $0xFFFFC000  }
0x118: {  	[spmem:s0] =	stream.indirect.scatter.add.f32 [tilespmem:s18], [sflag:$0x8], $0x80, s21, s9, $0xb8;
	[tilespmem:$0x1C400] =	vst v63  }
0x119: {  	_ =	swait.ge [sflag:s8], $0x4000  }
0x11a: {  	[sflag:s8] =	ssyncset.done $0x0  }
0x11b: {  	[sflag:s8] =	ssyncadd.s32 $0xFFFFC000  }
0x11c: {  	_ =	swait.ge [sflag:s4], $0x4000  }
0x11d: {  	s5 =	simm.s32 @!p0 $0x0;
	[sflag:s4] =	ssyncset.done $0x0  }
0x11e: {  	s6 =	simm.s32 @!p0 $0x200;
	s7 =	rddreg [dreg:$0x17];
	[sflag:s4] =	ssyncadd.s32 $0xFFFFC000  }
0x11f: {  	[tilespmem:s6], [sflag:$0x3] =	stream.linear.gather @!p0 [hbm4b:s7+s5], $0x80, $0x38;
	[tilespmem:$0x1C400] =	vst v63  }
0x120: {  	s12 =	rddreg [dreg:$0x18];
	s7 =	simm.s32 @!p0 $0x280  }
0x121: {  	[tilespmem:s7], [sflag:$0x3] =	stream.linear.gather @!p0 [hbm4b:s12+s5], $0x80, $0x38;
	[tilespmem:$0x1C400] =	vst v63  }
0x122: {  	s5 =	simm.s32 @!p0 $0x3  }
0x123: {  	_ =	swait.ge @!p0 [sflag:s5], $0x80  }
0x124: {  	[sflag:s5] =	ssyncset.done @!p0 $0x0  }
0x125: {  	[sflag:s5] =	ssyncadd.s32 @!p0 $0xFFFFFF80  }
0x126: {  	_ =	swait.ge @!p0 [sflag:s5], $0x80  }
0x127: {  	[sflag:s5] =	ssyncset.done @!p0 $0x0  }
0x128: {  	s12 =	simm.s32 @!p0 $0x400;
	[sflag:s5] =	ssyncadd.s32 @!p0 $0xFFFFFF80;
	s5 =	simm.s32 @!p0 $0x80  }
0x129: {  	[tilespmem:s12], [sflag:$0x5] =	stream.indirect.gather @!p0 [hbm4b:s28+s5], $0x80, s6, s5, $0xb8;
	[tilespmem:$0x1C400] =	vst v63  }
0x12a: {  	s6 =	simm.s32 @!p0 $0x5  }
0x12b: {  	_ =	swait.ge @!p0 [sflag:s6], $0x4000  }
0x12c: {  	[sflag:s6] =	ssyncset.done @!p0 $0x0  }
0x12d: {  	[sflag:s6] =	ssyncadd.s32 @!p0 $0xFFFFC000  }
0x12e: {  	[spmem:s0] =	stream.indirect.scatter.add.f32 @!p0 [tilespmem:s12], [sflag:$0x9], $0x80, s7, s5, $0xb8;
	[tilespmem:$0x1C400] =	vst v63  }
0x12f: {  	s5 =	simm.s32 @!p0 $0x9  }
0x130: {  	_ =	swait.ge @!p0 [sflag:s5], $0x4000  }
0x131: {  	[sflag:s5] =	ssyncset.done @!p0 $0x0  }
0x132: {  	[sflag:s5] =	ssyncadd.s32 @!p0 $0xFFFFC000  }
0x133: {  	s6 =	stileid.u32;
	[bflag:$0x0] =	sbarrier.arrive $0xFFFF  }
0x134: {  	s2 =	simm.s32 $0x9;
	s5 =	sshll.u32 s6, $0x6;
	s12 =	rddreg [dreg:$0x19]  }
0x135: {  	s5 =	sor.u32 $0x1C09, s5;
	s10 =	rddreg [dreg:$0xa];
	s7 =	sshrl.u32 s12, $0x3  }
0x136: {  	[hbm:s10], [sflag:s5] =	dma.local [spmem:s7], $0x800  }
0x137: {  	_ =	swait.ge [sflag:s2], $0x800  }
0x138: {  	[sflag:s2] =	ssyncset.done $0x0;
	s11 =	rddreg [dreg:$0x1a]  }
0x139: {  	s13 =	rddreg [dreg:$0xb];
	[sflag:s2] =	ssyncadd.s32 $0xFFFFF800;
	s6 =	sshrl.u32 s11, $0x3  }
0x13a: {  	[hbm:s13], [sflag:s5] =	dma.local [spmem:s6], $0x800  }
0x13b: {  	_ =	swait.ge [sflag:s2], $0x800  }
0x13c: {  	[sflag:s2] =	ssyncset.done $0x0;
	s20 =	rddreg [dreg:$0x1b]  }
0x13d: {  	s24 =	rddreg [dreg:$0xc];
	[sflag:s2] =	ssyncadd.s32 $0xFFFFF800;
	s6 =	sshrl.u32 s20, $0x3  }
0x13e: {  	[hbm:s24], [sflag:s5] =	dma.local [spmem:s6], $0x800  }
0x13f: {  	_ =	swait.ge [sflag:s2], $0x800  }
0x140: {  	[sflag:s2] =	ssyncset.done $0x0;
	s25 =	rddreg [dreg:$0x1c]  }
0x141: {  	s26 =	rddreg [dreg:$0xd];
	[sflag:s2] =	ssyncadd.s32 $0xFFFFF800;
	s6 =	sshrl.u32 s25, $0x3  }
0x142: {  	[hbm:s26], [sflag:s5] =	dma.local [spmem:s6], $0x800  }
0x143: {  	_ =	swait.ge [sflag:s2], $0x800  }
0x144: {  	[sflag:s2] =	ssyncset.done $0x0;
	s29 =	rddreg [dreg:$0x1d]  }
0x145: {  	s30 =	rddreg [dreg:$0xe];
	[sflag:s2] =	ssyncadd.s32 $0xFFFFF800;
	s6 =	sshrl.u32 s29, $0x3  }
0x146: {  	[hbm:s30], [sflag:s5] =	dma.local [spmem:s6], $0x800  }
0x147: {  	_ =	swait.ge [sflag:s2], $0x800  }
0x148: {  	s13 =	sld [smem:$0x7F6];
	_ =	sdelay $0x2  }
0x149: {  	s31 =	rddreg [dreg:$0x1e];
	s13 =	sadd.s32 $0x1, s13  }
0x14a: {  	p1 =	sne.s32 s13, s31  }
.Ltmp2:
0x14b: {  	_ = 	snop;
	(pc) =	sbr.rel @p1 .LBB2_1-.Ltmp2, $4  }
0x14c: {  	_ = 	snop  }
0x14d: {  	s7 =	simm.s32 $0x280;
	s10 =	simm.s32 $0x300  }
0x14e: {  	s11 =	simm.s32 $0x180;
	s20 =	simm.s32 $0x380;
	[sflag:s2] =	ssyncset.done $0x0  }
0x14f: {  	s6 =	simm.s32 $0x200;
	[sflag:s2] =	ssyncadd.s32 $0xFFFFF800;
	s2 =	simm.s32 $0x100  }
0x150: {  	_ =	sfence.sel $0x180000  }
0x151: {  	[bflag:$0x0] =	sbarrier.arrive $0xFFFF  }
0x152: {  	_ =	strace $0x9000004D  }
0x153: {  	s0 =	stileid.u32;
	[bflag:$0x2] =	sbarrier.arrive $0xFFFF  }
0x154: {  	p0 =	sne.s32 s0, $0x0;
	s0 =	rddreg [dreg:$0x3]  }
0x155: {  	s0 =	sadd.s32 @!p0 $0x100000, s0  }
0x156: {  	[sflag:s0] =	ssyncadd.tile.s32 @!p0 $0x1;
	_ =	shalt  }
.Lfunc_end2:
_tile_overlayer_lowered:
.L_overlay_start_2:
0x157: {  	(tag) =	ssettag $0x2  }
0x158: {  	s0 =	rddreg [dreg:$0x0];
	s2 =	stileid.u32  }
0x159: {  	s1 =	rddreg [dreg:$0x1];
	p0 =	sne.s32 s2, $0x0  }
0x15a: {  	s3 =	rddreg [dreg:$0x2];
	[bflag:$0x3] =	sbarrier.arrive $0xFFFF;
	s2 =	simm.s32 @!p0 $0x1C09  }
0x15b: {  	[timem:s3], [sflag:s2] =	dma.local @!p0 [hbm:s0], s1  }
0x15c: {  	s0 =	simm.s32 @!p0 $0x9  }
0x15d: {  	_ =	swait.ge @!p0 [sflag:s0], s1  }
0x15e: {  	s1 =	ssub.s32 @!p0 $0x0, s1;
	[sflag:s0] =	ssyncset.done @!p0 $0x0  }
0x15f: {  	[sflag:s0] =	ssyncadd.s32 @!p0 s1  }
0x160: {  	[bflag:$0x3] =	sbarrier.arrive $0xFFFF  }
0x161: {  	_ =	shalt  }

// kernel: kernel.8.cloned.1.call-start
scs
__scs_entry_jumppad:
0x0: {  	(pc) =	sbr.rel $0x88, $3  }
0x1: {  	(tag) =	ssettag $0x0;
	lr =	simm.s32 $0x1  }
0x2: {  	[smem:$0x3F9B] =	sst lr;
	_ =	strace $0xD0000000  }
0x3: {  	_ = 	snop  }
0x4: {  	_ = 	snop  }
0x5: {  	_ = 	snop  }
0x6: {  	_ = 	snop  }
0x7: {  	_ = 	snop  }
__scs_overlays_trampoline_lowered:
0x8: {  	[smem:$0x3FAA] =	sst s0  }
0x9: {  	[smem:$0x3FAB] =	sst s1  }
0xa: {  	[smem:$0x3FAC] =	sst s2  }
0xb: {  	[smem:$0x3FAD] =	sst s3  }
0xc: {  	[smem:$0x3FAE] =	sst s4  }
0xd: {  	[smem:$0x3FAF] =	sst s5  }
0xe: {  	[smem:$0x3FB0] =	sst s6  }
0xf: {  	[smem:$0x3FB1] =	sst s7  }
0x10: {  	[smem:$0x3FB2] =	sst s8  }
0x11: {  	[smem:$0x3FB3] =	sst s9;
	s0 =	simm.s32 @!p0 $0x0  }
0x12: {  	s1 =	sld [smem:$0x3F99];
	s0 =	simm.s32 @p0 $0x1  }
0x13: {  	[smem:$0x3FB4] =	sst s0;
	s0 =	simm.s32 @!p1 $0x0  }
0x14: {  	s2 =	sld [smem:$0x3F98];
	s0 =	simm.s32 @p1 $0x1  }
0x15: {  	[smem:$0x3FB5] =	sst s0;
	s0 =	simm.s32 @!p2 $0x0  }
0x16: {  	s3 =	sld [smem:$0x3FDB];
	s0 =	simm.s32 @p2 $0x1  }
0x17: {  	s4 =	simm.s32 $0x1BF5;
	[smem:$0x3FB7] =	sst s0  }
0x18: {  	s0 =	sld [smem:$0x3F9A];
	_ =	swait.ge [sflag:s4], $0x0  }
0x19: {  	s7 =	sld [smem:$0x3F9B]  }
0x1a: {  	s8 =	sadd.s32 $0xFFFFE003, lr  }
0x1b: {  	s9 =	sadd.s32 $0xFFFFFEF7, lr;
	s5 =	simm.s32 $0xFFFFFFFF;
	p2 =	slt.u32 s8, $0xFFFFF086  }
0x1c: {  	p1 =	slt.u32 s9, $0xF7A;
	s5 =	simm.s32 @!p2 $0x0  }
0x1d: {  	s5 =	simm.s32 @p1 $0x1;
	p0 =	seq.s32 s7, s2  }
0x1e: {  	s7 =	smul.u32 @!p0 $0xF7A, s2;
	p2 =	seq.s32 @!p0 s5, $0x0  }
0x1f: {  	s9 =	smul.u32 $0xF7A, s1;
	s8 =	simm.s32 @!p0 $0x1BF5;
	p2 =	por !p2, p0  }
0x20: {  	[sflag:s8] =	ssyncset.s32 @!p0 $0xFFFFF086;
	s6 =	sadd.s32 @!p0 s3, s7;
	s7 =	simm.s32 @!p0 $0x108  }
0x21: {  	s3 =	sadd.s32 s3, s9;
	s6 =	sadd.s32 @!p0 $0x88, s6;
	s7 =	simm.s32 @p2 $0x1082  }
0x22: {  	[simem:s7], [sflag:s8] =	dma.local @!p0 [hbm:s6], $0xF7A  }
0x23: {  	s9 =	sor.u32 $0xD0000000, s2;
	s6 =	simm.s32 $0x108;
	_ =	swait.ge @!p0 [sflag:s8], $0x0  }
0x24: {  	s3 =	sadd.s32 $0x88, s3;
	s6 =	simm.s32 @!p1 $0x1082;
	[sflag:s4] =	ssyncset.s32 $0xFFFFF086  }
0x25: {  	[simem:s6], [sflag:s4] =	dma.local [hbm:s3], $0xF7A  }
0x26: {  	[smem:$0x3F9B] =	sst s1;
	(tag) =	ssettag s2;
	_ =	strace s9  }
0x27: {  	s1 =	sld [smem:$0x3FAB]  }
0x28: {  	s2 =	sld [smem:$0x3FAC]  }
0x29: {  	s4 =	sld [smem:$0x3FAE]  }
0x2a: {  	p0 =	seq.s32 s5, $0x0;
	s5 =	sld [smem:$0x3FAF]  }
0x2b: {  	s6 =	sld [smem:$0x3FB0]  }
0x2c: {  	s7 =	sld [smem:$0x3FB1]  }
0x2d: {  	s3 =	simm.s32 $0x108;
	s8 =	sld [smem:$0x3FB2]  }
0x2e: {  	s3 =	simm.s32 @!p0 $0x1082;
	s9 =	sld [smem:$0x3FB3]  }
0x2f: {  	lr =	sadd.s32 s0, s3;
	s0 =	sld [smem:$0x3FAA]  }
0x30: {  	s3 =	sld [smem:$0x3FAD]  }
0x31: {  	[smem:$0x3FB6] =	sst s10  }
0x32: {  	s10 =	sld [smem:$0x3FB4];
	_ =	sdelay $0x3  }
0x33: {  	p0 =	seq.s32 s10, $0x1;
	s10 =	sld [smem:$0x3FB6];
	_ =	sdelay $0x3  }
0x34: {  	[smem:$0x3FB6] =	sst s10  }
0x35: {  	s10 =	sld [smem:$0x3FB5];
	_ =	sdelay $0x3  }
0x36: {  	p1 =	seq.s32 s10, $0x1;
	s10 =	sld [smem:$0x3FB6];
	_ =	sdelay $0x3  }
0x37: {  	[smem:$0x3FB6] =	sst s10  }
0x38: {  	s10 =	sld [smem:$0x3FB7]  }
0x39: {  	_ = 	snop;
	(pc) =	sbr.ind lr, $3  }
0x3a: {  	_ = 	snop  }
0x3b: {  	_ = 	snop  }
0x3c: {  	p2 =	seq.s32 s10, $0x1;
	s10 =	sld [smem:$0x3FB6]  }
0x3d: {  	_ =	shalt  }
0x3e: {  	_ =	shalt  }
0x3f: {  	_ =	shalt  }
0x40: {  	_ =	shalt  }
0x41: {  	_ =	shalt  }
0x42: {  	_ =	shalt  }
0x43: {  	_ =	shalt  }
0x44: {  	_ =	shalt  }
0x45: {  	_ =	shalt  }
0x46: {  	_ =	shalt  }
0x47: {  	_ =	shalt  }
0x48: {  	_ =	shalt  }
0x49: {  	_ =	shalt  }
0x4a: {  	_ =	shalt  }
0x4b: {  	_ =	shalt  }
0x4c: {  	_ =	shalt  }
0x4d: {  	_ =	shalt  }
0x4e: {  	_ =	shalt  }
0x4f: {  	_ =	shalt  }
0x50: {  	_ =	shalt  }
0x51: {  	_ =	shalt  }
0x52: {  	_ =	shalt  }
0x53: {  	_ =	shalt  }
0x54: {  	_ =	shalt  }
0x55: {  	_ =	shalt  }
0x56: {  	_ =	shalt  }
0x57: {  	_ =	shalt  }
0x58: {  	_ =	shalt  }
0x59: {  	_ =	shalt  }
0x5a: {  	_ =	shalt  }
0x5b: {  	_ =	shalt  }
0x5c: {  	_ =	shalt  }
0x5d: {  	_ =	shalt  }
0x5e: {  	_ =	shalt  }
0x5f: {  	_ =	shalt  }
0x60: {  	_ =	shalt  }
0x61: {  	_ =	shalt  }
0x62: {  	_ =	shalt  }
0x63: {  	_ =	shalt  }
0x64: {  	_ =	shalt  }
0x65: {  	_ =	shalt  }
0x66: {  	_ =	shalt  }
0x67: {  	_ =	shalt  }
0x68: {  	_ =	shalt  }
0x69: {  	_ =	shalt  }
0x6a: {  	_ =	shalt  }
0x6b: {  	_ =	shalt  }
0x6c: {  	_ =	shalt  }
0x6d: {  	_ =	shalt  }
0x6e: {  	_ =	shalt  }
0x6f: {  	_ =	shalt  }
0x70: {  	_ =	shalt  }
0x71: {  	_ =	shalt  }
0x72: {  	_ =	shalt  }
0x73: {  	_ =	shalt  }
0x74: {  	_ =	shalt  }
0x75: {  	_ =	shalt  }
0x76: {  	_ =	shalt  }
0x77: {  	_ =	shalt  }
0x78: {  	_ =	shalt  }
0x79: {  	_ =	shalt  }
0x7a: {  	_ =	shalt  }
0x7b: {  	_ =	shalt  }
0x7c: {  	_ =	shalt  }
0x7d: {  	_ =	shalt  }
0x7e: {  	_ =	shalt  }
0x7f: {  	_ =	shalt  }
0x80: {  	_ =	shalt  }
0x81: {  	_ =	shalt  }
0x82: {  	_ =	shalt  }
0x83: {  	_ =	shalt  }
0x84: {  	_ =	shalt  }
0x85: {  	_ =	shalt  }
0x86: {  	_ =	shalt  }
0x87: {  	_ =	shalt  }
.Lfunc_end0:
.L_simem_size_0:
called_computation_lowered:
.L_overlay_start_0:
0x88: {  	s2 =	sld [smem:$0x3FD9]  }
0x89: {  	s3 =	sld [smem:$0x3FFE];
	_ =	sdelay $0x1  }
0x8a: {  	s1 =	srdreg.scid  }
0x8b: {  	s0 =	sand.u32 $0x1, s1  }
0x8c: {  	s17 =	sshll.u32 s0, $0xA;
	s2 =	sadd.s32 s3, s2  }
0x8d: {  	s2 =	sadd.s32 s2, s17  }
0x8e: {  	[smem:$0x3FC2] =	sst s2  }
0x8f: {  	_ = 	snop  }
0x90: {  	s2 =	sld [smem:$0x3FD0];
	(tm) =	ssettm $0x1  }
0x91: {  	s18 =	sld [smem:$0x3FFB];
	_ =	sdelay $0x3  }
0x92: {  	_ =	strace s18  }
0x93: {  	s3 =	sld [smem:$0x3FFC];
	_ =	sdelay $0x3  }
0x94: {  	_ =	strace s3  }
0x95: {  	s3 =	sld [smem:$0x3FFD];
	_ =	sdelay $0x3  }
0x96: {  	_ =	strace s3  }
0x97: {  	_ =	strace $0x8FFFFFFF  }
0x98: {  	s19 =	sld [smem:$0x3FDB];
	_ =	sdelay $0x1  }
0x99: {  	s4 =	simm.s32 $_scs_section_size  }
0x9a: {  	s5 =	simm.s32 $_size__tile_overlayer_lowered;
	s6 =	simm.s32 $_tile_overlayer_lowered  }
0x9b: {  	s22 =	simm.s32 $0x1BFF;
	s21 =	sshll.u32 s6, $0x1;
	s3 =	sadd.s32 s4, s19  }
0x9c: {  	s7 =	simm.s32 $0x0;
	s20 =	sshll.u32 s5, $0x1;
	s5 =	sadd.s32 s21, s3  }
0x9d: {  	[timem:s7], [sflag:s22] =	dma.local [hbm:s5], s20  }
0x9e: {  	_ =	swait.ge [sflag:s22], s20  }
0x9f: {  	s4 =	ssub.s32 $0x0, s20;
	[sflag:s22] =	ssyncset.done $0x0  }
0xa0: {  	[sflag:s22] =	ssyncadd.s32 s4;
	_ =	sdelay $0x1  }
0xa1: {  	s23 =	simm.s32 $0x1B8B  }
0xa2: {  	_ =	swait.ge [sflag:s23], $0x1  }
0xa3: {  	[sflag:s23] =	ssyncset.done $0x0  }
0xa4: {  	s25 =	simm.s32 $0x1B8E;
	s24 =	sld [smem:$0x3FFE];
	[sflag:s23] =	ssyncadd.s32 $0xFFFFFFFF  }
0xa5: {  	s26 =	simm.s32 $execute0_lowered;
	[smem:$0x3FD2] =	sst s25  }
0xa6: {  	s5 =	sshll.u32 s26, $0x1;
	_ =	strace $0x80000046;
	[dreg:$0x1] =	wrdreg $0xFFFFFFFF  }
0xa7: {  	s28 =	simm.s32 $_size_execute0_lowered;
	s3 =	sadd.s32 s3, s5;
	[dreg:$0x0] =	wrdreg $0x0  }
0xa8: {  	s5 =	sshll.u32 s28, $0x1;
	[dreg:$0x2] =	wrdreg s3  }
0xa9: {  	[dreg:$0x3] =	wrdreg s5  }
0xaa: {  	[dreg:$0x4] =	wrdreg $0xC0  }
0xab: {  	_ =	task [dreg:s7], $0x5FFFF  }
0xac: {  	[dreg:$0x1] =	wrdreg $0xFFFFFFFF  }
0xad: {  	[dreg:$0x0] =	wrdreg $0x60  }
0xae: {  	[dreg:$0x2] =	wrdreg s2  }
0xaf: {  	[dreg:$0x3] =	wrdreg s24  }
0xb0: {  	[dreg:$0x4] =	wrdreg $0x40800  }
0xb1: {  	[dreg:$0x5] =	wrdreg $0x9  }
0xb2: {  	_ =	task.clear_ibuf [dreg:s7], $0x6FFFF;
	_ =	strace $0x90000046  }
0xb3: {  	s29 =	simm.s32 $0x9;
	_ =	strace $0x80000048  }
0xb4: {  	_ =	swait.ge [sflag:s29], $0x1  }
0xb5: {  	[sflag:s29] =	ssyncadd.s32 $0xFFFFFFFF  }
0xb6: {  	_ =	strace $0x90000048  }
0xb7: {  	_ =	sfence  }
0xb8: {  	s30 =	sld [smem:$0x0];
	_ =	sdelay $0x2  }
0xb9: {  	s31 =	sshll.u32 s1, $0xD;
	s1 =	sshrl.u32 s1, $0x2  }
0xba: {  	s3 =	sand.u32 $0x4000, s31;
	s1 =	sadd.s32 s1, s30  }
0xbb: {  	s0 =	sor.u32 s3, s0;
	s1 =	sshll.u32 s1, $0x11  }
0xbc: {  	s0 =	sor.u32 s1, s0  }
0xbd: {  	s0 =	sadd.s32 $0x8F2B, s0  }
0xbe: {  	[sflag:s0] =	ssyncadd.remote.s32 $0x1  }
0xbf: {  	_ =	sfence.sel $0xFFFF  }
0xc0: {  	[dreg:$0x0] =	wrdreg $0xFFFFFFFF;
	(pc) =	sbr.abs _section_cstart, $3  }
0xc1: {  	[dreg:$0x1] =	wrdreg $0xFFFFFFFF  }
0xc2: {  	_ =	task.clear_ibuf [dreg:s7], $0x2FFFF;
	_ =	strace $0x9FFFFFFF  }
0xc3: {  	(tm) =	ssettm $0x7FFFFFFF  }
tec
execute0_lowered:
.L_overlay_start_1:
0x0: {  	(tag) =	ssettag $0x1  }
0x1: {  	s4 =	rddreg [dreg:$0x0]  }
0x2: {  	s1 =	srdreg.scid;
	s5 =	rddreg [dreg:$0x1]  }
0x3: {  	s0 =	stileid.u32;
	s2 =	rddreg [dreg:$0x2]  }
0x4: {  	s3 =	simm.s32 $0x0;
	s15 =	simm.s32 $0x2;
	s16 =	simm.s32 $0x4000  }
0x5: {  	s17 =	simm.s32 $0x50;
	s18 =	simm.s32 $0x1;
	s21 =	simm.s32 $0x20  }
0x6: {  	s22 =	simm.s32 $0x10;
	s6 =	sand.u32 $0x1, s1;
	s1 =	rddreg [dreg:$0x3]  }
0x7: {  	s23 =	simm.s32 $0x0;
	s7 =	smul.u32 $0x500, s0;
	[smem:$0x7FF] =	sst s3  }
0x8: {  	s29 =	smul.u32 $0xA00, s0;
	s9 =	sshll.u32 s0, $0xC;
	s19 =	sshll.u32 s0, $0x6  }
0x9: {  	s8 =	sshll.u32 s6, $0x7;
	_ =	strace $0x80000047;
	s30 =	ssub.s32 $0x2, s6  }
0xa: {  	s6 =	sshll.u32 s6, $0xB;
	s19 =	sor.u32 $0x1C02, s19;
	s7 =	sor.u32 s8, s7  }
0xb: {  	s31 =	sshrl.u32 s30, $0x1;
	s8 =	sshrl.u32 s29, $0x2;
	s6 =	sadd.s32 s4, s6  }
0xc: {  	s7 =	sshrl.u32 s7, $0x3;
	s4 =	sadd.s32 s8, s2;
	s14 =	ssub.s32 s30, s31  }
0xd: {  	s13 =	sadd.s32 s7, s5;
	s5 =	sadd.s32 s9, s6;
	s6 =	sadd.s32 $0x50, s4  }
0xe: {  	s7 =	sadd.s32 $0xA0, s4;
	s8 =	sadd.s32 $0xF0, s4;
	s9 =	sadd.s32 $0x140, s4  }
0xf: {  	s10 =	sadd.s32 $0x190, s4;
	s11 =	sadd.s32 $0x1E0, s4;
	s12 =	sadd.s32 $0x230, s4  }
0x10: {  	v0 =	vimm.f32 $0.0e+00;
	v1 =	vimm.f32 $1.000000000e+00;
	s14 =	smax.u32 s14, $0x1;
	s20 =	sshrl.u32 s4, $0x3;
	s13 =	sadd.s32 $0x16800, s13  }
.LBB2_1:
0x11: {  	[tilespmem:s3], [sflag:$0x2] =	stream.linear.gather [hbm4b:s5+s3], $0x3E80, $0x38;
	[tilespmem:$0x4300] =	vst v63  }
0x12: {  	_ =	swait.ge [sflag:s15], $0x3E80  }
0x13: {  	[sflag:s15] =	ssyncset.done $0x0  }
0x14: {  	[sflag:s15] =	ssyncadd.s32 $0xFFFFC180  }
0x15: {  	[tilespmem:$0x4000] =	vst v0  }
0x16: {  	[tilespmem:$0x4010] =	vst v0  }
0x17: {  	[tilespmem:$0x4020] =	vst v0  }
0x18: {  	[tilespmem:$0x4030] =	vst v0  }
0x19: {  	[tilespmem:$0x4040] =	vst v0  }
0x1a: {  	[spmem:s4] =	stream.linear.scatter [tilespmem:s16], [sflag:$0x2], $0x50, $0x38;
	[tilespmem:$0x4300] =	vst v63  }
0x1b: {  	_ =	swait.ge [sflag:s15], $0x50  }
0x1c: {  	[sflag:s15] =	ssyncset.done $0x0  }
0x1d: {  	[sflag:s15] =	ssyncadd.s32 $0xFFFFFFB0  }
0x1e: {  	[spmem:s6] =	stream.linear.scatter [tilespmem:s16], [sflag:$0x2], $0x50, $0x38;
	[tilespmem:$0x4300] =	vst v63  }
0x1f: {  	_ =	swait.ge [sflag:s15], $0x50  }
0x20: {  	[sflag:s15] =	ssyncset.done $0x0  }
0x21: {  	[sflag:s15] =	ssyncadd.s32 $0xFFFFFFB0  }
0x22: {  	[spmem:s7] =	stream.linear.scatter [tilespmem:s16], [sflag:$0x2], $0x50, $0x38;
	[tilespmem:$0x4300] =	vst v63  }
0x23: {  	_ =	swait.ge [sflag:s15], $0x50  }
0x24: {  	[sflag:s15] =	ssyncset.done $0x0  }
0x25: {  	[sflag:s15] =	ssyncadd.s32 $0xFFFFFFB0  }
0x26: {  	[spmem:s8] =	stream.linear.scatter [tilespmem:s16], [sflag:$0x2], $0x50, $0x38;
	[tilespmem:$0x4300] =	vst v63  }
0x27: {  	_ =	swait.ge [sflag:s15], $0x50  }
0x28: {  	[sflag:s15] =	ssyncset.done $0x0  }
0x29: {  	[sflag:s15] =	ssyncadd.s32 $0xFFFFFFB0  }
0x2a: {  	[spmem:s9] =	stream.linear.scatter [tilespmem:s16], [sflag:$0x2], $0x50, $0x38;
	[tilespmem:$0x4300] =	vst v63  }
0x2b: {  	_ =	swait.ge [sflag:s15], $0x50  }
0x2c: {  	[sflag:s15] =	ssyncset.done $0x0  }
0x2d: {  	[sflag:s15] =	ssyncadd.s32 $0xFFFFFFB0  }
0x2e: {  	[spmem:s10] =	stream.linear.scatter [tilespmem:s16], [sflag:$0x2], $0x50, $0x38;
	[tilespmem:$0x4300] =	vst v63  }
0x2f: {  	_ =	swait.ge [sflag:s15], $0x50  }
0x30: {  	[sflag:s15] =	ssyncset.done $0x0  }
0x31: {  	[sflag:s15] =	ssyncadd.s32 $0xFFFFFFB0  }
0x32: {  	[spmem:s11] =	stream.linear.scatter [tilespmem:s16], [sflag:$0x2], $0x50, $0x38;
	[tilespmem:$0x4300] =	vst v63  }
0x33: {  	_ =	swait.ge [sflag:s15], $0x50  }
0x34: {  	[sflag:s15] =	ssyncset.done $0x0  }
0x35: {  	[sflag:s15] =	ssyncadd.s32 $0xFFFFFFB0  }
0x36: {  	[spmem:s12] =	stream.linear.scatter [tilespmem:s16], [sflag:$0x2], $0x50, $0x38;
	[tilespmem:$0x4300] =	vst v63  }
0x37: {  	_ =	swait.ge [sflag:s15], $0x50  }
0x38: {  	[sflag:s15] =	ssyncset.done $0x0  }
0x39: {  	[sflag:s15] =	ssyncadd.s32 $0xFFFFFFB0  }
0x3a: {  	[tilespmem:$0x4000] =	vst v1  }
0x3b: {  	[tilespmem:$0x4010] =	vst v1  }
0x3c: {  	[tilespmem:$0x4020] =	vst v1  }
0x3d: {  	[tilespmem:$0x4030] =	vst v1  }
0x3e: {  	[tilespmem:$0x4040] =	vst v1  }
0x3f: {  	s24 =	simm.s32 $0x0;
	[bflag:$0x0] =	sbarrier.arrive $0xFFFF  }
.LBB2_2:
0x40: {  	p0 =	sne.s32 s24, $0xF800  }
.Ltmp0:
0x41: {  	_ = 	snop;
	(pc) =	sbr.rel @p0 .LBB2_2-.Ltmp0, $3  }
0x42: {  	_ =	sdelay $0x1  }
0x43: {  	s25 =	sshra.s32 s24, $0x2;
	s24 =	sadd.s32 $0x200, s24  }
0x44: {  	[spmem:s2] =	stream.indirect.scatter.add.f32 [tilespmem:s16], [sflag:$0x1], $0x1, s25, s17, $0xb8;
	[tilespmem:$0x4300] =	vst v63  }
0x45: {  	_ =	swait.ge [sflag:s18], $0x50  }
0x46: {  	s24 =	simm.s32 $0x7C;
	[sflag:s18] =	ssyncset.done $0x0  }
.LBB2_4:
0x47: {  	p0 =	sne.s32 s24, $0x1;
	s24 =	sadd.s32 $0xFFFFFFFF, s24;
	[sflag:s18] =	ssyncadd.s32 $0xFFFFFFB0  }
.Ltmp1:
0x48: {  	(pc) =	sbr.rel @p0 .LBB2_4-.Ltmp1, $3  }
0x49: {  	_ =	sdelay $0x1  }
0x4a: {  	_ =	swait.ge [sflag:s18], $0x50  }
0x4b: {  	[sflag:s18] =	ssyncset.done $0x0  }
0x4c: {  	s23 =	sadd.s32 $0x1, s23  }
0x4d: {  	[sflag:s18] =	ssyncadd.s32 $0xFFFFFFB0;
	p0 =	sne.s32 s23, s14  }
.Ltmp2:
0x4e: {  	[bflag:$0x0] =	sbarrier.arrive $0xFFFF;
	(pc) =	sbr.rel @p0 .LBB2_1-.Ltmp2, $4  }
0x4f: {  	[hbm:s13@s21], [sflag:s19] =	dma.strided [spmem:s20@s22], $0x50, s18, $0x10   }
0x50: {  	_ =	swait.ge [sflag:s15], $0x50  }
0x51: {  	[sflag:s15] =	ssyncset.done $0x0  }
0x52: {  	[sflag:s15] =	ssyncadd.s32 $0xFFFFFFB0  }
0x53: {  	_ =	sfence.sel $0x180000  }
0x54: {  	[bflag:$0x0] =	sbarrier.arrive $0xFFFF  }
0x55: {  	p0 =	sne.s32 s0, $0x0;
	_ =	strace $0x90000047  }
0x56: {  	s0 =	sadd.s32 @!p0 $0x100000, s1;
	[bflag:$0x2] =	sbarrier.arrive $0xFFFF  }
0x57: {  	[sflag:s0] =	ssyncadd.tile.s32 @!p0 $0x1;
	_ =	shalt  }
.Lfunc_end2:
_tile_overlayer_lowered:
.L_overlay_start_2:
0x58: {  	(tag) =	ssettag $0x2  }
0x59: {  	s0 =	rddreg [dreg:$0x0];
	s2 =	stileid.u32  }
0x5a: {  	s1 =	rddreg [dreg:$0x1];
	p0 =	sne.s32 s2, $0x0  }
0x5b: {  	s3 =	rddreg [dreg:$0x2];
	[bflag:$0x3] =	sbarrier.arrive $0xFFFF;
	s2 =	simm.s32 @!p0 $0x1C02  }
0x5c: {  	[timem:s3], [sflag:s2] =	dma.local @!p0 [hbm:s0], s1  }
0x5d: {  	s0 =	simm.s32 @!p0 $0x2  }
0x5e: {  	_ =	swait.ge @!p0 [sflag:s0], s1  }
0x5f: {  	s1 =	ssub.s32 @!p0 $0x0, s1;
	[sflag:s0] =	ssyncset.done @!p0 $0x0  }
0x60: {  	[sflag:s0] =	ssyncadd.s32 @!p0 s1  }
0x61: {  	[bflag:$0x3] =	sbarrier.arrive $0xFFFF  }
0x62: {  	_ =	shalt  }

</sc_bundles>
